<compile_context>
chip_gen: v7x
topology: tpu7x:2x2x1
jax: 0.10.2.dev20260603
libtpu: 0.0.44.dev20260713+nightly
codegen_flags: <defaults>
</compile_context>

<pallas_src>
import functools

import jax
import jax.numpy as jnp
from jax import lax
from jax.experimental import pallas as pl
from jax.experimental.pallas import tpu as pltpu
from jax.experimental.pallas import tpu_sc as plsc

B, C, N = 16, 3, 4096
LVL = 8
P = 64
LANES = 16
NCHUNK = N // LANES
NSROW = B * C
NREC = NSROW + P


def _iota():
    return lax.broadcasted_iota(jnp.int32, (LANES,), 0)


def _popcount32(v):
    v = v - (lax.shift_right_logical(v, 1) & 0x55555555)
    v = (v & 0x33333333) + (lax.shift_right_logical(v, 2) & 0x33333333)
    v = (v + lax.shift_right_logical(v, 4)) & 0x0F0F0F0F
    return lax.shift_right_logical(v * jnp.int32(0x01010101), 24)


def _set_bit(lo, hi, j):
    lo = lo | jnp.where(j < 32, lax.shift_left(jnp.int32(1), jnp.minimum(j, 31)), 0)
    hi = hi | jnp.where(j >= 32, lax.shift_left(jnp.int32(1), jnp.maximum(j - 32, 0)), 0)
    return lo, hi


def _tc_quant(x48, lev48):

    def body(x_ref, lev_ref, q_ref):
        x = x_ref[...]
        best = jnp.abs(x - lev_ref[:, 0:1])
        q = jnp.zeros(x.shape, jnp.int32)
        for l in range(1, LVL):
            d = jnp.abs(x - lev_ref[:, l : l + 1])
            take = d < best
            q = jnp.where(take, jnp.int32(l), q)
            best = jnp.where(take, d, best)
        q_ref[...] = q

    return pl.pallas_call(
        body,
        out_shape=jax.ShapeDtypeStruct((NSROW, N), jnp.int32),
    )(x48, lev48)


def _make_sc():
    mesh = plsc.VectorSubcoreMesh(core_axis_name="c", subcore_axis_name="s",
                                  num_cores=1)

    @functools.partial(
        pl.kernel,
        out_type=jax.ShapeDtypeStruct((B, P), jnp.float32),
        mesh=mesh,
        scratch_types=[
            pltpu.VMEM((N + 128,), jnp.int32),
            pltpu.VMEM((N,), jnp.int32),
            pltpu.VMEM((N,), jnp.int32),
            pltpu.VMEM((N + 128,), jnp.int32),
            pltpu.VMEM((N + 128,), jnp.int32),
            pltpu.VMEM((128,), jnp.int32),
            pltpu.VMEM((LANES,), jnp.int32),
            pltpu.VMEM((LANES,), jnp.float32),
            pltpu.VMEM_SHARED((NREC * LANES,), jnp.int32),
            pltpu.VMEM((NREC * LANES,), jnp.int32),
            pltpu.SemaphoreType.DMA,
            pltpu.SemaphoreType.DMA,
            pltpu.SemaphoreType.DMA,
            pltpu.SemaphoreType.DMA,
        ],
        compiler_params=pltpu.CompilerParams(needs_layout_passes=False),
    )
    def ccp(q_hbm, curve_hbm, pmap_hbm, out_hbm,
            curve_v, qrow0, qrow1, prow0, prow1, pres_v,
            stage_i, stage_f, recs_sh, recs_v,
            sem_s0, sem_s1, sem_p0, sem_p1):
        sid = lax.axis_index("s")
        iota = _iota()
        ones16 = jnp.full((LANES,), 1, jnp.int32)
        zeros16 = jnp.zeros((LANES,), jnp.int32)

        pltpu.sync_copy(curve_hbm, curve_v.at[pl.ds(0, N)])
        curve_v[pl.ds(N, LANES)] = zeros16

        def clear_presence():
            for j in range(P // LANES):
                pres_v[pl.ds(j * LANES, LANES)] = zeros16

        def emit_record(row, first, last):
            parts = []
            for j in range(P // LANES):
                pj = pres_v[pl.ds(j * LANES, LANES)]
                parts.append(jnp.sum(lax.shift_left(pj, iota)))
            lo = parts[0] | lax.shift_left(parts[1], 16)
            hi = parts[2] | lax.shift_left(parts[3], 16)
            rec = (jnp.where(iota == 0, lo, 0)
                   | jnp.where(iota == 1, hi, 0)
                   | jnp.where(iota == 2, first, 0)
                   | jnp.where(iota == 3, last, 0))
            stage_i[...] = rec
            pltpu.sync_copy(stage_i, recs_sh.at[pl.ds(row * LANES, LANES)])

        def do_s_row(qrow_v, r):
            clear_presence()

            @plsc.parallel_loop(0, NCHUNK, unroll=4)
            def _codes(i):
                base = i * LANES
                i0 = curve_v[pl.ds(base, LANES)]
                i1 = curve_v[pl.ds(base + 1, LANES)]
                q0 = plsc.load_gather(qrow_v, [i0])
                q1 = plsc.load_gather(qrow_v, [i1])
                code = q0 * LVL + q1
                msk = (base + iota) < (N - 1)
                plsc.store_scatter(pres_v, [code], ones16, mask=msk)

            q_head = plsc.load_gather(qrow_v, [curve_v[pl.ds(0, LANES)]])
            q_tail = plsc.load_gather(qrow_v, [curve_v[pl.ds(N - LANES, LANES)]])
            emit_record(r, q_head[0], q_tail[LANES - 1])

        def do_p_row(prow_v, p):
            clear_presence()

            @plsc.parallel_loop(0, NCHUNK, unroll=4)
            def _codes(i):
                base = i * LANES
                a = prow_v[pl.ds(base, LANES)]
                b2 = prow_v[pl.ds(base + 1, LANES)]
                code = a * LVL + b2
                msk = (base + iota) < (N - 1)
                plsc.store_scatter(pres_v, [code], ones16, mask=msk)

            p_head = prow_v[pl.ds(0, LANES)]
            p_tail = prow_v[pl.ds(N - LANES, LANES)]
            emit_record(NSROW + p, p_head[0], p_tail[LANES - 1])

        prow0[pl.ds(N, LANES)] = zeros16
        prow1[pl.ds(N, LANES)] = zeros16
        s_bufs = (qrow0, qrow1)
        s_sems = (sem_s0, sem_s1)
        dmas = {0: pltpu.async_copy(q_hbm.at[sid], qrow0, sem_s0)}
        for k in range(3):
            if k < 2:
                dmas[k + 1] = pltpu.async_copy(
                    q_hbm.at[sid + 16 * (k + 1)],
                    s_bufs[(k + 1) % 2], s_sems[(k + 1) % 2])
            dmas[k].wait()
            do_s_row(s_bufs[k % 2], sid + 16 * k)

        p_bufs = (prow0, prow1)
        p_sems = (sem_p0, sem_p1)
        pdmas = {0: pltpu.async_copy(
            pmap_hbm.at[sid * 4], prow0.at[pl.ds(0, N)], sem_p0)}
        for k in range(4):
            if k < 3:
                pdmas[k + 1] = pltpu.async_copy(
                    pmap_hbm.at[sid * 4 + k + 1],
                    p_bufs[(k + 1) % 2].at[pl.ds(0, N)], p_sems[(k + 1) % 2])
            pdmas[k].wait()
            do_p_row(p_bufs[k % 2], sid * 4 + k)

        plsc.subcore_barrier()

        pltpu.sync_copy(recs_sh, recs_v)

        b = sid
        r0 = b * C
        rec0 = recs_v[pl.ds(r0 * LANES, LANES)]
        rec1 = recs_v[pl.ds((r0 + 1) * LANES, LANES)]
        rec2 = recs_v[pl.ds((r0 + 2) * LANES, LANES)]
        lo = rec0[0] | rec1[0] | rec2[0]
        hi = rec0[1] | rec1[1] | rec2[1]
        j1 = rec0[3] * LVL + rec1[2]
        j2 = rec1[3] * LVL + rec2[2]
        lo, hi = _set_bit(lo, hi, j1)
        lo, hi = _set_bit(lo, hi, j2)
        s_last = rec2[3]
        lo_v = jnp.broadcast_to(lo, (LANES,))
        hi_v = jnp.broadcast_to(hi, (LANES,))
        cs = (_popcount32(lo_v) + _popcount32(hi_v)).astype(jnp.float32)

        def combine(pv, carry):
            rows = (NSROW + pv * LANES + iota) * LANES
            p_lo = plsc.load_gather(recs_v, [rows])
            p_hi = plsc.load_gather(recs_v, [rows + 1])
            p_first = plsc.load_gather(recs_v, [rows + 2])

            u_lo = p_lo | lo_v
            u_hi = p_hi | hi_v
            pc = _popcount32(u_lo) + _popcount32(u_hi)
            j = s_last * LVL + p_first
            bit = jnp.where(
                j < 32,
                lax.shift_right_logical(u_lo, jnp.minimum(j, 31)) & 1,
                lax.shift_right_logical(u_hi, jnp.maximum(j - 32, 0)) & 1,
            )
            csp = (pc + 1 - bit).astype(jnp.float32)
            cp = (_popcount32(p_lo) + _popcount32(p_hi)).astype(jnp.float32)
            ncd = (csp - jnp.minimum(cs, cp)) / jnp.maximum(cs, cp)
            stage_f[...] = ncd
            pltpu.sync_copy(stage_f, out_hbm.at[b, pl.ds(pv * LANES, LANES)])
            return carry

        lax.fori_loop(0, 4, combine, None)

    return ccp


@functools.cache
def _get_sc():
    return _make_sc()


def kernel(x, curve, levels, pmap):
    x48 = x.reshape(NSROW, N)
    lev48 = jnp.tile(levels.astype(jnp.float32), (B, 1))
    pf = pmap.reshape(-1, pmap.shape[-1]).astype(jnp.int32)
    q48 = _tc_quant(x48, lev48)
    return _get_sc()(q48, curve.astype(jnp.int32), pf)

# --- scband reference (transcript-rebuilt; emitter-appended) ---
"""Pipeline reference for scband-ccp-8873402433933 (READ-ONLY COPY).

The authoritative reference and input builder live on the scoring server;
editing this copy changes nothing except your own understanding.
"""

import jax, jax.numpy as jnp
import numpy as np

B, C, H, W = 16, 3, 64, 64
N = H * W
L = 8
P0, P1 = 8, 8


def setup_inputs(seed: int = 0) -> dict:
    key = jax.random.key(seed)
    k1, k2, k3, k4 = jax.random.split(key, 4)
    x = jax.random.normal(k1, (B, C, H, W), dtype=jnp.float32)
    # space-filling curve: a permutation of the H*W spatial positions
    curve = jax.random.permutation(k2, N).astype(jnp.int32)
    # per-channel quantization levels, sorted along level axis
    levels = jnp.sort(jax.random.normal(k3, (C, L), dtype=jnp.float32), axis=1)
    # prototype maps: integer symbol strings in [0, L)
    pmap = jax.random.randint(k4, (P0, P1, N), 0, L).astype(jnp.int32)
    return {"x": x, "curve": curve, "levels": levels, "pmap": pmap}


def _cnt(s, K):
    # compression-complexity proxy: number of distinct bigrams (stand-in for
    # LZW dictionary size computed by the original custom CUDA kernel)
    codes = s[:-1].astype(jnp.int32) * K + s[1:].astype(jnp.int32)
    srt = jnp.sort(codes)
    return 1 + jnp.sum((srt[1:] != srt[:-1]).astype(jnp.int32))


def reference(x, curve, levels, pmap):
    b = x.shape[0]
    out = x.reshape(b, x.shape[1], -1)
    out = out[:, :, curve]
    # quantize each value to nearest per-channel level (argmin over levels)
    d = jnp.abs(out[:, :, None, :] - levels[None, :, :, None])
    strings = jnp.argmin(d, axis=2).astype(jnp.int32)  # [B, C, N]
    K = levels.shape[1]
    s_flat = strings.reshape(b, -1)                      # [B, C*N]
    p_flat = pmap.reshape(-1, pmap.shape[-1]).astype(jnp.int32)  # [P0*P1, N]

    Cs = jax.vmap(lambda s: _cnt(s, K))(s_flat)          # [B]
    Cp = jax.vmap(lambda p: _cnt(p, K))(p_flat)          # [P]

    def pair(s, p):
        return _cnt(jnp.concatenate([s, p]), K)

    Csp = jax.vmap(lambda s: jax.vmap(lambda p: pair(s, p))(p_flat))(s_flat)  # [B, P]

    Cs_f = Cs.astype(jnp.float32)[:, None]
    Cp_f = Cp.astype(jnp.float32)[None, :]
    ncds = (Csp.astype(jnp.float32) - jnp.minimum(Cs_f, Cp_f)) / jnp.maximum(Cs_f, Cp_f)
    return ncds.reshape(b, -1)  # [B, P0*P1]

if __name__ == "__main__":
    import jax
    _d = setup_inputs()
    print(jax.jit(kernel)(*tuple(_d.values())))

</pallas_src>

<mosaic_0001>
#map = affine_map<(d0, d1) -> (0, 0)>
#map1 = affine_map<(d0, d1) -> (0)>
module attributes {stable_mosaic.version = 14 : i64} {
  func.func @ccp(%arg0: i32, %arg1: i32, %arg2: memref<48x4096xi32, #tpu.memory_space<hbm>>, %arg3: memref<4096xi32, #tpu.memory_space<hbm>>, %arg4: memref<64x4096xi32, #tpu.memory_space<hbm>>, %arg5: memref<16x64xf32, #tpu.memory_space<hbm>>, %arg6: memref<4224xi32, #tpu.memory_space<vmem>>, %arg7: memref<4096xi32, #tpu.memory_space<vmem>>, %arg8: memref<4096xi32, #tpu.memory_space<vmem>>, %arg9: memref<4224xi32, #tpu.memory_space<vmem>>, %arg10: memref<4224xi32, #tpu.memory_space<vmem>>, %arg11: memref<128xi32, #tpu.memory_space<vmem>>, %arg12: memref<16xi32, #tpu.memory_space<vmem>>, %arg13: memref<16xf32, #tpu.memory_space<vmem>>, %arg14: memref<1792xi32, #tpu.memory_space<vmem_shared>>, %arg15: memref<1792xi32, #tpu.memory_space<vmem>>, %arg16: memref<!tpu.dma_semaphore, #tpu.memory_space<semaphore_mem>>, %arg17: memref<!tpu.dma_semaphore, #tpu.memory_space<semaphore_mem>>, %arg18: memref<!tpu.dma_semaphore, #tpu.memory_space<semaphore_mem>>, %arg19: memref<!tpu.dma_semaphore, #tpu.memory_space<semaphore_mem>>) attributes {dimension_semantics = [#tpu.dimension_semantics<core_parallel>, #tpu.dimension_semantics<subcore_parallel>], iteration_bounds = array<i64: 1, 16>, scalar_prefetch = 0 : i64, scratch_operands = 14 : i64, tpu.core_type = #tpu.core_type<sc_vector_subcore>, window_params = [{transform_indices = #map}, {transform_indices = #map1}, {transform_indices = #map}, {transform_indices = #map}]} {
    %iota3A = tpu.iota {dimensions = array<i32: 0>} : vector<16xi32>
    %broadcast_in_dim3A = arith.constant 1 : i32
    %broadcast_in_dim3A_0 = vector.broadcast %broadcast_in_dim3A : i32 to vector<16xi32>
    %broadcast_in_dim3A_1 = arith.constant 0 : i32
    %broadcast_in_dim3A_2 = vector.broadcast %broadcast_in_dim3A_1 : i32 to vector<16xi32>
    "tpu.region"() ({
      %run_scoped3A = tpu.sem_alloc : memref<!tpu.dma_semaphore, #tpu.memory_space<semaphore_mem>>
      %dma_start3A_935 = arith.constant 0 : i32
      %dma_start3A_936 = tpu.memref_slice %arg6[%dma_start3A_935] : memref<4224xi32, #tpu.memory_space<vmem>> -> memref<4096xi32, #tpu.memory_space<vmem>>
      %dma_start3A_937 = arith.constant 0 : i32
      %dma_start3A_938 = tpu.memref_slice %arg6[%dma_start3A_937] : memref<4224xi32, #tpu.memory_space<vmem>> -> memref<4096xi32, #tpu.memory_space<vmem>>
      tpu.enqueue_dma source(%arg3 : memref<4096xi32, #tpu.memory_space<hbm>>) target(%dma_start3A_938 : memref<4096xi32, #tpu.memory_space<vmem>>) target_semaphore(%run_scoped3A : memref<!tpu.dma_semaphore, #tpu.memory_space<semaphore_mem>>)
      %dma_wait3A_939 = arith.constant 0 : i32
      %dma_wait3A_940 = tpu.memref_slice %arg6[%dma_wait3A_939] : memref<4224xi32, #tpu.memory_space<vmem>> -> memref<4096xi32, #tpu.memory_space<vmem>>
      %dma_wait3A_941 = arith.constant 0 : i32
      %dma_wait3A_942 = tpu.memref_slice %arg6[%dma_wait3A_941] : memref<4224xi32, #tpu.memory_space<vmem>> -> memref<4096xi32, #tpu.memory_space<vmem>>
      tpu.wait_dma2 semaphore(%run_scoped3A : memref<!tpu.dma_semaphore, #tpu.memory_space<semaphore_mem>>) src(%arg3 : memref<4096xi32, #tpu.memory_space<hbm>>) dst(%dma_wait3A_942 : memref<4096xi32, #tpu.memory_space<vmem>>)
      tpu.yield
    }) : () -> ()
    %swap3A = arith.constant 4096 : index
    %swap3A_3 = tpu.vector_load %arg6[%swap3A] {strides = array<i32>} : memref<4224xi32, #tpu.memory_space<vmem>>, vector<16xi32>,
    tpu.vector_store %arg6[%swap3A], %broadcast_in_dim3A_2 {strides = array<i32>} : memref<4224xi32, #tpu.memory_space<vmem>>, vector<16xi32>,
    %swap3A_4 = arith.constant 4096 : index
    %swap3A_5 = tpu.vector_load %arg9[%swap3A_4] {strides = array<i32>} : memref<4224xi32, #tpu.memory_space<vmem>>, vector<16xi32>,
    tpu.vector_store %arg9[%swap3A_4], %broadcast_in_dim3A_2 {strides = array<i32>} : memref<4224xi32, #tpu.memory_space<vmem>>, vector<16xi32>,
    %swap3A_6 = arith.constant 4096 : index
    %swap3A_7 = tpu.vector_load %arg10[%swap3A_6] {strides = array<i32>} : memref<4224xi32, #tpu.memory_space<vmem>>, vector<16xi32>,
    tpu.vector_store %arg10[%swap3A_6], %broadcast_in_dim3A_2 {strides = array<i32>} : memref<4224xi32, #tpu.memory_space<vmem>>, vector<16xi32>,
    %dma_start3A = arith.constant 0 : i32
    %dma_start3A_8 = tpu.memref_slice %arg2[%arg1, %dma_start3A] : memref<48x4096xi32, #tpu.memory_space<hbm>> -> memref<1x4096xi32, #tpu.memory_space<hbm>>
    %dma_start3A_9 = tpu.memref_squeeze %dma_start3A_8 : memref<1x4096xi32, #tpu.memory_space<hbm>> -> memref<4096xi32, #tpu.memory_space<hbm>>
    %dma_start3A_10 = arith.constant 0 : i32
    %dma_start3A_11 = tpu.memref_slice %arg2[%arg1, %dma_start3A_10] : memref<48x4096xi32, #tpu.memory_space<hbm>> -> memref<1x4096xi32, #tpu.memory_space<hbm>>
    %dma_start3A_12 = tpu.memref_squeeze %dma_start3A_11 : memref<1x4096xi32, #tpu.memory_space<hbm>> -> memref<4096xi32, #tpu.memory_space<hbm>>
    tpu.enqueue_dma source(%dma_start3A_12 : memref<4096xi32, #tpu.memory_space<hbm>>) target(%arg7 : memref<4096xi32, #tpu.memory_space<vmem>>) target_semaphore(%arg16 : memref<!tpu.dma_semaphore, #tpu.memory_space<semaphore_mem>>)
    %add3A = arith.constant 16 : i32
    %add3A_13 = arith.addi %arg1, %add3A : i32
    %dma_start3A_14 = arith.constant 0 : i32
    %dma_start3A_15 = tpu.memref_slice %arg2[%add3A_13, %dma_start3A_14] : memref<48x4096xi32, #tpu.memory_space<hbm>> -> memref<1x4096xi32, #tpu.memory_space<hbm>>
    %dma_start3A_16 = tpu.memref_squeeze %dma_start3A_15 : memref<1x4096xi32, #tpu.memory_space<hbm>> -> memref<4096xi32, #tpu.memory_space<hbm>>
    %dma_start3A_17 = arith.constant 0 : i32
    %dma_start3A_18 = tpu.memref_slice %arg2[%add3A_13, %dma_start3A_17] : memref<48x4096xi32, #tpu.memory_space<hbm>> -> memref<1x4096xi32, #tpu.memory_space<hbm>>
    %dma_start3A_19 = tpu.memref_squeeze %dma_start3A_18 : memref<1x4096xi32, #tpu.memory_space<hbm>> -> memref<4096xi32, #tpu.memory_space<hbm>>
    tpu.enqueue_dma source(%dma_start3A_19 : memref<4096xi32, #tpu.memory_space<hbm>>) target(%arg8 : memref<4096xi32, #tpu.memory_space<vmem>>) target_semaphore(%arg17 : memref<!tpu.dma_semaphore, #tpu.memory_space<semaphore_mem>>)
    %dma_wait3A = arith.constant 0 : i32
    %dma_wait3A_20 = tpu.memref_slice %arg2[%arg1, %dma_wait3A] : memref<48x4096xi32, #tpu.memory_space<hbm>> -> memref<1x4096xi32, #tpu.memory_space<hbm>>
    %dma_wait3A_21 = tpu.memref_squeeze %dma_wait3A_20 : memref<1x4096xi32, #tpu.memory_space<hbm>> -> memref<4096xi32, #tpu.memory_space<hbm>>
    %dma_wait3A_22 = arith.constant 0 : i32
    %dma_wait3A_23 = tpu.memref_slice %arg2[%arg1, %dma_wait3A_22] : memref<48x4096xi32, #tpu.memory_space<hbm>> -> memref<1x4096xi32, #tpu.memory_space<hbm>>
    %dma_wait3A_24 = tpu.memref_squeeze %dma_wait3A_23 : memref<1x4096xi32, #tpu.memory_space<hbm>> -> memref<4096xi32, #tpu.memory_space<hbm>>
    tpu.wait_dma2 semaphore(%arg16 : memref<!tpu.dma_semaphore, #tpu.memory_space<semaphore_mem>>) src(%dma_wait3A_24 : memref<4096xi32, #tpu.memory_space<hbm>>) dst(%arg7 : memref<4096xi32, #tpu.memory_space<vmem>>)
    %add3A_25 = arith.constant 0 : i32
    %add3A_26 = arith.addi %arg1, %add3A_25 : i32
    %swap3A_27 = arith.constant 0 : index
    %swap3A_28 = tpu.vector_load %arg11[%swap3A_27] {strides = array<i32>} : memref<128xi32, #tpu.memory_space<vmem>>, vector<16xi32>,
    tpu.vector_store %arg11[%swap3A_27], %broadcast_in_dim3A_2 {strides = array<i32>} : memref<128xi32, #tpu.memory_space<vmem>>, vector<16xi32>,
    %swap3A_29 = arith.constant 16 : index
    %swap3A_30 = tpu.vector_load %arg11[%swap3A_29] {strides = array<i32>} : memref<128xi32, #tpu.memory_space<vmem>>, vector<16xi32>,
    tpu.vector_store %arg11[%swap3A_29], %broadcast_in_dim3A_2 {strides = array<i32>} : memref<128xi32, #tpu.memory_space<vmem>>, vector<16xi32>,
    %swap3A_31 = arith.constant 32 : index
    %swap3A_32 = tpu.vector_load %arg11[%swap3A_31] {strides = array<i32>} : memref<128xi32, #tpu.memory_space<vmem>>, vector<16xi32>,
    tpu.vector_store %arg11[%swap3A_31], %broadcast_in_dim3A_2 {strides = array<i32>} : memref<128xi32, #tpu.memory_space<vmem>>, vector<16xi32>,
    %swap3A_33 = arith.constant 48 : index
    %swap3A_34 = tpu.vector_load %arg11[%swap3A_33] {strides = array<i32>} : memref<128xi32, #tpu.memory_space<vmem>>, vector<16xi32>,
    tpu.vector_store %arg11[%swap3A_33], %broadcast_in_dim3A_2 {strides = array<i32>} : memref<128xi32, #tpu.memory_space<vmem>>, vector<16xi32>,
    %parallel_loop3A = arith.constant 0 : i32
    %parallel_loop3A_35 = arith.constant 256 : i32
    %parallel_loop3A_36 = arith.constant 1 : i32
    scf.for %parallel_loop3A_935 = %parallel_loop3A to %parallel_loop3A_35 step %parallel_loop3A_36  : i32 {
      %parallel_loop3A_936 = arith.constant 16 : i32
      %parallel_loop3A_937 = arith.muli %parallel_loop3A_935, %parallel_loop3A_936 : i32
      %parallel_loop3A_938 = arith.index_cast %parallel_loop3A_937 : i32 to index
      %parallel_loop3A_939 = tpu.vector_load %arg6[%parallel_loop3A_938] {strides = array<i32>} : memref<4224xi32, #tpu.memory_space<vmem>>, vector<16xi32>,
      %parallel_loop3A_940 = arith.constant 1 : i32
      %parallel_loop3A_941 = arith.addi %parallel_loop3A_937, %parallel_loop3A_940 : i32
      %parallel_loop3A_942 = arith.index_cast %parallel_loop3A_941 : i32 to index
      %parallel_loop3A_943 = tpu.vector_load %arg6[%parallel_loop3A_942] {strides = array<i32>} : memref<4224xi32, #tpu.memory_space<vmem>>, vector<16xi32>,
      %parallel_loop3A_944 = tpu.vector_load_idx %arg7[%parallel_loop3A_939] : memref<4096xi32, #tpu.memory_space<vmem>>[vector<16xi32>], vector<16xi32>,
      %parallel_loop3A_945 = tpu.vector_load_idx %arg7[%parallel_loop3A_943] : memref<4096xi32, #tpu.memory_space<vmem>>[vector<16xi32>], vector<16xi32>,
      %parallel_loop3A_946 = arith.constant 8 : i32
      %parallel_loop3A_947 = vector.broadcast %parallel_loop3A_946 : i32 to vector<16xi32>
      %parallel_loop3A_948 = arith.muli %parallel_loop3A_944, %parallel_loop3A_947 : vector<16xi32>
      %parallel_loop3A_949 = arith.addi %parallel_loop3A_948, %parallel_loop3A_945 : vector<16xi32>
      %parallel_loop3A_950 = vector.broadcast %parallel_loop3A_937 : i32 to vector<16xi32>
      %parallel_loop3A_951 = arith.addi %parallel_loop3A_950, %iota3A : vector<16xi32>
      %parallel_loop3A_952 = arith.constant 4095 : i32
      %parallel_loop3A_953 = vector.broadcast %parallel_loop3A_952 : i32 to vector<16xi32>
      %parallel_loop3A_954 = arith.cmpi slt, %parallel_loop3A_951, %parallel_loop3A_953 : vector<16xi32>
      tpu.vector_store_idx %arg11[%parallel_loop3A_949], %broadcast_in_dim3A_0 masked %parallel_loop3A_954 : memref<128xi32, #tpu.memory_space<vmem>>[vector<16xi32>], vector<16xi32>, vector<16xi1>
    } {sc.loop_unroll_factor = 4 : i64, sc.parallel_access}
    %get3A = arith.constant 0 : index
    %get3A_37 = tpu.vector_load %arg6[%get3A] {strides = array<i32>} : memref<4224xi32, #tpu.memory_space<vmem>>, vector<16xi32>,
    %gather3A = tpu.vector_load_idx %arg7[%get3A_37] : memref<4096xi32, #tpu.memory_space<vmem>>[vector<16xi32>], vector<16xi32>,
    %get3A_38 = arith.constant 4080 : index
    %get3A_39 = tpu.vector_load %arg6[%get3A_38] {strides = array<i32>} : memref<4224xi32, #tpu.memory_space<vmem>>, vector<16xi32>,
    %gather3A_40 = tpu.vector_load_idx %arg7[%get3A_39] : memref<4096xi32, #tpu.memory_space<vmem>>[vector<16xi32>], vector<16xi32>,
    %slice3A = vector.extract_strided_slice %gather3A {offsets = [0], sizes = [1], strides = [1]} : vector<16xi32> to vector<1xi32>
    %squeeze3A = vector.extract %slice3A[0] : i32 from vector<1xi32>
    %slice3A_41 = vector.extract_strided_slice %gather3A_40 {offsets = [15], sizes = [1], strides = [1]} : vector<16xi32> to vector<1xi32>
    %squeeze3A_42 = vector.extract %slice3A_41[0] : i32 from vector<1xi32>
    %get3A_43 = arith.constant 0 : index
    %get3A_44 = tpu.vector_load %arg11[%get3A_43] {strides = array<i32>} : memref<128xi32, #tpu.memory_space<vmem>>, vector<16xi32>,
    %shift_left3A = arith.shli %get3A_44, %iota3A : vector<16xi32>
    %reduce_sum3A = arith.constant true
    %reduce_sum3A_45 = vector.broadcast %reduce_sum3A : i1 to vector<16xi1>
    %reduce_sum3A_46 = tpu.scan <sum>, %shift_left3A masked %reduce_sum3A_45 : vector<16xi32>, vector<16xi1> -> vector<16xi32>
    %reduce_sum3A_47 = vector.extract %reduce_sum3A_46[15] : i32 from vector<16xi32>
    %get3A_48 = arith.constant 16 : index
    %get3A_49 = tpu.vector_load %arg11[%get3A_48] {strides = array<i32>} : memref<128xi32, #tpu.memory_space<vmem>>, vector<16xi32>,
    %shift_left3A_50 = arith.shli %get3A_49, %iota3A : vector<16xi32>
    %reduce_sum3A_51 = arith.constant true
    %reduce_sum3A_52 = vector.broadcast %reduce_sum3A_51 : i1 to vector<16xi1>
    %reduce_sum3A_53 = tpu.scan <sum>, %shift_left3A_50 masked %reduce_sum3A_52 : vector<16xi32>, vector<16xi1> -> vector<16xi32>
    %reduce_sum3A_54 = vector.extract %reduce_sum3A_53[15] : i32 from vector<16xi32>
    %get3A_55 = arith.constant 32 : index
    %get3A_56 = tpu.vector_load %arg11[%get3A_55] {strides = array<i32>} : memref<128xi32, #tpu.memory_space<vmem>>, vector<16xi32>,
    %shift_left3A_57 = arith.shli %get3A_56, %iota3A : vector<16xi32>
    %reduce_sum3A_58 = arith.constant true
    %reduce_sum3A_59 = vector.broadcast %reduce_sum3A_58 : i1 to vector<16xi1>
    %reduce_sum3A_60 = tpu.scan <sum>, %shift_left3A_57 masked %reduce_sum3A_59 : vector<16xi32>, vector<16xi1> -> vector<16xi32>
    %reduce_sum3A_61 = vector.extract %reduce_sum3A_60[15] : i32 from vector<16xi32>
    %get3A_62 = arith.constant 48 : index
    %get3A_63 = tpu.vector_load %arg11[%get3A_62] {strides = array<i32>} : memref<128xi32, #tpu.memory_space<vmem>>, vector<16xi32>,
    %shift_left3A_64 = arith.shli %get3A_63, %iota3A : vector<16xi32>
    %reduce_sum3A_65 = arith.constant true
    %reduce_sum3A_66 = vector.broadcast %reduce_sum3A_65 : i1 to vector<16xi1>
    %reduce_sum3A_67 = tpu.scan <sum>, %shift_left3A_64 masked %reduce_sum3A_66 : vector<16xi32>, vector<16xi1> -> vector<16xi32>
    %reduce_sum3A_68 = vector.extract %reduce_sum3A_67[15] : i32 from vector<16xi32>
    %shift_left3A_69 = arith.constant 16 : i32
    %shift_left3A_70 = arith.shli %reduce_sum3A_54, %shift_left3A_69 : i32
    %or3A = arith.ori %reduce_sum3A_47, %shift_left3A_70 : i32
    %shift_left3A_71 = arith.constant 16 : i32
    %shift_left3A_72 = arith.shli %reduce_sum3A_68, %shift_left3A_71 : i32
    %or3A_73 = arith.ori %reduce_sum3A_61, %shift_left3A_72 : i32
    %eq3A = arith.constant 0 : i32
    %eq3A_74 = vector.broadcast %eq3A : i32 to vector<16xi32>
    %eq3A_75 = arith.cmpi eq, %iota3A, %eq3A_74 : vector<16xi32>
    %jit3A = arith.constant 0 : i32
    %broadcast_in_dim3A_76 = vector.broadcast %or3A : i32 to vector<16xi32>
    %broadcast_in_dim3A_77 = vector.broadcast %jit3A : i32 to vector<16xi32>
    %select_n3A = arith.select %eq3A_75, %broadcast_in_dim3A_76, %broadcast_in_dim3A_77 : vector<16xi1>, vector<16xi32>
    %eq3A_78 = arith.constant 1 : i32
    %eq3A_79 = vector.broadcast %eq3A_78 : i32 to vector<16xi32>
    %eq3A_80 = arith.cmpi eq, %iota3A, %eq3A_79 : vector<16xi32>
    %jit3A_81 = arith.constant 0 : i32
    %broadcast_in_dim3A_82 = vector.broadcast %or3A_73 : i32 to vector<16xi32>
    %broadcast_in_dim3A_83 = vector.broadcast %jit3A_81 : i32 to vector<16xi32>
    %select_n3A_84 = arith.select %eq3A_80, %broadcast_in_dim3A_82, %broadcast_in_dim3A_83 : vector<16xi1>, vector<16xi32>
    %or3A_85 = arith.ori %select_n3A, %select_n3A_84 : vector<16xi32>
    %eq3A_86 = arith.constant 2 : i32
    %eq3A_87 = vector.broadcast %eq3A_86 : i32 to vector<16xi32>
    %eq3A_88 = arith.cmpi eq, %iota3A, %eq3A_87 : vector<16xi32>
    %jit3A_89 = arith.constant 0 : i32
    %broadcast_in_dim3A_90 = vector.broadcast %squeeze3A : i32 to vector<16xi32>
    %broadcast_in_dim3A_91 = vector.broadcast %jit3A_89 : i32 to vector<16xi32>
    %select_n3A_92 = arith.select %eq3A_88, %broadcast_in_dim3A_90, %broadcast_in_dim3A_91 : vector<16xi1>, vector<16xi32>
    %or3A_93 = arith.ori %or3A_85, %select_n3A_92 : vector<16xi32>
    %eq3A_94 = arith.constant 3 : i32
    %eq3A_95 = vector.broadcast %eq3A_94 : i32 to vector<16xi32>
    %eq3A_96 = arith.cmpi eq, %iota3A, %eq3A_95 : vector<16xi32>
    %jit3A_97 = arith.constant 0 : i32
    %broadcast_in_dim3A_98 = vector.broadcast %squeeze3A_42 : i32 to vector<16xi32>
    %broadcast_in_dim3A_99 = vector.broadcast %jit3A_97 : i32 to vector<16xi32>
    %select_n3A_100 = arith.select %eq3A_96, %broadcast_in_dim3A_98, %broadcast_in_dim3A_99 : vector<16xi1>, vector<16xi32>
    %or3A_101 = arith.ori %or3A_93, %select_n3A_100 : vector<16xi32>
    %swap3A_102 = arith.constant 0 : index
    %swap3A_103 = tpu.vector_load %arg12[%swap3A_102] {strides = array<i32>} : memref<16xi32, #tpu.memory_space<vmem>>, vector<16xi32>,
    tpu.vector_store %arg12[%swap3A_102], %or3A_101 {strides = array<i32>} : memref<16xi32, #tpu.memory_space<vmem>>, vector<16xi32>,
    %mul3A = arith.constant 16 : i32
    %mul3A_104 = arith.muli %add3A_26, %mul3A : i32
    "tpu.region"() ({
      %run_scoped3A = tpu.sem_alloc : memref<!tpu.dma_semaphore, #tpu.memory_space<semaphore_mem>>
      %dma_start3A_935 = tpu.memref_slice %arg14[%mul3A_104] : memref<1792xi32, #tpu.memory_space<vmem_shared>> -> memref<16xi32, #tpu.memory_space<vmem_shared>>
      %dma_start3A_936 = tpu.memref_slice %arg14[%mul3A_104] : memref<1792xi32, #tpu.memory_space<vmem_shared>> -> memref<16xi32, #tpu.memory_space<vmem_shared>>
      tpu.enqueue_dma source(%arg12 : memref<16xi32, #tpu.memory_space<vmem>>) target(%dma_start3A_936 : memref<16xi32, #tpu.memory_space<vmem_shared>>) target_semaphore(%run_scoped3A : memref<!tpu.dma_semaphore, #tpu.memory_space<semaphore_mem>>)
      %dma_wait3A_937 = tpu.memref_slice %arg14[%mul3A_104] : memref<1792xi32, #tpu.memory_space<vmem_shared>> -> memref<16xi32, #tpu.memory_space<vmem_shared>>
      %dma_wait3A_938 = tpu.memref_slice %arg14[%mul3A_104] : memref<1792xi32, #tpu.memory_space<vmem_shared>> -> memref<16xi32, #tpu.memory_space<vmem_shared>>
      tpu.wait_dma2 semaphore(%run_scoped3A : memref<!tpu.dma_semaphore, #tpu.memory_space<semaphore_mem>>) src(%arg12 : memref<16xi32, #tpu.memory_space<vmem>>) dst(%dma_wait3A_938 : memref<16xi32, #tpu.memory_space<vmem_shared>>)
      tpu.yield
    }) : () -> ()
    %add3A_105 = arith.constant 32 : i32
    %add3A_106 = arith.addi %arg1, %add3A_105 : i32
    %dma_start3A_107 = arith.constant 0 : i32
    %dma_start3A_108 = tpu.memref_slice %arg2[%add3A_106, %dma_start3A_107] : memref<48x4096xi32, #tpu.memory_space<hbm>> -> memref<1x4096xi32, #tpu.memory_space<hbm>>
    %dma_start3A_109 = tpu.memref_squeeze %dma_start3A_108 : memref<1x4096xi32, #tpu.memory_space<hbm>> -> memref<4096xi32, #tpu.memory_space<hbm>>
    %dma_start3A_110 = arith.constant 0 : i32
    %dma_start3A_111 = tpu.memref_slice %arg2[%add3A_106, %dma_start3A_110] : memref<48x4096xi32, #tpu.memory_space<hbm>> -> memref<1x4096xi32, #tpu.memory_space<hbm>>
    %dma_start3A_112 = tpu.memref_squeeze %dma_start3A_111 : memref<1x4096xi32, #tpu.memory_space<hbm>> -> memref<4096xi32, #tpu.memory_space<hbm>>
    tpu.enqueue_dma source(%dma_start3A_112 : memref<4096xi32, #tpu.memory_space<hbm>>) target(%arg7 : memref<4096xi32, #tpu.memory_space<vmem>>) target_semaphore(%arg16 : memref<!tpu.dma_semaphore, #tpu.memory_space<semaphore_mem>>)
    %dma_wait3A_113 = arith.constant 0 : i32
    %dma_wait3A_114 = tpu.memref_slice %arg2[%add3A_13, %dma_wait3A_113] : memref<48x4096xi32, #tpu.memory_space<hbm>> -> memref<1x4096xi32, #tpu.memory_space<hbm>>
    %dma_wait3A_115 = tpu.memref_squeeze %dma_wait3A_114 : memref<1x4096xi32, #tpu.memory_space<hbm>> -> memref<4096xi32, #tpu.memory_space<hbm>>
    %dma_wait3A_116 = arith.constant 0 : i32
    %dma_wait3A_117 = tpu.memref_slice %arg2[%add3A_13, %dma_wait3A_116] : memref<48x4096xi32, #tpu.memory_space<hbm>> -> memref<1x4096xi32, #tpu.memory_space<hbm>>
    %dma_wait3A_118 = tpu.memref_squeeze %dma_wait3A_117 : memref<1x4096xi32, #tpu.memory_space<hbm>> -> memref<4096xi32, #tpu.memory_space<hbm>>
    tpu.wait_dma2 semaphore(%arg17 : memref<!tpu.dma_semaphore, #tpu.memory_space<semaphore_mem>>) src(%dma_wait3A_118 : memref<4096xi32, #tpu.memory_space<hbm>>) dst(%arg8 : memref<4096xi32, #tpu.memory_space<vmem>>)
    %add3A_119 = arith.constant 16 : i32
    %add3A_120 = arith.addi %arg1, %add3A_119 : i32
    %swap3A_121 = arith.constant 0 : index
    %swap3A_122 = tpu.vector_load %arg11[%swap3A_121] {strides = array<i32>} : memref<128xi32, #tpu.memory_space<vmem>>, vector<16xi32>,
    tpu.vector_store %arg11[%swap3A_121], %broadcast_in_dim3A_2 {strides = array<i32>} : memref<128xi32, #tpu.memory_space<vmem>>, vector<16xi32>,
    %swap3A_123 = arith.constant 16 : index
    %swap3A_124 = tpu.vector_load %arg11[%swap3A_123] {strides = array<i32>} : memref<128xi32, #tpu.memory_space<vmem>>, vector<16xi32>,
    tpu.vector_store %arg11[%swap3A_123], %broadcast_in_dim3A_2 {strides = array<i32>} : memref<128xi32, #tpu.memory_space<vmem>>, vector<16xi32>,
    %swap3A_125 = arith.constant 32 : index
    %swap3A_126 = tpu.vector_load %arg11[%swap3A_125] {strides = array<i32>} : memref<128xi32, #tpu.memory_space<vmem>>, vector<16xi32>,
    tpu.vector_store %arg11[%swap3A_125], %broadcast_in_dim3A_2 {strides = array<i32>} : memref<128xi32, #tpu.memory_space<vmem>>, vector<16xi32>,
    %swap3A_127 = arith.constant 48 : index
    %swap3A_128 = tpu.vector_load %arg11[%swap3A_127] {strides = array<i32>} : memref<128xi32, #tpu.memory_space<vmem>>, vector<16xi32>,
    tpu.vector_store %arg11[%swap3A_127], %broadcast_in_dim3A_2 {strides = array<i32>} : memref<128xi32, #tpu.memory_space<vmem>>, vector<16xi32>,
    %parallel_loop3A_129 = arith.constant 0 : i32
    %parallel_loop3A_130 = arith.constant 256 : i32
    %parallel_loop3A_131 = arith.constant 1 : i32
    scf.for %parallel_loop3A_935 = %parallel_loop3A_129 to %parallel_loop3A_130 step %parallel_loop3A_131  : i32 {
      %parallel_loop3A_936 = arith.constant 16 : i32
      %parallel_loop3A_937 = arith.muli %parallel_loop3A_935, %parallel_loop3A_936 : i32
      %parallel_loop3A_938 = arith.index_cast %parallel_loop3A_937 : i32 to index
      %parallel_loop3A_939 = tpu.vector_load %arg6[%parallel_loop3A_938] {strides = array<i32>} : memref<4224xi32, #tpu.memory_space<vmem>>, vector<16xi32>,
      %parallel_loop3A_940 = arith.constant 1 : i32
      %parallel_loop3A_941 = arith.addi %parallel_loop3A_937, %parallel_loop3A_940 : i32
      %parallel_loop3A_942 = arith.index_cast %parallel_loop3A_941 : i32 to index
      %parallel_loop3A_943 = tpu.vector_load %arg6[%parallel_loop3A_942] {strides = array<i32>} : memref<4224xi32, #tpu.memory_space<vmem>>, vector<16xi32>,
      %parallel_loop3A_944 = tpu.vector_load_idx %arg8[%parallel_loop3A_939] : memref<4096xi32, #tpu.memory_space<vmem>>[vector<16xi32>], vector<16xi32>,
      %parallel_loop3A_945 = tpu.vector_load_idx %arg8[%parallel_loop3A_943] : memref<4096xi32, #tpu.memory_space<vmem>>[vector<16xi32>], vector<16xi32>,
      %parallel_loop3A_946 = arith.constant 8 : i32
      %parallel_loop3A_947 = vector.broadcast %parallel_loop3A_946 : i32 to vector<16xi32>
      %parallel_loop3A_948 = arith.muli %parallel_loop3A_944, %parallel_loop3A_947 : vector<16xi32>
      %parallel_loop3A_949 = arith.addi %parallel_loop3A_948, %parallel_loop3A_945 : vector<16xi32>
      %parallel_loop3A_950 = vector.broadcast %parallel_loop3A_937 : i32 to vector<16xi32>
      %parallel_loop3A_951 = arith.addi %parallel_loop3A_950, %iota3A : vector<16xi32>
      %parallel_loop3A_952 = arith.constant 4095 : i32
      %parallel_loop3A_953 = vector.broadcast %parallel_loop3A_952 : i32 to vector<16xi32>
      %parallel_loop3A_954 = arith.cmpi slt, %parallel_loop3A_951, %parallel_loop3A_953 : vector<16xi32>
      tpu.vector_store_idx %arg11[%parallel_loop3A_949], %broadcast_in_dim3A_0 masked %parallel_loop3A_954 : memref<128xi32, #tpu.memory_space<vmem>>[vector<16xi32>], vector<16xi32>, vector<16xi1>
    } {sc.loop_unroll_factor = 4 : i64, sc.parallel_access}
    %get3A_132 = arith.constant 0 : index
    %get3A_133 = tpu.vector_load %arg6[%get3A_132] {strides = array<i32>} : memref<4224xi32, #tpu.memory_space<vmem>>, vector<16xi32>,
    %gather3A_134 = tpu.vector_load_idx %arg8[%get3A_133] : memref<4096xi32, #tpu.memory_space<vmem>>[vector<16xi32>], vector<16xi32>,
    %get3A_135 = arith.constant 4080 : index
    %get3A_136 = tpu.vector_load %arg6[%get3A_135] {strides = array<i32>} : memref<4224xi32, #tpu.memory_space<vmem>>, vector<16xi32>,
    %gather3A_137 = tpu.vector_load_idx %arg8[%get3A_136] : memref<4096xi32, #tpu.memory_space<vmem>>[vector<16xi32>], vector<16xi32>,
    %slice3A_138 = vector.extract_strided_slice %gather3A_134 {offsets = [0], sizes = [1], strides = [1]} : vector<16xi32> to vector<1xi32>
    %squeeze3A_139 = vector.extract %slice3A_138[0] : i32 from vector<1xi32>
    %slice3A_140 = vector.extract_strided_slice %gather3A_137 {offsets = [15], sizes = [1], strides = [1]} : vector<16xi32> to vector<1xi32>
    %squeeze3A_141 = vector.extract %slice3A_140[0] : i32 from vector<1xi32>
    %get3A_142 = arith.constant 0 : index
    %get3A_143 = tpu.vector_load %arg11[%get3A_142] {strides = array<i32>} : memref<128xi32, #tpu.memory_space<vmem>>, vector<16xi32>,
    %shift_left3A_144 = arith.shli %get3A_143, %iota3A : vector<16xi32>
    %reduce_sum3A_145 = arith.constant true
    %reduce_sum3A_146 = vector.broadcast %reduce_sum3A_145 : i1 to vector<16xi1>
    %reduce_sum3A_147 = tpu.scan <sum>, %shift_left3A_144 masked %reduce_sum3A_146 : vector<16xi32>, vector<16xi1> -> vector<16xi32>
    %reduce_sum3A_148 = vector.extract %reduce_sum3A_147[15] : i32 from vector<16xi32>
    %get3A_149 = arith.constant 16 : index
    %get3A_150 = tpu.vector_load %arg11[%get3A_149] {strides = array<i32>} : memref<128xi32, #tpu.memory_space<vmem>>, vector<16xi32>,
    %shift_left3A_151 = arith.shli %get3A_150, %iota3A : vector<16xi32>
    %reduce_sum3A_152 = arith.constant true
    %reduce_sum3A_153 = vector.broadcast %reduce_sum3A_152 : i1 to vector<16xi1>
    %reduce_sum3A_154 = tpu.scan <sum>, %shift_left3A_151 masked %reduce_sum3A_153 : vector<16xi32>, vector<16xi1> -> vector<16xi32>
    %reduce_sum3A_155 = vector.extract %reduce_sum3A_154[15] : i32 from vector<16xi32>
    %get3A_156 = arith.constant 32 : index
    %get3A_157 = tpu.vector_load %arg11[%get3A_156] {strides = array<i32>} : memref<128xi32, #tpu.memory_space<vmem>>, vector<16xi32>,
    %shift_left3A_158 = arith.shli %get3A_157, %iota3A : vector<16xi32>
    %reduce_sum3A_159 = arith.constant true
    %reduce_sum3A_160 = vector.broadcast %reduce_sum3A_159 : i1 to vector<16xi1>
    %reduce_sum3A_161 = tpu.scan <sum>, %shift_left3A_158 masked %reduce_sum3A_160 : vector<16xi32>, vector<16xi1> -> vector<16xi32>
    %reduce_sum3A_162 = vector.extract %reduce_sum3A_161[15] : i32 from vector<16xi32>
    %get3A_163 = arith.constant 48 : index
    %get3A_164 = tpu.vector_load %arg11[%get3A_163] {strides = array<i32>} : memref<128xi32, #tpu.memory_space<vmem>>, vector<16xi32>,
    %shift_left3A_165 = arith.shli %get3A_164, %iota3A : vector<16xi32>
    %reduce_sum3A_166 = arith.constant true
    %reduce_sum3A_167 = vector.broadcast %reduce_sum3A_166 : i1 to vector<16xi1>
    %reduce_sum3A_168 = tpu.scan <sum>, %shift_left3A_165 masked %reduce_sum3A_167 : vector<16xi32>, vector<16xi1> -> vector<16xi32>
    %reduce_sum3A_169 = vector.extract %reduce_sum3A_168[15] : i32 from vector<16xi32>
    %shift_left3A_170 = arith.constant 16 : i32
    %shift_left3A_171 = arith.shli %reduce_sum3A_155, %shift_left3A_170 : i32
    %or3A_172 = arith.ori %reduce_sum3A_148, %shift_left3A_171 : i32
    %shift_left3A_173 = arith.constant 16 : i32
    %shift_left3A_174 = arith.shli %reduce_sum3A_169, %shift_left3A_173 : i32
    %or3A_175 = arith.ori %reduce_sum3A_162, %shift_left3A_174 : i32
    %eq3A_176 = arith.constant 0 : i32
    %eq3A_177 = vector.broadcast %eq3A_176 : i32 to vector<16xi32>
    %eq3A_178 = arith.cmpi eq, %iota3A, %eq3A_177 : vector<16xi32>
    %jit3A_179 = arith.constant 0 : i32
    %broadcast_in_dim3A_180 = vector.broadcast %or3A_172 : i32 to vector<16xi32>
    %broadcast_in_dim3A_181 = vector.broadcast %jit3A_179 : i32 to vector<16xi32>
    %select_n3A_182 = arith.select %eq3A_178, %broadcast_in_dim3A_180, %broadcast_in_dim3A_181 : vector<16xi1>, vector<16xi32>
    %eq3A_183 = arith.constant 1 : i32
    %eq3A_184 = vector.broadcast %eq3A_183 : i32 to vector<16xi32>
    %eq3A_185 = arith.cmpi eq, %iota3A, %eq3A_184 : vector<16xi32>
    %jit3A_186 = arith.constant 0 : i32
    %broadcast_in_dim3A_187 = vector.broadcast %or3A_175 : i32 to vector<16xi32>
    %broadcast_in_dim3A_188 = vector.broadcast %jit3A_186 : i32 to vector<16xi32>
    %select_n3A_189 = arith.select %eq3A_185, %broadcast_in_dim3A_187, %broadcast_in_dim3A_188 : vector<16xi1>, vector<16xi32>
    %or3A_190 = arith.ori %select_n3A_182, %select_n3A_189 : vector<16xi32>
    %eq3A_191 = arith.constant 2 : i32
    %eq3A_192 = vector.broadcast %eq3A_191 : i32 to vector<16xi32>
    %eq3A_193 = arith.cmpi eq, %iota3A, %eq3A_192 : vector<16xi32>
    %jit3A_194 = arith.constant 0 : i32
    %broadcast_in_dim3A_195 = vector.broadcast %squeeze3A_139 : i32 to vector<16xi32>
    %broadcast_in_dim3A_196 = vector.broadcast %jit3A_194 : i32 to vector<16xi32>
    %select_n3A_197 = arith.select %eq3A_193, %broadcast_in_dim3A_195, %broadcast_in_dim3A_196 : vector<16xi1>, vector<16xi32>
    %or3A_198 = arith.ori %or3A_190, %select_n3A_197 : vector<16xi32>
    %eq3A_199 = arith.constant 3 : i32
    %eq3A_200 = vector.broadcast %eq3A_199 : i32 to vector<16xi32>
    %eq3A_201 = arith.cmpi eq, %iota3A, %eq3A_200 : vector<16xi32>
    %jit3A_202 = arith.constant 0 : i32
    %broadcast_in_dim3A_203 = vector.broadcast %squeeze3A_141 : i32 to vector<16xi32>
    %broadcast_in_dim3A_204 = vector.broadcast %jit3A_202 : i32 to vector<16xi32>
    %select_n3A_205 = arith.select %eq3A_201, %broadcast_in_dim3A_203, %broadcast_in_dim3A_204 : vector<16xi1>, vector<16xi32>
    %or3A_206 = arith.ori %or3A_198, %select_n3A_205 : vector<16xi32>
    %swap3A_207 = arith.constant 0 : index
    %swap3A_208 = tpu.vector_load %arg12[%swap3A_207] {strides = array<i32>} : memref<16xi32, #tpu.memory_space<vmem>>, vector<16xi32>,
    tpu.vector_store %arg12[%swap3A_207], %or3A_206 {strides = array<i32>} : memref<16xi32, #tpu.memory_space<vmem>>, vector<16xi32>,
    %mul3A_209 = arith.constant 16 : i32
    %mul3A_210 = arith.muli %add3A_120, %mul3A_209 : i32
    "tpu.region"() ({
      %run_scoped3A = tpu.sem_alloc : memref<!tpu.dma_semaphore, #tpu.memory_space<semaphore_mem>>
      %dma_start3A_935 = tpu.memref_slice %arg14[%mul3A_210] : memref<1792xi32, #tpu.memory_space<vmem_shared>> -> memref<16xi32, #tpu.memory_space<vmem_shared>>
      %dma_start3A_936 = tpu.memref_slice %arg14[%mul3A_210] : memref<1792xi32, #tpu.memory_space<vmem_shared>> -> memref<16xi32, #tpu.memory_space<vmem_shared>>
      tpu.enqueue_dma source(%arg12 : memref<16xi32, #tpu.memory_space<vmem>>) target(%dma_start3A_936 : memref<16xi32, #tpu.memory_space<vmem_shared>>) target_semaphore(%run_scoped3A : memref<!tpu.dma_semaphore, #tpu.memory_space<semaphore_mem>>)
      %dma_wait3A_937 = tpu.memref_slice %arg14[%mul3A_210] : memref<1792xi32, #tpu.memory_space<vmem_shared>> -> memref<16xi32, #tpu.memory_space<vmem_shared>>
      %dma_wait3A_938 = tpu.memref_slice %arg14[%mul3A_210] : memref<1792xi32, #tpu.memory_space<vmem_shared>> -> memref<16xi32, #tpu.memory_space<vmem_shared>>
      tpu.wait_dma2 semaphore(%run_scoped3A : memref<!tpu.dma_semaphore, #tpu.memory_space<semaphore_mem>>) src(%arg12 : memref<16xi32, #tpu.memory_space<vmem>>) dst(%dma_wait3A_938 : memref<16xi32, #tpu.memory_space<vmem_shared>>)
      tpu.yield
    }) : () -> ()
    %dma_wait3A_211 = arith.constant 0 : i32
    %dma_wait3A_212 = tpu.memref_slice %arg2[%add3A_106, %dma_wait3A_211] : memref<48x4096xi32, #tpu.memory_space<hbm>> -> memref<1x4096xi32, #tpu.memory_space<hbm>>
    %dma_wait3A_213 = tpu.memref_squeeze %dma_wait3A_212 : memref<1x4096xi32, #tpu.memory_space<hbm>> -> memref<4096xi32, #tpu.memory_space<hbm>>
    %dma_wait3A_214 = arith.constant 0 : i32
    %dma_wait3A_215 = tpu.memref_slice %arg2[%add3A_106, %dma_wait3A_214] : memref<48x4096xi32, #tpu.memory_space<hbm>> -> memref<1x4096xi32, #tpu.memory_space<hbm>>
    %dma_wait3A_216 = tpu.memref_squeeze %dma_wait3A_215 : memref<1x4096xi32, #tpu.memory_space<hbm>> -> memref<4096xi32, #tpu.memory_space<hbm>>
    tpu.wait_dma2 semaphore(%arg16 : memref<!tpu.dma_semaphore, #tpu.memory_space<semaphore_mem>>) src(%dma_wait3A_216 : memref<4096xi32, #tpu.memory_space<hbm>>) dst(%arg7 : memref<4096xi32, #tpu.memory_space<vmem>>)
    %add3A_217 = arith.constant 32 : i32
    %add3A_218 = arith.addi %arg1, %add3A_217 : i32
    %swap3A_219 = arith.constant 0 : index
    %swap3A_220 = tpu.vector_load %arg11[%swap3A_219] {strides = array<i32>} : memref<128xi32, #tpu.memory_space<vmem>>, vector<16xi32>,
    tpu.vector_store %arg11[%swap3A_219], %broadcast_in_dim3A_2 {strides = array<i32>} : memref<128xi32, #tpu.memory_space<vmem>>, vector<16xi32>,
    %swap3A_221 = arith.constant 16 : index
    %swap3A_222 = tpu.vector_load %arg11[%swap3A_221] {strides = array<i32>} : memref<128xi32, #tpu.memory_space<vmem>>, vector<16xi32>,
    tpu.vector_store %arg11[%swap3A_221], %broadcast_in_dim3A_2 {strides = array<i32>} : memref<128xi32, #tpu.memory_space<vmem>>, vector<16xi32>,
    %swap3A_223 = arith.constant 32 : index
    %swap3A_224 = tpu.vector_load %arg11[%swap3A_223] {strides = array<i32>} : memref<128xi32, #tpu.memory_space<vmem>>, vector<16xi32>,
    tpu.vector_store %arg11[%swap3A_223], %broadcast_in_dim3A_2 {strides = array<i32>} : memref<128xi32, #tpu.memory_space<vmem>>, vector<16xi32>,
    %swap3A_225 = arith.constant 48 : index
    %swap3A_226 = tpu.vector_load %arg11[%swap3A_225] {strides = array<i32>} : memref<128xi32, #tpu.memory_space<vmem>>, vector<16xi32>,
    tpu.vector_store %arg11[%swap3A_225], %broadcast_in_dim3A_2 {strides = array<i32>} : memref<128xi32, #tpu.memory_space<vmem>>, vector<16xi32>,
    %parallel_loop3A_227 = arith.constant 0 : i32
    %parallel_loop3A_228 = arith.constant 256 : i32
    %parallel_loop3A_229 = arith.constant 1 : i32
    scf.for %parallel_loop3A_935 = %parallel_loop3A_227 to %parallel_loop3A_228 step %parallel_loop3A_229  : i32 {
      %parallel_loop3A_936 = arith.constant 16 : i32
      %parallel_loop3A_937 = arith.muli %parallel_loop3A_935, %parallel_loop3A_936 : i32
      %parallel_loop3A_938 = arith.index_cast %parallel_loop3A_937 : i32 to index
      %parallel_loop3A_939 = tpu.vector_load %arg6[%parallel_loop3A_938] {strides = array<i32>} : memref<4224xi32, #tpu.memory_space<vmem>>, vector<16xi32>,
      %parallel_loop3A_940 = arith.constant 1 : i32
      %parallel_loop3A_941 = arith.addi %parallel_loop3A_937, %parallel_loop3A_940 : i32
      %parallel_loop3A_942 = arith.index_cast %parallel_loop3A_941 : i32 to index
      %parallel_loop3A_943 = tpu.vector_load %arg6[%parallel_loop3A_942] {strides = array<i32>} : memref<4224xi32, #tpu.memory_space<vmem>>, vector<16xi32>,
      %parallel_loop3A_944 = tpu.vector_load_idx %arg7[%parallel_loop3A_939] : memref<4096xi32, #tpu.memory_space<vmem>>[vector<16xi32>], vector<16xi32>,
      %parallel_loop3A_945 = tpu.vector_load_idx %arg7[%parallel_loop3A_943] : memref<4096xi32, #tpu.memory_space<vmem>>[vector<16xi32>], vector<16xi32>,
      %parallel_loop3A_946 = arith.constant 8 : i32
      %parallel_loop3A_947 = vector.broadcast %parallel_loop3A_946 : i32 to vector<16xi32>
      %parallel_loop3A_948 = arith.muli %parallel_loop3A_944, %parallel_loop3A_947 : vector<16xi32>
      %parallel_loop3A_949 = arith.addi %parallel_loop3A_948, %parallel_loop3A_945 : vector<16xi32>
      %parallel_loop3A_950 = vector.broadcast %parallel_loop3A_937 : i32 to vector<16xi32>
      %parallel_loop3A_951 = arith.addi %parallel_loop3A_950, %iota3A : vector<16xi32>
      %parallel_loop3A_952 = arith.constant 4095 : i32
      %parallel_loop3A_953 = vector.broadcast %parallel_loop3A_952 : i32 to vector<16xi32>
      %parallel_loop3A_954 = arith.cmpi slt, %parallel_loop3A_951, %parallel_loop3A_953 : vector<16xi32>
      tpu.vector_store_idx %arg11[%parallel_loop3A_949], %broadcast_in_dim3A_0 masked %parallel_loop3A_954 : memref<128xi32, #tpu.memory_space<vmem>>[vector<16xi32>], vector<16xi32>, vector<16xi1>
    } {sc.loop_unroll_factor = 4 : i64, sc.parallel_access}
    %get3A_230 = arith.constant 0 : index
    %get3A_231 = tpu.vector_load %arg6[%get3A_230] {strides = array<i32>} : memref<4224xi32, #tpu.memory_space<vmem>>, vector<16xi32>,
    %gather3A_232 = tpu.vector_load_idx %arg7[%get3A_231] : memref<4096xi32, #tpu.memory_space<vmem>>[vector<16xi32>], vector<16xi32>,
    %get3A_233 = arith.constant 4080 : index
    %get3A_234 = tpu.vector_load %arg6[%get3A_233] {strides = array<i32>} : memref<4224xi32, #tpu.memory_space<vmem>>, vector<16xi32>,
    %gather3A_235 = tpu.vector_load_idx %arg7[%get3A_234] : memref<4096xi32, #tpu.memory_space<vmem>>[vector<16xi32>], vector<16xi32>,
    %slice3A_236 = vector.extract_strided_slice %gather3A_232 {offsets = [0], sizes = [1], strides = [1]} : vector<16xi32> to vector<1xi32>
    %squeeze3A_237 = vector.extract %slice3A_236[0] : i32 from vector<1xi32>
    %slice3A_238 = vector.extract_strided_slice %gather3A_235 {offsets = [15], sizes = [1], strides = [1]} : vector<16xi32> to vector<1xi32>
    %squeeze3A_239 = vector.extract %slice3A_238[0] : i32 from vector<1xi32>
    %get3A_240 = arith.constant 0 : index
    %get3A_241 = tpu.vector_load %arg11[%get3A_240] {strides = array<i32>} : memref<128xi32, #tpu.memory_space<vmem>>, vector<16xi32>,
    %shift_left3A_242 = arith.shli %get3A_241, %iota3A : vector<16xi32>
    %reduce_sum3A_243 = arith.constant true
    %reduce_sum3A_244 = vector.broadcast %reduce_sum3A_243 : i1 to vector<16xi1>
    %reduce_sum3A_245 = tpu.scan <sum>, %shift_left3A_242 masked %reduce_sum3A_244 : vector<16xi32>, vector<16xi1> -> vector<16xi32>
    %reduce_sum3A_246 = vector.extract %reduce_sum3A_245[15] : i32 from vector<16xi32>
    %get3A_247 = arith.constant 16 : index
    %get3A_248 = tpu.vector_load %arg11[%get3A_247] {strides = array<i32>} : memref<128xi32, #tpu.memory_space<vmem>>, vector<16xi32>,
    %shift_left3A_249 = arith.shli %get3A_248, %iota3A : vector<16xi32>
    %reduce_sum3A_250 = arith.constant true
    %reduce_sum3A_251 = vector.broadcast %reduce_sum3A_250 : i1 to vector<16xi1>
    %reduce_sum3A_252 = tpu.scan <sum>, %shift_left3A_249 masked %reduce_sum3A_251 : vector<16xi32>, vector<16xi1> -> vector<16xi32>
    %reduce_sum3A_253 = vector.extract %reduce_sum3A_252[15] : i32 from vector<16xi32>
    %get3A_254 = arith.constant 32 : index
    %get3A_255 = tpu.vector_load %arg11[%get3A_254] {strides = array<i32>} : memref<128xi32, #tpu.memory_space<vmem>>, vector<16xi32>,
    %shift_left3A_256 = arith.shli %get3A_255, %iota3A : vector<16xi32>
    %reduce_sum3A_257 = arith.constant true
    %reduce_sum3A_258 = vector.broadcast %reduce_sum3A_257 : i1 to vector<16xi1>
    %reduce_sum3A_259 = tpu.scan <sum>, %shift_left3A_256 masked %reduce_sum3A_258 : vector<16xi32>, vector<16xi1> -> vector<16xi32>
    %reduce_sum3A_260 = vector.extract %reduce_sum3A_259[15] : i32 from vector<16xi32>
    %get3A_261 = arith.constant 48 : index
    %get3A_262 = tpu.vector_load %arg11[%get3A_261] {strides = array<i32>} : memref<128xi32, #tpu.memory_space<vmem>>, vector<16xi32>,
    %shift_left3A_263 = arith.shli %get3A_262, %iota3A : vector<16xi32>
    %reduce_sum3A_264 = arith.constant true
    %reduce_sum3A_265 = vector.broadcast %reduce_sum3A_264 : i1 to vector<16xi1>
    %reduce_sum3A_266 = tpu.scan <sum>, %shift_left3A_263 masked %reduce_sum3A_265 : vector<16xi32>, vector<16xi1> -> vector<16xi32>
    %reduce_sum3A_267 = vector.extract %reduce_sum3A_266[15] : i32 from vector<16xi32>
    %shift_left3A_268 = arith.constant 16 : i32
    %shift_left3A_269 = arith.shli %reduce_sum3A_253, %shift_left3A_268 : i32
    %or3A_270 = arith.ori %reduce_sum3A_246, %shift_left3A_269 : i32
    %shift_left3A_271 = arith.constant 16 : i32
    %shift_left3A_272 = arith.shli %reduce_sum3A_267, %shift_left3A_271 : i32
    %or3A_273 = arith.ori %reduce_sum3A_260, %shift_left3A_272 : i32
    %eq3A_274 = arith.constant 0 : i32
    %eq3A_275 = vector.broadcast %eq3A_274 : i32 to vector<16xi32>
    %eq3A_276 = arith.cmpi eq, %iota3A, %eq3A_275 : vector<16xi32>
    %jit3A_277 = arith.constant 0 : i32
    %broadcast_in_dim3A_278 = vector.broadcast %or3A_270 : i32 to vector<16xi32>
    %broadcast_in_dim3A_279 = vector.broadcast %jit3A_277 : i32 to vector<16xi32>
    %select_n3A_280 = arith.select %eq3A_276, %broadcast_in_dim3A_278, %broadcast_in_dim3A_279 : vector<16xi1>, vector<16xi32>
    %eq3A_281 = arith.constant 1 : i32
    %eq3A_282 = vector.broadcast %eq3A_281 : i32 to vector<16xi32>
    %eq3A_283 = arith.cmpi eq, %iota3A, %eq3A_282 : vector<16xi32>
    %jit3A_284 = arith.constant 0 : i32
    %broadcast_in_dim3A_285 = vector.broadcast %or3A_273 : i32 to vector<16xi32>
    %broadcast_in_dim3A_286 = vector.broadcast %jit3A_284 : i32 to vector<16xi32>
    %select_n3A_287 = arith.select %eq3A_283, %broadcast_in_dim3A_285, %broadcast_in_dim3A_286 : vector<16xi1>, vector<16xi32>
    %or3A_288 = arith.ori %select_n3A_280, %select_n3A_287 : vector<16xi32>
    %eq3A_289 = arith.constant 2 : i32
    %eq3A_290 = vector.broadcast %eq3A_289 : i32 to vector<16xi32>
    %eq3A_291 = arith.cmpi eq, %iota3A, %eq3A_290 : vector<16xi32>
    %jit3A_292 = arith.constant 0 : i32
    %broadcast_in_dim3A_293 = vector.broadcast %squeeze3A_237 : i32 to vector<16xi32>
    %broadcast_in_dim3A_294 = vector.broadcast %jit3A_292 : i32 to vector<16xi32>
    %select_n3A_295 = arith.select %eq3A_291, %broadcast_in_dim3A_293, %broadcast_in_dim3A_294 : vector<16xi1>, vector<16xi32>
    %or3A_296 = arith.ori %or3A_288, %select_n3A_295 : vector<16xi32>
    %eq3A_297 = arith.constant 3 : i32
    %eq3A_298 = vector.broadcast %eq3A_297 : i32 to vector<16xi32>
    %eq3A_299 = arith.cmpi eq, %iota3A, %eq3A_298 : vector<16xi32>
    %jit3A_300 = arith.constant 0 : i32
    %broadcast_in_dim3A_301 = vector.broadcast %squeeze3A_239 : i32 to vector<16xi32>
    %broadcast_in_dim3A_302 = vector.broadcast %jit3A_300 : i32 to vector<16xi32>
    %select_n3A_303 = arith.select %eq3A_299, %broadcast_in_dim3A_301, %broadcast_in_dim3A_302 : vector<16xi1>, vector<16xi32>
    %or3A_304 = arith.ori %or3A_296, %select_n3A_303 : vector<16xi32>
    %swap3A_305 = arith.constant 0 : index
    %swap3A_306 = tpu.vector_load %arg12[%swap3A_305] {strides = array<i32>} : memref<16xi32, #tpu.memory_space<vmem>>, vector<16xi32>,
    tpu.vector_store %arg12[%swap3A_305], %or3A_304 {strides = array<i32>} : memref<16xi32, #tpu.memory_space<vmem>>, vector<16xi32>,
    %mul3A_307 = arith.constant 16 : i32
    %mul3A_308 = arith.muli %add3A_218, %mul3A_307 : i32
    "tpu.region"() ({
      %run_scoped3A = tpu.sem_alloc : memref<!tpu.dma_semaphore, #tpu.memory_space<semaphore_mem>>
      %dma_start3A_935 = tpu.memref_slice %arg14[%mul3A_308] : memref<1792xi32, #tpu.memory_space<vmem_shared>> -> memref<16xi32, #tpu.memory_space<vmem_shared>>
      %dma_start3A_936 = tpu.memref_slice %arg14[%mul3A_308] : memref<1792xi32, #tpu.memory_space<vmem_shared>> -> memref<16xi32, #tpu.memory_space<vmem_shared>>
      tpu.enqueue_dma source(%arg12 : memref<16xi32, #tpu.memory_space<vmem>>) target(%dma_start3A_936 : memref<16xi32, #tpu.memory_space<vmem_shared>>) target_semaphore(%run_scoped3A : memref<!tpu.dma_semaphore, #tpu.memory_space<semaphore_mem>>)
      %dma_wait3A_937 = tpu.memref_slice %arg14[%mul3A_308] : memref<1792xi32, #tpu.memory_space<vmem_shared>> -> memref<16xi32, #tpu.memory_space<vmem_shared>>
      %dma_wait3A_938 = tpu.memref_slice %arg14[%mul3A_308] : memref<1792xi32, #tpu.memory_space<vmem_shared>> -> memref<16xi32, #tpu.memory_space<vmem_shared>>
      tpu.wait_dma2 semaphore(%run_scoped3A : memref<!tpu.dma_semaphore, #tpu.memory_space<semaphore_mem>>) src(%arg12 : memref<16xi32, #tpu.memory_space<vmem>>) dst(%dma_wait3A_938 : memref<16xi32, #tpu.memory_space<vmem_shared>>)
      tpu.yield
    }) : () -> ()
    %mul3A_309 = arith.constant 4 : i32
    %mul3A_310 = arith.muli %arg1, %mul3A_309 : i32
    %dma_start3A_311 = arith.constant 0 : i32
    %dma_start3A_312 = tpu.memref_slice %arg9[%dma_start3A_311] : memref<4224xi32, #tpu.memory_space<vmem>> -> memref<4096xi32, #tpu.memory_space<vmem>>
    %dma_start3A_313 = arith.constant 0 : i32
    %dma_start3A_314 = tpu.memref_slice %arg4[%mul3A_310, %dma_start3A_313] : memref<64x4096xi32, #tpu.memory_space<hbm>> -> memref<1x4096xi32, #tpu.memory_space<hbm>>
    %dma_start3A_315 = tpu.memref_squeeze %dma_start3A_314 : memref<1x4096xi32, #tpu.memory_space<hbm>> -> memref<4096xi32, #tpu.memory_space<hbm>>
    %dma_start3A_316 = arith.constant 0 : i32
    %dma_start3A_317 = tpu.memref_slice %arg9[%dma_start3A_316] : memref<4224xi32, #tpu.memory_space<vmem>> -> memref<4096xi32, #tpu.memory_space<vmem>>
    %dma_start3A_318 = arith.constant 0 : i32
    %dma_start3A_319 = tpu.memref_slice %arg4[%mul3A_310, %dma_start3A_318] : memref<64x4096xi32, #tpu.memory_space<hbm>> -> memref<1x4096xi32, #tpu.memory_space<hbm>>
    %dma_start3A_320 = tpu.memref_squeeze %dma_start3A_319 : memref<1x4096xi32, #tpu.memory_space<hbm>> -> memref<4096xi32, #tpu.memory_space<hbm>>
    tpu.enqueue_dma source(%dma_start3A_320 : memref<4096xi32, #tpu.memory_space<hbm>>) target(%dma_start3A_317 : memref<4096xi32, #tpu.memory_space<vmem>>) target_semaphore(%arg18 : memref<!tpu.dma_semaphore, #tpu.memory_space<semaphore_mem>>)
    %mul3A_321 = arith.constant 4 : i32
    %mul3A_322 = arith.muli %arg1, %mul3A_321 : i32
    %add3A_323 = arith.constant 0 : i32
    %add3A_324 = arith.addi %mul3A_322, %add3A_323 : i32
    %add3A_325 = arith.constant 1 : i32
    %add3A_326 = arith.addi %add3A_324, %add3A_325 : i32
    %dma_start3A_327 = arith.constant 0 : i32
    %dma_start3A_328 = tpu.memref_slice %arg10[%dma_start3A_327] : memref<4224xi32, #tpu.memory_space<vmem>> -> memref<4096xi32, #tpu.memory_space<vmem>>
    %dma_start3A_329 = arith.constant 0 : i32
    %dma_start3A_330 = tpu.memref_slice %arg4[%add3A_326, %dma_start3A_329] : memref<64x4096xi32, #tpu.memory_space<hbm>> -> memref<1x4096xi32, #tpu.memory_space<hbm>>
    %dma_start3A_331 = tpu.memref_squeeze %dma_start3A_330 : memref<1x4096xi32, #tpu.memory_space<hbm>> -> memref<4096xi32, #tpu.memory_space<hbm>>
    %dma_start3A_332 = arith.constant 0 : i32
    %dma_start3A_333 = tpu.memref_slice %arg10[%dma_start3A_332] : memref<4224xi32, #tpu.memory_space<vmem>> -> memref<4096xi32, #tpu.memory_space<vmem>>
    %dma_start3A_334 = arith.constant 0 : i32
    %dma_start3A_335 = tpu.memref_slice %arg4[%add3A_326, %dma_start3A_334] : memref<64x4096xi32, #tpu.memory_space<hbm>> -> memref<1x4096xi32, #tpu.memory_space<hbm>>
    %dma_start3A_336 = tpu.memref_squeeze %dma_start3A_335 : memref<1x4096xi32, #tpu.memory_space<hbm>> -> memref<4096xi32, #tpu.memory_space<hbm>>
    tpu.enqueue_dma source(%dma_start3A_336 : memref<4096xi32, #tpu.memory_space<hbm>>) target(%dma_start3A_333 : memref<4096xi32, #tpu.memory_space<vmem>>) target_semaphore(%arg19 : memref<!tpu.dma_semaphore, #tpu.memory_space<semaphore_mem>>)
    %dma_wait3A_337 = arith.constant 0 : i32
    %dma_wait3A_338 = tpu.memref_slice %arg9[%dma_wait3A_337] : memref<4224xi32, #tpu.memory_space<vmem>> -> memref<4096xi32, #tpu.memory_space<vmem>>
    %dma_wait3A_339 = arith.constant 0 : i32
    %dma_wait3A_340 = tpu.memref_slice %arg4[%mul3A_310, %dma_wait3A_339] : memref<64x4096xi32, #tpu.memory_space<hbm>> -> memref<1x4096xi32, #tpu.memory_space<hbm>>
    %dma_wait3A_341 = tpu.memref_squeeze %dma_wait3A_340 : memref<1x4096xi32, #tpu.memory_space<hbm>> -> memref<4096xi32, #tpu.memory_space<hbm>>
    %dma_wait3A_342 = arith.constant 0 : i32
    %dma_wait3A_343 = tpu.memref_slice %arg9[%dma_wait3A_342] : memref<4224xi32, #tpu.memory_space<vmem>> -> memref<4096xi32, #tpu.memory_space<vmem>>
    %dma_wait3A_344 = arith.constant 0 : i32
    %dma_wait3A_345 = tpu.memref_slice %arg4[%mul3A_310, %dma_wait3A_344] : memref<64x4096xi32, #tpu.memory_space<hbm>> -> memref<1x4096xi32, #tpu.memory_space<hbm>>
    %dma_wait3A_346 = tpu.memref_squeeze %dma_wait3A_345 : memref<1x4096xi32, #tpu.memory_space<hbm>> -> memref<4096xi32, #tpu.memory_space<hbm>>
    tpu.wait_dma2 semaphore(%arg18 : memref<!tpu.dma_semaphore, #tpu.memory_space<semaphore_mem>>) src(%dma_wait3A_346 : memref<4096xi32, #tpu.memory_space<hbm>>) dst(%dma_wait3A_343 : memref<4096xi32, #tpu.memory_space<vmem>>)
    %mul3A_347 = arith.constant 4 : i32
    %mul3A_348 = arith.muli %arg1, %mul3A_347 : i32
    %add3A_349 = arith.constant 0 : i32
    %add3A_350 = arith.addi %mul3A_348, %add3A_349 : i32
    %swap3A_351 = arith.constant 0 : index
    %swap3A_352 = tpu.vector_load %arg11[%swap3A_351] {strides = array<i32>} : memref<128xi32, #tpu.memory_space<vmem>>, vector<16xi32>,
    tpu.vector_store %arg11[%swap3A_351], %broadcast_in_dim3A_2 {strides = array<i32>} : memref<128xi32, #tpu.memory_space<vmem>>, vector<16xi32>,
    %swap3A_353 = arith.constant 16 : index
    %swap3A_354 = tpu.vector_load %arg11[%swap3A_353] {strides = array<i32>} : memref<128xi32, #tpu.memory_space<vmem>>, vector<16xi32>,
    tpu.vector_store %arg11[%swap3A_353], %broadcast_in_dim3A_2 {strides = array<i32>} : memref<128xi32, #tpu.memory_space<vmem>>, vector<16xi32>,
    %swap3A_355 = arith.constant 32 : index
    %swap3A_356 = tpu.vector_load %arg11[%swap3A_355] {strides = array<i32>} : memref<128xi32, #tpu.memory_space<vmem>>, vector<16xi32>,
    tpu.vector_store %arg11[%swap3A_355], %broadcast_in_dim3A_2 {strides = array<i32>} : memref<128xi32, #tpu.memory_space<vmem>>, vector<16xi32>,
    %swap3A_357 = arith.constant 48 : index
    %swap3A_358 = tpu.vector_load %arg11[%swap3A_357] {strides = array<i32>} : memref<128xi32, #tpu.memory_space<vmem>>, vector<16xi32>,
    tpu.vector_store %arg11[%swap3A_357], %broadcast_in_dim3A_2 {strides = array<i32>} : memref<128xi32, #tpu.memory_space<vmem>>, vector<16xi32>,
    %parallel_loop3A_359 = arith.constant 0 : i32
    %parallel_loop3A_360 = arith.constant 256 : i32
    %parallel_loop3A_361 = arith.constant 1 : i32
    scf.for %parallel_loop3A_935 = %parallel_loop3A_359 to %parallel_loop3A_360 step %parallel_loop3A_361  : i32 {
      %parallel_loop3A_936 = arith.constant 16 : i32
      %parallel_loop3A_937 = arith.muli %parallel_loop3A_935, %parallel_loop3A_936 : i32
      %parallel_loop3A_938 = arith.index_cast %parallel_loop3A_937 : i32 to index
      %parallel_loop3A_939 = tpu.vector_load %arg9[%parallel_loop3A_938] {strides = array<i32>} : memref<4224xi32, #tpu.memory_space<vmem>>, vector<16xi32>,
      %parallel_loop3A_940 = arith.constant 1 : i32
      %parallel_loop3A_941 = arith.addi %parallel_loop3A_937, %parallel_loop3A_940 : i32
      %parallel_loop3A_942 = arith.index_cast %parallel_loop3A_941 : i32 to index
      %parallel_loop3A_943 = tpu.vector_load %arg9[%parallel_loop3A_942] {strides = array<i32>} : memref<4224xi32, #tpu.memory_space<vmem>>, vector<16xi32>,
      %parallel_loop3A_944 = arith.constant 8 : i32
      %parallel_loop3A_945 = vector.broadcast %parallel_loop3A_944 : i32 to vector<16xi32>
      %parallel_loop3A_946 = arith.muli %parallel_loop3A_939, %parallel_loop3A_945 : vector<16xi32>
      %parallel_loop3A_947 = arith.addi %parallel_loop3A_946, %parallel_loop3A_943 : vector<16xi32>
      %parallel_loop3A_948 = vector.broadcast %parallel_loop3A_937 : i32 to vector<16xi32>
      %parallel_loop3A_949 = arith.addi %parallel_loop3A_948, %iota3A : vector<16xi32>
      %parallel_loop3A_950 = arith.constant 4095 : i32
      %parallel_loop3A_951 = vector.broadcast %parallel_loop3A_950 : i32 to vector<16xi32>
      %parallel_loop3A_952 = arith.cmpi slt, %parallel_loop3A_949, %parallel_loop3A_951 : vector<16xi32>
      tpu.vector_store_idx %arg11[%parallel_loop3A_947], %broadcast_in_dim3A_0 masked %parallel_loop3A_952 : memref<128xi32, #tpu.memory_space<vmem>>[vector<16xi32>], vector<16xi32>, vector<16xi1>
    } {sc.loop_unroll_factor = 4 : i64, sc.parallel_access}
    %get3A_362 = arith.constant 0 : index
    %get3A_363 = tpu.vector_load %arg9[%get3A_362] {strides = array<i32>} : memref<4224xi32, #tpu.memory_space<vmem>>, vector<16xi32>,
    %get3A_364 = arith.constant 4080 : index
    %get3A_365 = tpu.vector_load %arg9[%get3A_364] {strides = array<i32>} : memref<4224xi32, #tpu.memory_space<vmem>>, vector<16xi32>,
    %add3A_366 = arith.constant 48 : i32
    %add3A_367 = arith.addi %add3A_366, %add3A_350 : i32
    %slice3A_368 = vector.extract_strided_slice %get3A_363 {offsets = [0], sizes = [1], strides = [1]} : vector<16xi32> to vector<1xi32>
    %squeeze3A_369 = vector.extract %slice3A_368[0] : i32 from vector<1xi32>
    %slice3A_370 = vector.extract_strided_slice %get3A_365 {offsets = [15], sizes = [1], strides = [1]} : vector<16xi32> to vector<1xi32>
    %squeeze3A_371 = vector.extract %slice3A_370[0] : i32 from vector<1xi32>
    %get3A_372 = arith.constant 0 : index
    %get3A_373 = tpu.vector_load %arg11[%get3A_372] {strides = array<i32>} : memref<128xi32, #tpu.memory_space<vmem>>, vector<16xi32>,
    %shift_left3A_374 = arith.shli %get3A_373, %iota3A : vector<16xi32>
    %reduce_sum3A_375 = arith.constant true
    %reduce_sum3A_376 = vector.broadcast %reduce_sum3A_375 : i1 to vector<16xi1>
    %reduce_sum3A_377 = tpu.scan <sum>, %shift_left3A_374 masked %reduce_sum3A_376 : vector<16xi32>, vector<16xi1> -> vector<16xi32>
    %reduce_sum3A_378 = vector.extract %reduce_sum3A_377[15] : i32 from vector<16xi32>
    %get3A_379 = arith.constant 16 : index
    %get3A_380 = tpu.vector_load %arg11[%get3A_379] {strides = array<i32>} : memref<128xi32, #tpu.memory_space<vmem>>, vector<16xi32>,
    %shift_left3A_381 = arith.shli %get3A_380, %iota3A : vector<16xi32>
    %reduce_sum3A_382 = arith.constant true
    %reduce_sum3A_383 = vector.broadcast %reduce_sum3A_382 : i1 to vector<16xi1>
    %reduce_sum3A_384 = tpu.scan <sum>, %shift_left3A_381 masked %reduce_sum3A_383 : vector<16xi32>, vector<16xi1> -> vector<16xi32>
    %reduce_sum3A_385 = vector.extract %reduce_sum3A_384[15] : i32 from vector<16xi32>
    %get3A_386 = arith.constant 32 : index
    %get3A_387 = tpu.vector_load %arg11[%get3A_386] {strides = array<i32>} : memref<128xi32, #tpu.memory_space<vmem>>, vector<16xi32>,
    %shift_left3A_388 = arith.shli %get3A_387, %iota3A : vector<16xi32>
    %reduce_sum3A_389 = arith.constant true
    %reduce_sum3A_390 = vector.broadcast %reduce_sum3A_389 : i1 to vector<16xi1>
    %reduce_sum3A_391 = tpu.scan <sum>, %shift_left3A_388 masked %reduce_sum3A_390 : vector<16xi32>, vector<16xi1> -> vector<16xi32>
    %reduce_sum3A_392 = vector.extract %reduce_sum3A_391[15] : i32 from vector<16xi32>
    %get3A_393 = arith.constant 48 : index
    %get3A_394 = tpu.vector_load %arg11[%get3A_393] {strides = array<i32>} : memref<128xi32, #tpu.memory_space<vmem>>, vector<16xi32>,
    %shift_left3A_395 = arith.shli %get3A_394, %iota3A : vector<16xi32>
    %reduce_sum3A_396 = arith.constant true
    %reduce_sum3A_397 = vector.broadcast %reduce_sum3A_396 : i1 to vector<16xi1>
    %reduce_sum3A_398 = tpu.scan <sum>, %shift_left3A_395 masked %reduce_sum3A_397 : vector<16xi32>, vector<16xi1> -> vector<16xi32>
    %reduce_sum3A_399 = vector.extract %reduce_sum3A_398[15] : i32 from vector<16xi32>
    %shift_left3A_400 = arith.constant 16 : i32
    %shift_left3A_401 = arith.shli %reduce_sum3A_385, %shift_left3A_400 : i32
    %or3A_402 = arith.ori %reduce_sum3A_378, %shift_left3A_401 : i32
    %shift_left3A_403 = arith.constant 16 : i32
    %shift_left3A_404 = arith.shli %reduce_sum3A_399, %shift_left3A_403 : i32
    %or3A_405 = arith.ori %reduce_sum3A_392, %shift_left3A_404 : i32
    %eq3A_406 = arith.constant 0 : i32
    %eq3A_407 = vector.broadcast %eq3A_406 : i32 to vector<16xi32>
    %eq3A_408 = arith.cmpi eq, %iota3A, %eq3A_407 : vector<16xi32>
    %jit3A_409 = arith.constant 0 : i32
    %broadcast_in_dim3A_410 = vector.broadcast %or3A_402 : i32 to vector<16xi32>
    %broadcast_in_dim3A_411 = vector.broadcast %jit3A_409 : i32 to vector<16xi32>
    %select_n3A_412 = arith.select %eq3A_408, %broadcast_in_dim3A_410, %broadcast_in_dim3A_411 : vector<16xi1>, vector<16xi32>
    %eq3A_413 = arith.constant 1 : i32
    %eq3A_414 = vector.broadcast %eq3A_413 : i32 to vector<16xi32>
    %eq3A_415 = arith.cmpi eq, %iota3A, %eq3A_414 : vector<16xi32>
    %jit3A_416 = arith.constant 0 : i32
    %broadcast_in_dim3A_417 = vector.broadcast %or3A_405 : i32 to vector<16xi32>
    %broadcast_in_dim3A_418 = vector.broadcast %jit3A_416 : i32 to vector<16xi32>
    %select_n3A_419 = arith.select %eq3A_415, %broadcast_in_dim3A_417, %broadcast_in_dim3A_418 : vector<16xi1>, vector<16xi32>
    %or3A_420 = arith.ori %select_n3A_412, %select_n3A_419 : vector<16xi32>
    %eq3A_421 = arith.constant 2 : i32
    %eq3A_422 = vector.broadcast %eq3A_421 : i32 to vector<16xi32>
    %eq3A_423 = arith.cmpi eq, %iota3A, %eq3A_422 : vector<16xi32>
    %jit3A_424 = arith.constant 0 : i32
    %broadcast_in_dim3A_425 = vector.broadcast %squeeze3A_369 : i32 to vector<16xi32>
    %broadcast_in_dim3A_426 = vector.broadcast %jit3A_424 : i32 to vector<16xi32>
    %select_n3A_427 = arith.select %eq3A_423, %broadcast_in_dim3A_425, %broadcast_in_dim3A_426 : vector<16xi1>, vector<16xi32>
    %or3A_428 = arith.ori %or3A_420, %select_n3A_427 : vector<16xi32>
    %eq3A_429 = arith.constant 3 : i32
    %eq3A_430 = vector.broadcast %eq3A_429 : i32 to vector<16xi32>
    %eq3A_431 = arith.cmpi eq, %iota3A, %eq3A_430 : vector<16xi32>
    %jit3A_432 = arith.constant 0 : i32
    %broadcast_in_dim3A_433 = vector.broadcast %squeeze3A_371 : i32 to vector<16xi32>
    %broadcast_in_dim3A_434 = vector.broadcast %jit3A_432 : i32 to vector<16xi32>
    %select_n3A_435 = arith.select %eq3A_431, %broadcast_in_dim3A_433, %broadcast_in_dim3A_434 : vector<16xi1>, vector<16xi32>
    %or3A_436 = arith.ori %or3A_428, %select_n3A_435 : vector<16xi32>
    %swap3A_437 = arith.constant 0 : index
    %swap3A_438 = tpu.vector_load %arg12[%swap3A_437] {strides = array<i32>} : memref<16xi32, #tpu.memory_space<vmem>>, vector<16xi32>,
    tpu.vector_store %arg12[%swap3A_437], %or3A_436 {strides = array<i32>} : memref<16xi32, #tpu.memory_space<vmem>>, vector<16xi32>,
    %mul3A_439 = arith.constant 16 : i32
    %mul3A_440 = arith.muli %add3A_367, %mul3A_439 : i32
    "tpu.region"() ({
      %run_scoped3A = tpu.sem_alloc : memref<!tpu.dma_semaphore, #tpu.memory_space<semaphore_mem>>
      %dma_start3A_935 = tpu.memref_slice %arg14[%mul3A_440] : memref<1792xi32, #tpu.memory_space<vmem_shared>> -> memref<16xi32, #tpu.memory_space<vmem_shared>>
      %dma_start3A_936 = tpu.memref_slice %arg14[%mul3A_440] : memref<1792xi32, #tpu.memory_space<vmem_shared>> -> memref<16xi32, #tpu.memory_space<vmem_shared>>
      tpu.enqueue_dma source(%arg12 : memref<16xi32, #tpu.memory_space<vmem>>) target(%dma_start3A_936 : memref<16xi32, #tpu.memory_space<vmem_shared>>) target_semaphore(%run_scoped3A : memref<!tpu.dma_semaphore, #tpu.memory_space<semaphore_mem>>)
      %dma_wait3A_937 = tpu.memref_slice %arg14[%mul3A_440] : memref<1792xi32, #tpu.memory_space<vmem_shared>> -> memref<16xi32, #tpu.memory_space<vmem_shared>>
      %dma_wait3A_938 = tpu.memref_slice %arg14[%mul3A_440] : memref<1792xi32, #tpu.memory_space<vmem_shared>> -> memref<16xi32, #tpu.memory_space<vmem_shared>>
      tpu.wait_dma2 semaphore(%run_scoped3A : memref<!tpu.dma_semaphore, #tpu.memory_space<semaphore_mem>>) src(%arg12 : memref<16xi32, #tpu.memory_space<vmem>>) dst(%dma_wait3A_938 : memref<16xi32, #tpu.memory_space<vmem_shared>>)
      tpu.yield
    }) : () -> ()
    %mul3A_441 = arith.constant 4 : i32
    %mul3A_442 = arith.muli %arg1, %mul3A_441 : i32
    %add3A_443 = arith.constant 1 : i32
    %add3A_444 = arith.addi %mul3A_442, %add3A_443 : i32
    %add3A_445 = arith.constant 1 : i32
    %add3A_446 = arith.addi %add3A_444, %add3A_445 : i32
    %dma_start3A_447 = arith.constant 0 : i32
    %dma_start3A_448 = tpu.memref_slice %arg9[%dma_start3A_447] : memref<4224xi32, #tpu.memory_space<vmem>> -> memref<4096xi32, #tpu.memory_space<vmem>>
    %dma_start3A_449 = arith.constant 0 : i32
    %dma_start3A_450 = tpu.memref_slice %arg4[%add3A_446, %dma_start3A_449] : memref<64x4096xi32, #tpu.memory_space<hbm>> -> memref<1x4096xi32, #tpu.memory_space<hbm>>
    %dma_start3A_451 = tpu.memref_squeeze %dma_start3A_450 : memref<1x4096xi32, #tpu.memory_space<hbm>> -> memref<4096xi32, #tpu.memory_space<hbm>>
    %dma_start3A_452 = arith.constant 0 : i32
    %dma_start3A_453 = tpu.memref_slice %arg9[%dma_start3A_452] : memref<4224xi32, #tpu.memory_space<vmem>> -> memref<4096xi32, #tpu.memory_space<vmem>>
    %dma_start3A_454 = arith.constant 0 : i32
    %dma_start3A_455 = tpu.memref_slice %arg4[%add3A_446, %dma_start3A_454] : memref<64x4096xi32, #tpu.memory_space<hbm>> -> memref<1x4096xi32, #tpu.memory_space<hbm>>
    %dma_start3A_456 = tpu.memref_squeeze %dma_start3A_455 : memref<1x4096xi32, #tpu.memory_space<hbm>> -> memref<4096xi32, #tpu.memory_space<hbm>>
    tpu.enqueue_dma source(%dma_start3A_456 : memref<4096xi32, #tpu.memory_space<hbm>>) target(%dma_start3A_453 : memref<4096xi32, #tpu.memory_space<vmem>>) target_semaphore(%arg18 : memref<!tpu.dma_semaphore, #tpu.memory_space<semaphore_mem>>)
    %dma_wait3A_457 = arith.constant 0 : i32
    %dma_wait3A_458 = tpu.memref_slice %arg10[%dma_wait3A_457] : memref<4224xi32, #tpu.memory_space<vmem>> -> memref<4096xi32, #tpu.memory_space<vmem>>
    %dma_wait3A_459 = arith.constant 0 : i32
    %dma_wait3A_460 = tpu.memref_slice %arg4[%add3A_326, %dma_wait3A_459] : memref<64x4096xi32, #tpu.memory_space<hbm>> -> memref<1x4096xi32, #tpu.memory_space<hbm>>
    %dma_wait3A_461 = tpu.memref_squeeze %dma_wait3A_460 : memref<1x4096xi32, #tpu.memory_space<hbm>> -> memref<4096xi32, #tpu.memory_space<hbm>>
    %dma_wait3A_462 = arith.constant 0 : i32
    %dma_wait3A_463 = tpu.memref_slice %arg10[%dma_wait3A_462] : memref<4224xi32, #tpu.memory_space<vmem>> -> memref<4096xi32, #tpu.memory_space<vmem>>
    %dma_wait3A_464 = arith.constant 0 : i32
    %dma_wait3A_465 = tpu.memref_slice %arg4[%add3A_326, %dma_wait3A_464] : memref<64x4096xi32, #tpu.memory_space<hbm>> -> memref<1x4096xi32, #tpu.memory_space<hbm>>
    %dma_wait3A_466 = tpu.memref_squeeze %dma_wait3A_465 : memref<1x4096xi32, #tpu.memory_space<hbm>> -> memref<4096xi32, #tpu.memory_space<hbm>>
    tpu.wait_dma2 semaphore(%arg19 : memref<!tpu.dma_semaphore, #tpu.memory_space<semaphore_mem>>) src(%dma_wait3A_466 : memref<4096xi32, #tpu.memory_space<hbm>>) dst(%dma_wait3A_463 : memref<4096xi32, #tpu.memory_space<vmem>>)
    %mul3A_467 = arith.constant 4 : i32
    %mul3A_468 = arith.muli %arg1, %mul3A_467 : i32
    %add3A_469 = arith.constant 1 : i32
    %add3A_470 = arith.addi %mul3A_468, %add3A_469 : i32
    %swap3A_471 = arith.constant 0 : index
    %swap3A_472 = tpu.vector_load %arg11[%swap3A_471] {strides = array<i32>} : memref<128xi32, #tpu.memory_space<vmem>>, vector<16xi32>,
    tpu.vector_store %arg11[%swap3A_471], %broadcast_in_dim3A_2 {strides = array<i32>} : memref<128xi32, #tpu.memory_space<vmem>>, vector<16xi32>,
    %swap3A_473 = arith.constant 16 : index
    %swap3A_474 = tpu.vector_load %arg11[%swap3A_473] {strides = array<i32>} : memref<128xi32, #tpu.memory_space<vmem>>, vector<16xi32>,
    tpu.vector_store %arg11[%swap3A_473], %broadcast_in_dim3A_2 {strides = array<i32>} : memref<128xi32, #tpu.memory_space<vmem>>, vector<16xi32>,
    %swap3A_475 = arith.constant 32 : index
    %swap3A_476 = tpu.vector_load %arg11[%swap3A_475] {strides = array<i32>} : memref<128xi32, #tpu.memory_space<vmem>>, vector<16xi32>,
    tpu.vector_store %arg11[%swap3A_475], %broadcast_in_dim3A_2 {strides = array<i32>} : memref<128xi32, #tpu.memory_space<vmem>>, vector<16xi32>,
    %swap3A_477 = arith.constant 48 : index
    %swap3A_478 = tpu.vector_load %arg11[%swap3A_477] {strides = array<i32>} : memref<128xi32, #tpu.memory_space<vmem>>, vector<16xi32>,
    tpu.vector_store %arg11[%swap3A_477], %broadcast_in_dim3A_2 {strides = array<i32>} : memref<128xi32, #tpu.memory_space<vmem>>, vector<16xi32>,
    %parallel_loop3A_479 = arith.constant 0 : i32
    %parallel_loop3A_480 = arith.constant 256 : i32
    %parallel_loop3A_481 = arith.constant 1 : i32
    scf.for %parallel_loop3A_935 = %parallel_loop3A_479 to %parallel_loop3A_480 step %parallel_loop3A_481  : i32 {
      %parallel_loop3A_936 = arith.constant 16 : i32
      %parallel_loop3A_937 = arith.muli %parallel_loop3A_935, %parallel_loop3A_936 : i32
      %parallel_loop3A_938 = arith.index_cast %parallel_loop3A_937 : i32 to index
      %parallel_loop3A_939 = tpu.vector_load %arg10[%parallel_loop3A_938] {strides = array<i32>} : memref<4224xi32, #tpu.memory_space<vmem>>, vector<16xi32>,
      %parallel_loop3A_940 = arith.constant 1 : i32
      %parallel_loop3A_941 = arith.addi %parallel_loop3A_937, %parallel_loop3A_940 : i32
      %parallel_loop3A_942 = arith.index_cast %parallel_loop3A_941 : i32 to index
      %parallel_loop3A_943 = tpu.vector_load %arg10[%parallel_loop3A_942] {strides = array<i32>} : memref<4224xi32, #tpu.memory_space<vmem>>, vector<16xi32>,
      %parallel_loop3A_944 = arith.constant 8 : i32
      %parallel_loop3A_945 = vector.broadcast %parallel_loop3A_944 : i32 to vector<16xi32>
      %parallel_loop3A_946 = arith.muli %parallel_loop3A_939, %parallel_loop3A_945 : vector<16xi32>
      %parallel_loop3A_947 = arith.addi %parallel_loop3A_946, %parallel_loop3A_943 : vector<16xi32>
      %parallel_loop3A_948 = vector.broadcast %parallel_loop3A_937 : i32 to vector<16xi32>
      %parallel_loop3A_949 = arith.addi %parallel_loop3A_948, %iota3A : vector<16xi32>
      %parallel_loop3A_950 = arith.constant 4095 : i32
      %parallel_loop3A_951 = vector.broadcast %parallel_loop3A_950 : i32 to vector<16xi32>
      %parallel_loop3A_952 = arith.cmpi slt, %parallel_loop3A_949, %parallel_loop3A_951 : vector<16xi32>
      tpu.vector_store_idx %arg11[%parallel_loop3A_947], %broadcast_in_dim3A_0 masked %parallel_loop3A_952 : memref<128xi32, #tpu.memory_space<vmem>>[vector<16xi32>], vector<16xi32>, vector<16xi1>
    } {sc.loop_unroll_factor = 4 : i64, sc.parallel_access}
    %get3A_482 = arith.constant 0 : index
    %get3A_483 = tpu.vector_load %arg10[%get3A_482] {strides = array<i32>} : memref<4224xi32, #tpu.memory_space<vmem>>, vector<16xi32>,
    %get3A_484 = arith.constant 4080 : index
    %get3A_485 = tpu.vector_load %arg10[%get3A_484] {strides = array<i32>} : memref<4224xi32, #tpu.memory_space<vmem>>, vector<16xi32>,
    %add3A_486 = arith.constant 48 : i32
    %add3A_487 = arith.addi %add3A_486, %add3A_470 : i32
    %slice3A_488 = vector.extract_strided_slice %get3A_483 {offsets = [0], sizes = [1], strides = [1]} : vector<16xi32> to vector<1xi32>
    %squeeze3A_489 = vector.extract %slice3A_488[0] : i32 from vector<1xi32>
    %slice3A_490 = vector.extract_strided_slice %get3A_485 {offsets = [15], sizes = [1], strides = [1]} : vector<16xi32> to vector<1xi32>
    %squeeze3A_491 = vector.extract %slice3A_490[0] : i32 from vector<1xi32>
    %get3A_492 = arith.constant 0 : index
    %get3A_493 = tpu.vector_load %arg11[%get3A_492] {strides = array<i32>} : memref<128xi32, #tpu.memory_space<vmem>>, vector<16xi32>,
    %shift_left3A_494 = arith.shli %get3A_493, %iota3A : vector<16xi32>
    %reduce_sum3A_495 = arith.constant true
    %reduce_sum3A_496 = vector.broadcast %reduce_sum3A_495 : i1 to vector<16xi1>
    %reduce_sum3A_497 = tpu.scan <sum>, %shift_left3A_494 masked %reduce_sum3A_496 : vector<16xi32>, vector<16xi1> -> vector<16xi32>
    %reduce_sum3A_498 = vector.extract %reduce_sum3A_497[15] : i32 from vector<16xi32>
    %get3A_499 = arith.constant 16 : index
    %get3A_500 = tpu.vector_load %arg11[%get3A_499] {strides = array<i32>} : memref<128xi32, #tpu.memory_space<vmem>>, vector<16xi32>,
    %shift_left3A_501 = arith.shli %get3A_500, %iota3A : vector<16xi32>
    %reduce_sum3A_502 = arith.constant true
    %reduce_sum3A_503 = vector.broadcast %reduce_sum3A_502 : i1 to vector<16xi1>
    %reduce_sum3A_504 = tpu.scan <sum>, %shift_left3A_501 masked %reduce_sum3A_503 : vector<16xi32>, vector<16xi1> -> vector<16xi32>
    %reduce_sum3A_505 = vector.extract %reduce_sum3A_504[15] : i32 from vector<16xi32>
    %get3A_506 = arith.constant 32 : index
    %get3A_507 = tpu.vector_load %arg11[%get3A_506] {strides = array<i32>} : memref<128xi32, #tpu.memory_space<vmem>>, vector<16xi32>,
    %shift_left3A_508 = arith.shli %get3A_507, %iota3A : vector<16xi32>
    %reduce_sum3A_509 = arith.constant true
    %reduce_sum3A_510 = vector.broadcast %reduce_sum3A_509 : i1 to vector<16xi1>
    %reduce_sum3A_511 = tpu.scan <sum>, %shift_left3A_508 masked %reduce_sum3A_510 : vector<16xi32>, vector<16xi1> -> vector<16xi32>
    %reduce_sum3A_512 = vector.extract %reduce_sum3A_511[15] : i32 from vector<16xi32>
    %get3A_513 = arith.constant 48 : index
    %get3A_514 = tpu.vector_load %arg11[%get3A_513] {strides = array<i32>} : memref<128xi32, #tpu.memory_space<vmem>>, vector<16xi32>,
    %shift_left3A_515 = arith.shli %get3A_514, %iota3A : vector<16xi32>
    %reduce_sum3A_516 = arith.constant true
    %reduce_sum3A_517 = vector.broadcast %reduce_sum3A_516 : i1 to vector<16xi1>
    %reduce_sum3A_518 = tpu.scan <sum>, %shift_left3A_515 masked %reduce_sum3A_517 : vector<16xi32>, vector<16xi1> -> vector<16xi32>
    %reduce_sum3A_519 = vector.extract %reduce_sum3A_518[15] : i32 from vector<16xi32>
    %shift_left3A_520 = arith.constant 16 : i32
    %shift_left3A_521 = arith.shli %reduce_sum3A_505, %shift_left3A_520 : i32
    %or3A_522 = arith.ori %reduce_sum3A_498, %shift_left3A_521 : i32
    %shift_left3A_523 = arith.constant 16 : i32
    %shift_left3A_524 = arith.shli %reduce_sum3A_519, %shift_left3A_523 : i32
    %or3A_525 = arith.ori %reduce_sum3A_512, %shift_left3A_524 : i32
    %eq3A_526 = arith.constant 0 : i32
    %eq3A_527 = vector.broadcast %eq3A_526 : i32 to vector<16xi32>
    %eq3A_528 = arith.cmpi eq, %iota3A, %eq3A_527 : vector<16xi32>
    %jit3A_529 = arith.constant 0 : i32
    %broadcast_in_dim3A_530 = vector.broadcast %or3A_522 : i32 to vector<16xi32>
    %broadcast_in_dim3A_531 = vector.broadcast %jit3A_529 : i32 to vector<16xi32>
    %select_n3A_532 = arith.select %eq3A_528, %broadcast_in_dim3A_530, %broadcast_in_dim3A_531 : vector<16xi1>, vector<16xi32>
    %eq3A_533 = arith.constant 1 : i32
    %eq3A_534 = vector.broadcast %eq3A_533 : i32 to vector<16xi32>
    %eq3A_535 = arith.cmpi eq, %iota3A, %eq3A_534 : vector<16xi32>
    %jit3A_536 = arith.constant 0 : i32
    %broadcast_in_dim3A_537 = vector.broadcast %or3A_525 : i32 to vector<16xi32>
    %broadcast_in_dim3A_538 = vector.broadcast %jit3A_536 : i32 to vector<16xi32>
    %select_n3A_539 = arith.select %eq3A_535, %broadcast_in_dim3A_537, %broadcast_in_dim3A_538 : vector<16xi1>, vector<16xi32>
    %or3A_540 = arith.ori %select_n3A_532, %select_n3A_539 : vector<16xi32>
    %eq3A_541 = arith.constant 2 : i32
    %eq3A_542 = vector.broadcast %eq3A_541 : i32 to vector<16xi32>
    %eq3A_543 = arith.cmpi eq, %iota3A, %eq3A_542 : vector<16xi32>
    %jit3A_544 = arith.constant 0 : i32
    %broadcast_in_dim3A_545 = vector.broadcast %squeeze3A_489 : i32 to vector<16xi32>
    %broadcast_in_dim3A_546 = vector.broadcast %jit3A_544 : i32 to vector<16xi32>
    %select_n3A_547 = arith.select %eq3A_543, %broadcast_in_dim3A_545, %broadcast_in_dim3A_546 : vector<16xi1>, vector<16xi32>
    %or3A_548 = arith.ori %or3A_540, %select_n3A_547 : vector<16xi32>
    %eq3A_549 = arith.constant 3 : i32
    %eq3A_550 = vector.broadcast %eq3A_549 : i32 to vector<16xi32>
    %eq3A_551 = arith.cmpi eq, %iota3A, %eq3A_550 : vector<16xi32>
    %jit3A_552 = arith.constant 0 : i32
    %broadcast_in_dim3A_553 = vector.broadcast %squeeze3A_491 : i32 to vector<16xi32>
    %broadcast_in_dim3A_554 = vector.broadcast %jit3A_552 : i32 to vector<16xi32>
    %select_n3A_555 = arith.select %eq3A_551, %broadcast_in_dim3A_553, %broadcast_in_dim3A_554 : vector<16xi1>, vector<16xi32>
    %or3A_556 = arith.ori %or3A_548, %select_n3A_555 : vector<16xi32>
    %swap3A_557 = arith.constant 0 : index
    %swap3A_558 = tpu.vector_load %arg12[%swap3A_557] {strides = array<i32>} : memref<16xi32, #tpu.memory_space<vmem>>, vector<16xi32>,
    tpu.vector_store %arg12[%swap3A_557], %or3A_556 {strides = array<i32>} : memref<16xi32, #tpu.memory_space<vmem>>, vector<16xi32>,
    %mul3A_559 = arith.constant 16 : i32
    %mul3A_560 = arith.muli %add3A_487, %mul3A_559 : i32
    "tpu.region"() ({
      %run_scoped3A = tpu.sem_alloc : memref<!tpu.dma_semaphore, #tpu.memory_space<semaphore_mem>>
      %dma_start3A_935 = tpu.memref_slice %arg14[%mul3A_560] : memref<1792xi32, #tpu.memory_space<vmem_shared>> -> memref<16xi32, #tpu.memory_space<vmem_shared>>
      %dma_start3A_936 = tpu.memref_slice %arg14[%mul3A_560] : memref<1792xi32, #tpu.memory_space<vmem_shared>> -> memref<16xi32, #tpu.memory_space<vmem_shared>>
      tpu.enqueue_dma source(%arg12 : memref<16xi32, #tpu.memory_space<vmem>>) target(%dma_start3A_936 : memref<16xi32, #tpu.memory_space<vmem_shared>>) target_semaphore(%run_scoped3A : memref<!tpu.dma_semaphore, #tpu.memory_space<semaphore_mem>>)
      %dma_wait3A_937 = tpu.memref_slice %arg14[%mul3A_560] : memref<1792xi32, #tpu.memory_space<vmem_shared>> -> memref<16xi32, #tpu.memory_space<vmem_shared>>
      %dma_wait3A_938 = tpu.memref_slice %arg14[%mul3A_560] : memref<1792xi32, #tpu.memory_space<vmem_shared>> -> memref<16xi32, #tpu.memory_space<vmem_shared>>
      tpu.wait_dma2 semaphore(%run_scoped3A : memref<!tpu.dma_semaphore, #tpu.memory_space<semaphore_mem>>) src(%arg12 : memref<16xi32, #tpu.memory_space<vmem>>) dst(%dma_wait3A_938 : memref<16xi32, #tpu.memory_space<vmem_shared>>)
      tpu.yield
    }) : () -> ()
    %mul3A_561 = arith.constant 4 : i32
    %mul3A_562 = arith.muli %arg1, %mul3A_561 : i32
    %add3A_563 = arith.constant 2 : i32
    %add3A_564 = arith.addi %mul3A_562, %add3A_563 : i32
    %add3A_565 = arith.constant 1 : i32
    %add3A_566 = arith.addi %add3A_564, %add3A_565 : i32
    %dma_start3A_567 = arith.constant 0 : i32
    %dma_start3A_568 = tpu.memref_slice %arg10[%dma_start3A_567] : memref<4224xi32, #tpu.memory_space<vmem>> -> memref<4096xi32, #tpu.memory_space<vmem>>
    %dma_start3A_569 = arith.constant 0 : i32
    %dma_start3A_570 = tpu.memref_slice %arg4[%add3A_566, %dma_start3A_569] : memref<64x4096xi32, #tpu.memory_space<hbm>> -> memref<1x4096xi32, #tpu.memory_space<hbm>>
    %dma_start3A_571 = tpu.memref_squeeze %dma_start3A_570 : memref<1x4096xi32, #tpu.memory_space<hbm>> -> memref<4096xi32, #tpu.memory_space<hbm>>
    %dma_start3A_572 = arith.constant 0 : i32
    %dma_start3A_573 = tpu.memref_slice %arg10[%dma_start3A_572] : memref<4224xi32, #tpu.memory_space<vmem>> -> memref<4096xi32, #tpu.memory_space<vmem>>
    %dma_start3A_574 = arith.constant 0 : i32
    %dma_start3A_575 = tpu.memref_slice %arg4[%add3A_566, %dma_start3A_574] : memref<64x4096xi32, #tpu.memory_space<hbm>> -> memref<1x4096xi32, #tpu.memory_space<hbm>>
    %dma_start3A_576 = tpu.memref_squeeze %dma_start3A_575 : memref<1x4096xi32, #tpu.memory_space<hbm>> -> memref<4096xi32, #tpu.memory_space<hbm>>
    tpu.enqueue_dma source(%dma_start3A_576 : memref<4096xi32, #tpu.memory_space<hbm>>) target(%dma_start3A_573 : memref<4096xi32, #tpu.memory_space<vmem>>) target_semaphore(%arg19 : memref<!tpu.dma_semaphore, #tpu.memory_space<semaphore_mem>>)
    %dma_wait3A_577 = arith.constant 0 : i32
    %dma_wait3A_578 = tpu.memref_slice %arg9[%dma_wait3A_577] : memref<4224xi32, #tpu.memory_space<vmem>> -> memref<4096xi32, #tpu.memory_space<vmem>>
    %dma_wait3A_579 = arith.constant 0 : i32
    %dma_wait3A_580 = tpu.memref_slice %arg4[%add3A_446, %dma_wait3A_579] : memref<64x4096xi32, #tpu.memory_space<hbm>> -> memref<1x4096xi32, #tpu.memory_space<hbm>>
    %dma_wait3A_581 = tpu.memref_squeeze %dma_wait3A_580 : memref<1x4096xi32, #tpu.memory_space<hbm>> -> memref<4096xi32, #tpu.memory_space<hbm>>
    %dma_wait3A_582 = arith.constant 0 : i32
    %dma_wait3A_583 = tpu.memref_slice %arg9[%dma_wait3A_582] : memref<4224xi32, #tpu.memory_space<vmem>> -> memref<4096xi32, #tpu.memory_space<vmem>>
    %dma_wait3A_584 = arith.constant 0 : i32
    %dma_wait3A_585 = tpu.memref_slice %arg4[%add3A_446, %dma_wait3A_584] : memref<64x4096xi32, #tpu.memory_space<hbm>> -> memref<1x4096xi32, #tpu.memory_space<hbm>>
    %dma_wait3A_586 = tpu.memref_squeeze %dma_wait3A_585 : memref<1x4096xi32, #tpu.memory_space<hbm>> -> memref<4096xi32, #tpu.memory_space<hbm>>
    tpu.wait_dma2 semaphore(%arg18 : memref<!tpu.dma_semaphore, #tpu.memory_space<semaphore_mem>>) src(%dma_wait3A_586 : memref<4096xi32, #tpu.memory_space<hbm>>) dst(%dma_wait3A_583 : memref<4096xi32, #tpu.memory_space<vmem>>)
    %mul3A_587 = arith.constant 4 : i32
    %mul3A_588 = arith.muli %arg1, %mul3A_587 : i32
    %add3A_589 = arith.constant 2 : i32
    %add3A_590 = arith.addi %mul3A_588, %add3A_589 : i32
    %swap3A_591 = arith.constant 0 : index
    %swap3A_592 = tpu.vector_load %arg11[%swap3A_591] {strides = array<i32>} : memref<128xi32, #tpu.memory_space<vmem>>, vector<16xi32>,
    tpu.vector_store %arg11[%swap3A_591], %broadcast_in_dim3A_2 {strides = array<i32>} : memref<128xi32, #tpu.memory_space<vmem>>, vector<16xi32>,
    %swap3A_593 = arith.constant 16 : index
    %swap3A_594 = tpu.vector_load %arg11[%swap3A_593] {strides = array<i32>} : memref<128xi32, #tpu.memory_space<vmem>>, vector<16xi32>,
    tpu.vector_store %arg11[%swap3A_593], %broadcast_in_dim3A_2 {strides = array<i32>} : memref<128xi32, #tpu.memory_space<vmem>>, vector<16xi32>,
    %swap3A_595 = arith.constant 32 : index
    %swap3A_596 = tpu.vector_load %arg11[%swap3A_595] {strides = array<i32>} : memref<128xi32, #tpu.memory_space<vmem>>, vector<16xi32>,
    tpu.vector_store %arg11[%swap3A_595], %broadcast_in_dim3A_2 {strides = array<i32>} : memref<128xi32, #tpu.memory_space<vmem>>, vector<16xi32>,
    %swap3A_597 = arith.constant 48 : index
    %swap3A_598 = tpu.vector_load %arg11[%swap3A_597] {strides = array<i32>} : memref<128xi32, #tpu.memory_space<vmem>>, vector<16xi32>,
    tpu.vector_store %arg11[%swap3A_597], %broadcast_in_dim3A_2 {strides = array<i32>} : memref<128xi32, #tpu.memory_space<vmem>>, vector<16xi32>,
    %parallel_loop3A_599 = arith.constant 0 : i32
    %parallel_loop3A_600 = arith.constant 256 : i32
    %parallel_loop3A_601 = arith.constant 1 : i32
    scf.for %parallel_loop3A_935 = %parallel_loop3A_599 to %parallel_loop3A_600 step %parallel_loop3A_601  : i32 {
      %parallel_loop3A_936 = arith.constant 16 : i32
      %parallel_loop3A_937 = arith.muli %parallel_loop3A_935, %parallel_loop3A_936 : i32
      %parallel_loop3A_938 = arith.index_cast %parallel_loop3A_937 : i32 to index
      %parallel_loop3A_939 = tpu.vector_load %arg9[%parallel_loop3A_938] {strides = array<i32>} : memref<4224xi32, #tpu.memory_space<vmem>>, vector<16xi32>,
      %parallel_loop3A_940 = arith.constant 1 : i32
      %parallel_loop3A_941 = arith.addi %parallel_loop3A_937, %parallel_loop3A_940 : i32
      %parallel_loop3A_942 = arith.index_cast %parallel_loop3A_941 : i32 to index
      %parallel_loop3A_943 = tpu.vector_load %arg9[%parallel_loop3A_942] {strides = array<i32>} : memref<4224xi32, #tpu.memory_space<vmem>>, vector<16xi32>,
      %parallel_loop3A_944 = arith.constant 8 : i32
      %parallel_loop3A_945 = vector.broadcast %parallel_loop3A_944 : i32 to vector<16xi32>
      %parallel_loop3A_946 = arith.muli %parallel_loop3A_939, %parallel_loop3A_945 : vector<16xi32>
      %parallel_loop3A_947 = arith.addi %parallel_loop3A_946, %parallel_loop3A_943 : vector<16xi32>
      %parallel_loop3A_948 = vector.broadcast %parallel_loop3A_937 : i32 to vector<16xi32>
      %parallel_loop3A_949 = arith.addi %parallel_loop3A_948, %iota3A : vector<16xi32>
      %parallel_loop3A_950 = arith.constant 4095 : i32
      %parallel_loop3A_951 = vector.broadcast %parallel_loop3A_950 : i32 to vector<16xi32>
      %parallel_loop3A_952 = arith.cmpi slt, %parallel_loop3A_949, %parallel_loop3A_951 : vector<16xi32>
      tpu.vector_store_idx %arg11[%parallel_loop3A_947], %broadcast_in_dim3A_0 masked %parallel_loop3A_952 : memref<128xi32, #tpu.memory_space<vmem>>[vector<16xi32>], vector<16xi32>, vector<16xi1>
    } {sc.loop_unroll_factor = 4 : i64, sc.parallel_access}
    %get3A_602 = arith.constant 0 : index
    %get3A_603 = tpu.vector_load %arg9[%get3A_602] {strides = array<i32>} : memref<4224xi32, #tpu.memory_space<vmem>>, vector<16xi32>,
    %get3A_604 = arith.constant 4080 : index
    %get3A_605 = tpu.vector_load %arg9[%get3A_604] {strides = array<i32>} : memref<4224xi32, #tpu.memory_space<vmem>>, vector<16xi32>,
    %add3A_606 = arith.constant 48 : i32
    %add3A_607 = arith.addi %add3A_606, %add3A_590 : i32
    %slice3A_608 = vector.extract_strided_slice %get3A_603 {offsets = [0], sizes = [1], strides = [1]} : vector<16xi32> to vector<1xi32>
    %squeeze3A_609 = vector.extract %slice3A_608[0] : i32 from vector<1xi32>
    %slice3A_610 = vector.extract_strided_slice %get3A_605 {offsets = [15], sizes = [1], strides = [1]} : vector<16xi32> to vector<1xi32>
    %squeeze3A_611 = vector.extract %slice3A_610[0] : i32 from vector<1xi32>
    %get3A_612 = arith.constant 0 : index
    %get3A_613 = tpu.vector_load %arg11[%get3A_612] {strides = array<i32>} : memref<128xi32, #tpu.memory_space<vmem>>, vector<16xi32>,
    %shift_left3A_614 = arith.shli %get3A_613, %iota3A : vector<16xi32>
    %reduce_sum3A_615 = arith.constant true
    %reduce_sum3A_616 = vector.broadcast %reduce_sum3A_615 : i1 to vector<16xi1>
    %reduce_sum3A_617 = tpu.scan <sum>, %shift_left3A_614 masked %reduce_sum3A_616 : vector<16xi32>, vector<16xi1> -> vector<16xi32>
    %reduce_sum3A_618 = vector.extract %reduce_sum3A_617[15] : i32 from vector<16xi32>
    %get3A_619 = arith.constant 16 : index
    %get3A_620 = tpu.vector_load %arg11[%get3A_619] {strides = array<i32>} : memref<128xi32, #tpu.memory_space<vmem>>, vector<16xi32>,
    %shift_left3A_621 = arith.shli %get3A_620, %iota3A : vector<16xi32>
    %reduce_sum3A_622 = arith.constant true
    %reduce_sum3A_623 = vector.broadcast %reduce_sum3A_622 : i1 to vector<16xi1>
    %reduce_sum3A_624 = tpu.scan <sum>, %shift_left3A_621 masked %reduce_sum3A_623 : vector<16xi32>, vector<16xi1> -> vector<16xi32>
    %reduce_sum3A_625 = vector.extract %reduce_sum3A_624[15] : i32 from vector<16xi32>
    %get3A_626 = arith.constant 32 : index
    %get3A_627 = tpu.vector_load %arg11[%get3A_626] {strides = array<i32>} : memref<128xi32, #tpu.memory_space<vmem>>, vector<16xi32>,
    %shift_left3A_628 = arith.shli %get3A_627, %iota3A : vector<16xi32>
    %reduce_sum3A_629 = arith.constant true
    %reduce_sum3A_630 = vector.broadcast %reduce_sum3A_629 : i1 to vector<16xi1>
    %reduce_sum3A_631 = tpu.scan <sum>, %shift_left3A_628 masked %reduce_sum3A_630 : vector<16xi32>, vector<16xi1> -> vector<16xi32>
    %reduce_sum3A_632 = vector.extract %reduce_sum3A_631[15] : i32 from vector<16xi32>
    %get3A_633 = arith.constant 48 : index
    %get3A_634 = tpu.vector_load %arg11[%get3A_633] {strides = array<i32>} : memref<128xi32, #tpu.memory_space<vmem>>, vector<16xi32>,
    %shift_left3A_635 = arith.shli %get3A_634, %iota3A : vector<16xi32>
    %reduce_sum3A_636 = arith.constant true
    %reduce_sum3A_637 = vector.broadcast %reduce_sum3A_636 : i1 to vector<16xi1>
    %reduce_sum3A_638 = tpu.scan <sum>, %shift_left3A_635 masked %reduce_sum3A_637 : vector<16xi32>, vector<16xi1> -> vector<16xi32>
    %reduce_sum3A_639 = vector.extract %reduce_sum3A_638[15] : i32 from vector<16xi32>
    %shift_left3A_640 = arith.constant 16 : i32
    %shift_left3A_641 = arith.shli %reduce_sum3A_625, %shift_left3A_640 : i32
    %or3A_642 = arith.ori %reduce_sum3A_618, %shift_left3A_641 : i32
    %shift_left3A_643 = arith.constant 16 : i32
    %shift_left3A_644 = arith.shli %reduce_sum3A_639, %shift_left3A_643 : i32
    %or3A_645 = arith.ori %reduce_sum3A_632, %shift_left3A_644 : i32
    %eq3A_646 = arith.constant 0 : i32
    %eq3A_647 = vector.broadcast %eq3A_646 : i32 to vector<16xi32>
    %eq3A_648 = arith.cmpi eq, %iota3A, %eq3A_647 : vector<16xi32>
    %jit3A_649 = arith.constant 0 : i32
    %broadcast_in_dim3A_650 = vector.broadcast %or3A_642 : i32 to vector<16xi32>
    %broadcast_in_dim3A_651 = vector.broadcast %jit3A_649 : i32 to vector<16xi32>
    %select_n3A_652 = arith.select %eq3A_648, %broadcast_in_dim3A_650, %broadcast_in_dim3A_651 : vector<16xi1>, vector<16xi32>
    %eq3A_653 = arith.constant 1 : i32
    %eq3A_654 = vector.broadcast %eq3A_653 : i32 to vector<16xi32>
    %eq3A_655 = arith.cmpi eq, %iota3A, %eq3A_654 : vector<16xi32>
    %jit3A_656 = arith.constant 0 : i32
    %broadcast_in_dim3A_657 = vector.broadcast %or3A_645 : i32 to vector<16xi32>
    %broadcast_in_dim3A_658 = vector.broadcast %jit3A_656 : i32 to vector<16xi32>
    %select_n3A_659 = arith.select %eq3A_655, %broadcast_in_dim3A_657, %broadcast_in_dim3A_658 : vector<16xi1>, vector<16xi32>
    %or3A_660 = arith.ori %select_n3A_652, %select_n3A_659 : vector<16xi32>
    %eq3A_661 = arith.constant 2 : i32
    %eq3A_662 = vector.broadcast %eq3A_661 : i32 to vector<16xi32>
    %eq3A_663 = arith.cmpi eq, %iota3A, %eq3A_662 : vector<16xi32>
    %jit3A_664 = arith.constant 0 : i32
    %broadcast_in_dim3A_665 = vector.broadcast %squeeze3A_609 : i32 to vector<16xi32>
    %broadcast_in_dim3A_666 = vector.broadcast %jit3A_664 : i32 to vector<16xi32>
    %select_n3A_667 = arith.select %eq3A_663, %broadcast_in_dim3A_665, %broadcast_in_dim3A_666 : vector<16xi1>, vector<16xi32>
    %or3A_668 = arith.ori %or3A_660, %select_n3A_667 : vector<16xi32>
    %eq3A_669 = arith.constant 3 : i32
    %eq3A_670 = vector.broadcast %eq3A_669 : i32 to vector<16xi32>
    %eq3A_671 = arith.cmpi eq, %iota3A, %eq3A_670 : vector<16xi32>
    %jit3A_672 = arith.constant 0 : i32
    %broadcast_in_dim3A_673 = vector.broadcast %squeeze3A_611 : i32 to vector<16xi32>
    %broadcast_in_dim3A_674 = vector.broadcast %jit3A_672 : i32 to vector<16xi32>
    %select_n3A_675 = arith.select %eq3A_671, %broadcast_in_dim3A_673, %broadcast_in_dim3A_674 : vector<16xi1>, vector<16xi32>
    %or3A_676 = arith.ori %or3A_668, %select_n3A_675 : vector<16xi32>
    %swap3A_677 = arith.constant 0 : index
    %swap3A_678 = tpu.vector_load %arg12[%swap3A_677] {strides = array<i32>} : memref<16xi32, #tpu.memory_space<vmem>>, vector<16xi32>,
    tpu.vector_store %arg12[%swap3A_677], %or3A_676 {strides = array<i32>} : memref<16xi32, #tpu.memory_space<vmem>>, vector<16xi32>,
    %mul3A_679 = arith.constant 16 : i32
    %mul3A_680 = arith.muli %add3A_607, %mul3A_679 : i32
    "tpu.region"() ({
      %run_scoped3A = tpu.sem_alloc : memref<!tpu.dma_semaphore, #tpu.memory_space<semaphore_mem>>
      %dma_start3A_935 = tpu.memref_slice %arg14[%mul3A_680] : memref<1792xi32, #tpu.memory_space<vmem_shared>> -> memref<16xi32, #tpu.memory_space<vmem_shared>>
      %dma_start3A_936 = tpu.memref_slice %arg14[%mul3A_680] : memref<1792xi32, #tpu.memory_space<vmem_shared>> -> memref<16xi32, #tpu.memory_space<vmem_shared>>
      tpu.enqueue_dma source(%arg12 : memref<16xi32, #tpu.memory_space<vmem>>) target(%dma_start3A_936 : memref<16xi32, #tpu.memory_space<vmem_shared>>) target_semaphore(%run_scoped3A : memref<!tpu.dma_semaphore, #tpu.memory_space<semaphore_mem>>)
      %dma_wait3A_937 = tpu.memref_slice %arg14[%mul3A_680] : memref<1792xi32, #tpu.memory_space<vmem_shared>> -> memref<16xi32, #tpu.memory_space<vmem_shared>>
      %dma_wait3A_938 = tpu.memref_slice %arg14[%mul3A_680] : memref<1792xi32, #tpu.memory_space<vmem_shared>> -> memref<16xi32, #tpu.memory_space<vmem_shared>>
      tpu.wait_dma2 semaphore(%run_scoped3A : memref<!tpu.dma_semaphore, #tpu.memory_space<semaphore_mem>>) src(%arg12 : memref<16xi32, #tpu.memory_space<vmem>>) dst(%dma_wait3A_938 : memref<16xi32, #tpu.memory_space<vmem_shared>>)
      tpu.yield
    }) : () -> ()
    %dma_wait3A_681 = arith.constant 0 : i32
    %dma_wait3A_682 = tpu.memref_slice %arg10[%dma_wait3A_681] : memref<4224xi32, #tpu.memory_space<vmem>> -> memref<4096xi32, #tpu.memory_space<vmem>>
    %dma_wait3A_683 = arith.constant 0 : i32
    %dma_wait3A_684 = tpu.memref_slice %arg4[%add3A_566, %dma_wait3A_683] : memref<64x4096xi32, #tpu.memory_space<hbm>> -> memref<1x4096xi32, #tpu.memory_space<hbm>>
    %dma_wait3A_685 = tpu.memref_squeeze %dma_wait3A_684 : memref<1x4096xi32, #tpu.memory_space<hbm>> -> memref<4096xi32, #tpu.memory_space<hbm>>
    %dma_wait3A_686 = arith.constant 0 : i32
    %dma_wait3A_687 = tpu.memref_slice %arg10[%dma_wait3A_686] : memref<4224xi32, #tpu.memory_space<vmem>> -> memref<4096xi32, #tpu.memory_space<vmem>>
    %dma_wait3A_688 = arith.constant 0 : i32
    %dma_wait3A_689 = tpu.memref_slice %arg4[%add3A_566, %dma_wait3A_688] : memref<64x4096xi32, #tpu.memory_space<hbm>> -> memref<1x4096xi32, #tpu.memory_space<hbm>>
    %dma_wait3A_690 = tpu.memref_squeeze %dma_wait3A_689 : memref<1x4096xi32, #tpu.memory_space<hbm>> -> memref<4096xi32, #tpu.memory_space<hbm>>
    tpu.wait_dma2 semaphore(%arg19 : memref<!tpu.dma_semaphore, #tpu.memory_space<semaphore_mem>>) src(%dma_wait3A_690 : memref<4096xi32, #tpu.memory_space<hbm>>) dst(%dma_wait3A_687 : memref<4096xi32, #tpu.memory_space<vmem>>)
    %mul3A_691 = arith.constant 4 : i32
    %mul3A_692 = arith.muli %arg1, %mul3A_691 : i32
    %add3A_693 = arith.constant 3 : i32
    %add3A_694 = arith.addi %mul3A_692, %add3A_693 : i32
    %swap3A_695 = arith.constant 0 : index
    %swap3A_696 = tpu.vector_load %arg11[%swap3A_695] {strides = array<i32>} : memref<128xi32, #tpu.memory_space<vmem>>, vector<16xi32>,
    tpu.vector_store %arg11[%swap3A_695], %broadcast_in_dim3A_2 {strides = array<i32>} : memref<128xi32, #tpu.memory_space<vmem>>, vector<16xi32>,
    %swap3A_697 = arith.constant 16 : index
    %swap3A_698 = tpu.vector_load %arg11[%swap3A_697] {strides = array<i32>} : memref<128xi32, #tpu.memory_space<vmem>>, vector<16xi32>,
    tpu.vector_store %arg11[%swap3A_697], %broadcast_in_dim3A_2 {strides = array<i32>} : memref<128xi32, #tpu.memory_space<vmem>>, vector<16xi32>,
    %swap3A_699 = arith.constant 32 : index
    %swap3A_700 = tpu.vector_load %arg11[%swap3A_699] {strides = array<i32>} : memref<128xi32, #tpu.memory_space<vmem>>, vector<16xi32>,
    tpu.vector_store %arg11[%swap3A_699], %broadcast_in_dim3A_2 {strides = array<i32>} : memref<128xi32, #tpu.memory_space<vmem>>, vector<16xi32>,
    %swap3A_701 = arith.constant 48 : index
    %swap3A_702 = tpu.vector_load %arg11[%swap3A_701] {strides = array<i32>} : memref<128xi32, #tpu.memory_space<vmem>>, vector<16xi32>,
    tpu.vector_store %arg11[%swap3A_701], %broadcast_in_dim3A_2 {strides = array<i32>} : memref<128xi32, #tpu.memory_space<vmem>>, vector<16xi32>,
    %parallel_loop3A_703 = arith.constant 0 : i32
    %parallel_loop3A_704 = arith.constant 256 : i32
    %parallel_loop3A_705 = arith.constant 1 : i32
    scf.for %parallel_loop3A_935 = %parallel_loop3A_703 to %parallel_loop3A_704 step %parallel_loop3A_705  : i32 {
      %parallel_loop3A_936 = arith.constant 16 : i32
      %parallel_loop3A_937 = arith.muli %parallel_loop3A_935, %parallel_loop3A_936 : i32
      %parallel_loop3A_938 = arith.index_cast %parallel_loop3A_937 : i32 to index
      %parallel_loop3A_939 = tpu.vector_load %arg10[%parallel_loop3A_938] {strides = array<i32>} : memref<4224xi32, #tpu.memory_space<vmem>>, vector<16xi32>,
      %parallel_loop3A_940 = arith.constant 1 : i32
      %parallel_loop3A_941 = arith.addi %parallel_loop3A_937, %parallel_loop3A_940 : i32
      %parallel_loop3A_942 = arith.index_cast %parallel_loop3A_941 : i32 to index
      %parallel_loop3A_943 = tpu.vector_load %arg10[%parallel_loop3A_942] {strides = array<i32>} : memref<4224xi32, #tpu.memory_space<vmem>>, vector<16xi32>,
      %parallel_loop3A_944 = arith.constant 8 : i32
      %parallel_loop3A_945 = vector.broadcast %parallel_loop3A_944 : i32 to vector<16xi32>
      %parallel_loop3A_946 = arith.muli %parallel_loop3A_939, %parallel_loop3A_945 : vector<16xi32>
      %parallel_loop3A_947 = arith.addi %parallel_loop3A_946, %parallel_loop3A_943 : vector<16xi32>
      %parallel_loop3A_948 = vector.broadcast %parallel_loop3A_937 : i32 to vector<16xi32>
      %parallel_loop3A_949 = arith.addi %parallel_loop3A_948, %iota3A : vector<16xi32>
      %parallel_loop3A_950 = arith.constant 4095 : i32
      %parallel_loop3A_951 = vector.broadcast %parallel_loop3A_950 : i32 to vector<16xi32>
      %parallel_loop3A_952 = arith.cmpi slt, %parallel_loop3A_949, %parallel_loop3A_951 : vector<16xi32>
      tpu.vector_store_idx %arg11[%parallel_loop3A_947], %broadcast_in_dim3A_0 masked %parallel_loop3A_952 : memref<128xi32, #tpu.memory_space<vmem>>[vector<16xi32>], vector<16xi32>, vector<16xi1>
    } {sc.loop_unroll_factor = 4 : i64, sc.parallel_access}
    %get3A_706 = arith.constant 0 : index
    %get3A_707 = tpu.vector_load %arg10[%get3A_706] {strides = array<i32>} : memref<4224xi32, #tpu.memory_space<vmem>>, vector<16xi32>,
    %get3A_708 = arith.constant 4080 : index
    %get3A_709 = tpu.vector_load %arg10[%get3A_708] {strides = array<i32>} : memref<4224xi32, #tpu.memory_space<vmem>>, vector<16xi32>,
    %add3A_710 = arith.constant 48 : i32
    %add3A_711 = arith.addi %add3A_710, %add3A_694 : i32
    %slice3A_712 = vector.extract_strided_slice %get3A_707 {offsets = [0], sizes = [1], strides = [1]} : vector<16xi32> to vector<1xi32>
    %squeeze3A_713 = vector.extract %slice3A_712[0] : i32 from vector<1xi32>
    %slice3A_714 = vector.extract_strided_slice %get3A_709 {offsets = [15], sizes = [1], strides = [1]} : vector<16xi32> to vector<1xi32>
    %squeeze3A_715 = vector.extract %slice3A_714[0] : i32 from vector<1xi32>
    %get3A_716 = arith.constant 0 : index
    %get3A_717 = tpu.vector_load %arg11[%get3A_716] {strides = array<i32>} : memref<128xi32, #tpu.memory_space<vmem>>, vector<16xi32>,
    %shift_left3A_718 = arith.shli %get3A_717, %iota3A : vector<16xi32>
    %reduce_sum3A_719 = arith.constant true
    %reduce_sum3A_720 = vector.broadcast %reduce_sum3A_719 : i1 to vector<16xi1>
    %reduce_sum3A_721 = tpu.scan <sum>, %shift_left3A_718 masked %reduce_sum3A_720 : vector<16xi32>, vector<16xi1> -> vector<16xi32>
    %reduce_sum3A_722 = vector.extract %reduce_sum3A_721[15] : i32 from vector<16xi32>
    %get3A_723 = arith.constant 16 : index
    %get3A_724 = tpu.vector_load %arg11[%get3A_723] {strides = array<i32>} : memref<128xi32, #tpu.memory_space<vmem>>, vector<16xi32>,
    %shift_left3A_725 = arith.shli %get3A_724, %iota3A : vector<16xi32>
    %reduce_sum3A_726 = arith.constant true
    %reduce_sum3A_727 = vector.broadcast %reduce_sum3A_726 : i1 to vector<16xi1>
    %reduce_sum3A_728 = tpu.scan <sum>, %shift_left3A_725 masked %reduce_sum3A_727 : vector<16xi32>, vector<16xi1> -> vector<16xi32>
    %reduce_sum3A_729 = vector.extract %reduce_sum3A_728[15] : i32 from vector<16xi32>
    %get3A_730 = arith.constant 32 : index
    %get3A_731 = tpu.vector_load %arg11[%get3A_730] {strides = array<i32>} : memref<128xi32, #tpu.memory_space<vmem>>, vector<16xi32>,
    %shift_left3A_732 = arith.shli %get3A_731, %iota3A : vector<16xi32>
    %reduce_sum3A_733 = arith.constant true
    %reduce_sum3A_734 = vector.broadcast %reduce_sum3A_733 : i1 to vector<16xi1>
    %reduce_sum3A_735 = tpu.scan <sum>, %shift_left3A_732 masked %reduce_sum3A_734 : vector<16xi32>, vector<16xi1> -> vector<16xi32>
    %reduce_sum3A_736 = vector.extract %reduce_sum3A_735[15] : i32 from vector<16xi32>
    %get3A_737 = arith.constant 48 : index
    %get3A_738 = tpu.vector_load %arg11[%get3A_737] {strides = array<i32>} : memref<128xi32, #tpu.memory_space<vmem>>, vector<16xi32>,
    %shift_left3A_739 = arith.shli %get3A_738, %iota3A : vector<16xi32>
    %reduce_sum3A_740 = arith.constant true
    %reduce_sum3A_741 = vector.broadcast %reduce_sum3A_740 : i1 to vector<16xi1>
    %reduce_sum3A_742 = tpu.scan <sum>, %shift_left3A_739 masked %reduce_sum3A_741 : vector<16xi32>, vector<16xi1> -> vector<16xi32>
    %reduce_sum3A_743 = vector.extract %reduce_sum3A_742[15] : i32 from vector<16xi32>
    %shift_left3A_744 = arith.constant 16 : i32
    %shift_left3A_745 = arith.shli %reduce_sum3A_729, %shift_left3A_744 : i32
    %or3A_746 = arith.ori %reduce_sum3A_722, %shift_left3A_745 : i32
    %shift_left3A_747 = arith.constant 16 : i32
    %shift_left3A_748 = arith.shli %reduce_sum3A_743, %shift_left3A_747 : i32
    %or3A_749 = arith.ori %reduce_sum3A_736, %shift_left3A_748 : i32
    %eq3A_750 = arith.constant 0 : i32
    %eq3A_751 = vector.broadcast %eq3A_750 : i32 to vector<16xi32>
    %eq3A_752 = arith.cmpi eq, %iota3A, %eq3A_751 : vector<16xi32>
    %jit3A_753 = arith.constant 0 : i32
    %broadcast_in_dim3A_754 = vector.broadcast %or3A_746 : i32 to vector<16xi32>
    %broadcast_in_dim3A_755 = vector.broadcast %jit3A_753 : i32 to vector<16xi32>
    %select_n3A_756 = arith.select %eq3A_752, %broadcast_in_dim3A_754, %broadcast_in_dim3A_755 : vector<16xi1>, vector<16xi32>
    %eq3A_757 = arith.constant 1 : i32
    %eq3A_758 = vector.broadcast %eq3A_757 : i32 to vector<16xi32>
    %eq3A_759 = arith.cmpi eq, %iota3A, %eq3A_758 : vector<16xi32>
    %jit3A_760 = arith.constant 0 : i32
    %broadcast_in_dim3A_761 = vector.broadcast %or3A_749 : i32 to vector<16xi32>
    %broadcast_in_dim3A_762 = vector.broadcast %jit3A_760 : i32 to vector<16xi32>
    %select_n3A_763 = arith.select %eq3A_759, %broadcast_in_dim3A_761, %broadcast_in_dim3A_762 : vector<16xi1>, vector<16xi32>
    %or3A_764 = arith.ori %select_n3A_756, %select_n3A_763 : vector<16xi32>
    %eq3A_765 = arith.constant 2 : i32
    %eq3A_766 = vector.broadcast %eq3A_765 : i32 to vector<16xi32>
    %eq3A_767 = arith.cmpi eq, %iota3A, %eq3A_766 : vector<16xi32>
    %jit3A_768 = arith.constant 0 : i32
    %broadcast_in_dim3A_769 = vector.broadcast %squeeze3A_713 : i32 to vector<16xi32>
    %broadcast_in_dim3A_770 = vector.broadcast %jit3A_768 : i32 to vector<16xi32>
    %select_n3A_771 = arith.select %eq3A_767, %broadcast_in_dim3A_769, %broadcast_in_dim3A_770 : vector<16xi1>, vector<16xi32>
    %or3A_772 = arith.ori %or3A_764, %select_n3A_771 : vector<16xi32>
    %eq3A_773 = arith.constant 3 : i32
    %eq3A_774 = vector.broadcast %eq3A_773 : i32 to vector<16xi32>
    %eq3A_775 = arith.cmpi eq, %iota3A, %eq3A_774 : vector<16xi32>
    %jit3A_776 = arith.constant 0 : i32
    %broadcast_in_dim3A_777 = vector.broadcast %squeeze3A_715 : i32 to vector<16xi32>
    %broadcast_in_dim3A_778 = vector.broadcast %jit3A_776 : i32 to vector<16xi32>
    %select_n3A_779 = arith.select %eq3A_775, %broadcast_in_dim3A_777, %broadcast_in_dim3A_778 : vector<16xi1>, vector<16xi32>
    %or3A_780 = arith.ori %or3A_772, %select_n3A_779 : vector<16xi32>
    %swap3A_781 = arith.constant 0 : index
    %swap3A_782 = tpu.vector_load %arg12[%swap3A_781] {strides = array<i32>} : memref<16xi32, #tpu.memory_space<vmem>>, vector<16xi32>,
    tpu.vector_store %arg12[%swap3A_781], %or3A_780 {strides = array<i32>} : memref<16xi32, #tpu.memory_space<vmem>>, vector<16xi32>,
    %mul3A_783 = arith.constant 16 : i32
    %mul3A_784 = arith.muli %add3A_711, %mul3A_783 : i32
    "tpu.region"() ({
      %run_scoped3A = tpu.sem_alloc : memref<!tpu.dma_semaphore, #tpu.memory_space<semaphore_mem>>
      %dma_start3A_935 = tpu.memref_slice %arg14[%mul3A_784] : memref<1792xi32, #tpu.memory_space<vmem_shared>> -> memref<16xi32, #tpu.memory_space<vmem_shared>>
      %dma_start3A_936 = tpu.memref_slice %arg14[%mul3A_784] : memref<1792xi32, #tpu.memory_space<vmem_shared>> -> memref<16xi32, #tpu.memory_space<vmem_shared>>
      tpu.enqueue_dma source(%arg12 : memref<16xi32, #tpu.memory_space<vmem>>) target(%dma_start3A_936 : memref<16xi32, #tpu.memory_space<vmem_shared>>) target_semaphore(%run_scoped3A : memref<!tpu.dma_semaphore, #tpu.memory_space<semaphore_mem>>)
      %dma_wait3A_937 = tpu.memref_slice %arg14[%mul3A_784] : memref<1792xi32, #tpu.memory_space<vmem_shared>> -> memref<16xi32, #tpu.memory_space<vmem_shared>>
      %dma_wait3A_938 = tpu.memref_slice %arg14[%mul3A_784] : memref<1792xi32, #tpu.memory_space<vmem_shared>> -> memref<16xi32, #tpu.memory_space<vmem_shared>>
      tpu.wait_dma2 semaphore(%run_scoped3A : memref<!tpu.dma_semaphore, #tpu.memory_space<semaphore_mem>>) src(%arg12 : memref<16xi32, #tpu.memory_space<vmem>>) dst(%dma_wait3A_938 : memref<16xi32, #tpu.memory_space<vmem_shared>>)
      tpu.yield
    }) : () -> ()
    %barrier3A = arith.constant 0 : index
    tpu.barrier barrier_id(%barrier3A)
    "tpu.region"() ({
      %run_scoped3A = tpu.sem_alloc : memref<!tpu.dma_semaphore, #tpu.memory_space<semaphore_mem>>
      tpu.enqueue_dma source(%arg14 : memref<1792xi32, #tpu.memory_space<vmem_shared>>) target(%arg15 : memref<1792xi32, #tpu.memory_space<vmem>>) target_semaphore(%run_scoped3A : memref<!tpu.dma_semaphore, #tpu.memory_space<semaphore_mem>>)
      tpu.wait_dma2 semaphore(%run_scoped3A : memref<!tpu.dma_semaphore, #tpu.memory_space<semaphore_mem>>) src(%arg14 : memref<1792xi32, #tpu.memory_space<vmem_shared>>) dst(%arg15 : memref<1792xi32, #tpu.memory_space<vmem>>)
      tpu.yield
    }) : () -> ()
    %mul3A_785 = arith.constant 3 : i32
    %mul3A_786 = arith.muli %arg1, %mul3A_785 : i32
    %mul3A_787 = arith.constant 16 : i32
    %mul3A_788 = arith.muli %mul3A_786, %mul3A_787 : i32
    %get3A_789 = arith.index_cast %mul3A_788 : i32 to index
    %get3A_790 = tpu.vector_load %arg15[%get3A_789] {strides = array<i32>} : memref<1792xi32, #tpu.memory_space<vmem>>, vector<16xi32>,
    %add3A_791 = arith.constant 1 : i32
    %add3A_792 = arith.addi %mul3A_786, %add3A_791 : i32
    %mul3A_793 = arith.constant 16 : i32
    %mul3A_794 = arith.muli %add3A_792, %mul3A_793 : i32
    %get3A_795 = arith.index_cast %mul3A_794 : i32 to index
    %get3A_796 = tpu.vector_load %arg15[%get3A_795] {strides = array<i32>} : memref<1792xi32, #tpu.memory_space<vmem>>, vector<16xi32>,
    %add3A_797 = arith.constant 2 : i32
    %add3A_798 = arith.addi %mul3A_786, %add3A_797 : i32
    %mul3A_799 = arith.constant 16 : i32
    %mul3A_800 = arith.muli %add3A_798, %mul3A_799 : i32
    %get3A_801 = arith.index_cast %mul3A_800 : i32 to index
    %get3A_802 = tpu.vector_load %arg15[%get3A_801] {strides = array<i32>} : memref<1792xi32, #tpu.memory_space<vmem>>, vector<16xi32>,
    %slice3A_803 = vector.extract_strided_slice %get3A_790 {offsets = [0], sizes = [1], strides = [1]} : vector<16xi32> to vector<1xi32>
    %squeeze3A_804 = vector.extract %slice3A_803[0] : i32 from vector<1xi32>
    %slice3A_805 = vector.extract_strided_slice %get3A_796 {offsets = [0], sizes = [1], strides = [1]} : vector<16xi32> to vector<1xi32>
    %squeeze3A_806 = vector.extract %slice3A_805[0] : i32 from vector<1xi32>
    %or3A_807 = arith.ori %squeeze3A_804, %squeeze3A_806 : i32
    %slice3A_808 = vector.extract_strided_slice %get3A_802 {offsets = [0], sizes = [1], strides = [1]} : vector<16xi32> to vector<1xi32>
    %squeeze3A_809 = vector.extract %slice3A_808[0] : i32 from vector<1xi32>
    %or3A_810 = arith.ori %or3A_807, %squeeze3A_809 : i32
    %slice3A_811 = vector.extract_strided_slice %get3A_790 {offsets = [1], sizes = [1], strides = [1]} : vector<16xi32> to vector<1xi32>
    %squeeze3A_812 = vector.extract %slice3A_811[0] : i32 from vector<1xi32>
    %slice3A_813 = vector.extract_strided_slice %get3A_796 {offsets = [1], sizes = [1], strides = [1]} : vector<16xi32> to vector<1xi32>
    %squeeze3A_814 = vector.extract %slice3A_813[0] : i32 from vector<1xi32>
    %or3A_815 = arith.ori %squeeze3A_812, %squeeze3A_814 : i32
    %slice3A_816 = vector.extract_strided_slice %get3A_802 {offsets = [1], sizes = [1], strides = [1]} : vector<16xi32> to vector<1xi32>
    %squeeze3A_817 = vector.extract %slice3A_816[0] : i32 from vector<1xi32>
    %or3A_818 = arith.ori %or3A_815, %squeeze3A_817 : i32
    %slice3A_819 = vector.extract_strided_slice %get3A_790 {offsets = [3], sizes = [1], strides = [1]} : vector<16xi32> to vector<1xi32>
    %squeeze3A_820 = vector.extract %slice3A_819[0] : i32 from vector<1xi32>
    %mul3A_821 = arith.constant 8 : i32
    %mul3A_822 = arith.muli %squeeze3A_820, %mul3A_821 : i32
    %slice3A_823 = vector.extract_strided_slice %get3A_796 {offsets = [2], sizes = [1], strides = [1]} : vector<16xi32> to vector<1xi32>
    %squeeze3A_824 = vector.extract %slice3A_823[0] : i32 from vector<1xi32>
    %add3A_825 = arith.addi %mul3A_822, %squeeze3A_824 : i32
    %slice3A_826 = vector.extract_strided_slice %get3A_796 {offsets = [3], sizes = [1], strides = [1]} : vector<16xi32> to vector<1xi32>
    %squeeze3A_827 = vector.extract %slice3A_826[0] : i32 from vector<1xi32>
    %mul3A_828 = arith.constant 8 : i32
    %mul3A_829 = arith.muli %squeeze3A_827, %mul3A_828 : i32
    %slice3A_830 = vector.extract_strided_slice %get3A_802 {offsets = [2], sizes = [1], strides = [1]} : vector<16xi32> to vector<1xi32>
    %squeeze3A_831 = vector.extract %slice3A_830[0] : i32 from vector<1xi32>
    %add3A_832 = arith.addi %mul3A_829, %squeeze3A_831 : i32
    %lt3A = arith.constant 32 : i32
    %lt3A_833 = arith.cmpi slt, %add3A_825, %lt3A : i32
    %min3A = arith.constant 31 : i32
    %min3A_834 = arith.minsi %add3A_825, %min3A : i32
    %shift_left3A_835 = arith.constant 1 : i32
    %shift_left3A_836 = arith.shli %shift_left3A_835, %min3A_834 : i32
    %jit3A_837 = arith.constant 0 : i32
    %select_n3A_838 = arith.select %lt3A_833, %shift_left3A_836, %jit3A_837 : i32
    %or3A_839 = arith.ori %or3A_810, %select_n3A_838 : i32
    %ge3A = arith.constant 32 : i32
    %ge3A_840 = arith.cmpi sge, %add3A_825, %ge3A : i32
    %sub3A = arith.constant 32 : i32
    %sub3A_841 = arith.subi %add3A_825, %sub3A : i32
    %max3A = arith.constant 0 : i32
    %max3A_842 = arith.maxsi %sub3A_841, %max3A : i32
    %shift_left3A_843 = arith.constant 1 : i32
    %shift_left3A_844 = arith.shli %shift_left3A_843, %max3A_842 : i32
    %jit3A_845 = arith.constant 0 : i32
    %select_n3A_846 = arith.select %ge3A_840, %shift_left3A_844, %jit3A_845 : i32
    %or3A_847 = arith.ori %or3A_818, %select_n3A_846 : i32
    %lt3A_848 = arith.constant 32 : i32
    %lt3A_849 = arith.cmpi slt, %add3A_832, %lt3A_848 : i32
    %min3A_850 = arith.constant 31 : i32
    %min3A_851 = arith.minsi %add3A_832, %min3A_850 : i32
    %shift_left3A_852 = arith.constant 1 : i32
    %shift_left3A_853 = arith.shli %shift_left3A_852, %min3A_851 : i32
    %jit3A_854 = arith.constant 0 : i32
    %select_n3A_855 = arith.select %lt3A_849, %shift_left3A_853, %jit3A_854 : i32
    %or3A_856 = arith.ori %or3A_839, %select_n3A_855 : i32
    %ge3A_857 = arith.constant 32 : i32
    %ge3A_858 = arith.cmpi sge, %add3A_832, %ge3A_857 : i32
    %sub3A_859 = arith.constant 32 : i32
    %sub3A_860 = arith.subi %add3A_832, %sub3A_859 : i32
    %max3A_861 = arith.constant 0 : i32
    %max3A_862 = arith.maxsi %sub3A_860, %max3A_861 : i32
    %shift_left3A_863 = arith.constant 1 : i32
    %shift_left3A_864 = arith.shli %shift_left3A_863, %max3A_862 : i32
    %jit3A_865 = arith.constant 0 : i32
    %select_n3A_866 = arith.select %ge3A_858, %shift_left3A_864, %jit3A_865 : i32
    %or3A_867 = arith.ori %or3A_847, %select_n3A_866 : i32
    %slice3A_868 = vector.extract_strided_slice %get3A_802 {offsets = [3], sizes = [1], strides = [1]} : vector<16xi32> to vector<1xi32>
    %squeeze3A_869 = vector.extract %slice3A_868[0] : i32 from vector<1xi32>
    %broadcast_in_dim3A_870 = vector.broadcast %or3A_856 : i32 to vector<16xi32>
    %broadcast_in_dim3A_871 = vector.broadcast %or3A_867 : i32 to vector<16xi32>
    %shift_right_logical3A = arith.constant 1 : i32
    %shift_right_logical3A_872 = vector.broadcast %shift_right_logical3A : i32 to vector<16xi32>
    %shift_right_logical3A_873 = arith.shrui %broadcast_in_dim3A_870, %shift_right_logical3A_872 : vector<16xi32>
    %and3A = arith.constant 1431655765 : i32
    %and3A_874 = vector.broadcast %and3A : i32 to vector<16xi32>
    %and3A_875 = arith.andi %shift_right_logical3A_873, %and3A_874 : vector<16xi32>
    %sub3A_876 = arith.subi %broadcast_in_dim3A_870, %and3A_875 : vector<16xi32>
    %and3A_877 = arith.constant 858993459 : i32
    %and3A_878 = vector.broadcast %and3A_877 : i32 to vector<16xi32>
    %and3A_879 = arith.andi %sub3A_876, %and3A_878 : vector<16xi32>
    %shift_right_logical3A_880 = arith.constant 2 : i32
    %shift_right_logical3A_881 = vector.broadcast %shift_right_logical3A_880 : i32 to vector<16xi32>
    %shift_right_logical3A_882 = arith.shrui %sub3A_876, %shift_right_logical3A_881 : vector<16xi32>
    %and3A_883 = arith.constant 858993459 : i32
    %and3A_884 = vector.broadcast %and3A_883 : i32 to vector<16xi32>
    %and3A_885 = arith.andi %shift_right_logical3A_882, %and3A_884 : vector<16xi32>
    %add3A_886 = arith.addi %and3A_879, %and3A_885 : vector<16xi32>
    %shift_right_logical3A_887 = arith.constant 4 : i32
    %shift_right_logical3A_888 = vector.broadcast %shift_right_logical3A_887 : i32 to vector<16xi32>
    %shift_right_logical3A_889 = arith.shrui %add3A_886, %shift_right_logical3A_888 : vector<16xi32>
    %add3A_890 = arith.addi %add3A_886, %shift_right_logical3A_889 : vector<16xi32>
    %and3A_891 = arith.constant 252645135 : i32
    %and3A_892 = vector.broadcast %and3A_891 : i32 to vector<16xi32>
    %and3A_893 = arith.andi %add3A_890, %and3A_892 : vector<16xi32>
    %mul3A_894 = arith.constant 16843009 : i32
    %mul3A_895 = vector.broadcast %mul3A_894 : i32 to vector<16xi32>
    %mul3A_896 = arith.muli %and3A_893, %mul3A_895 : vector<16xi32>
    %shift_right_logical3A_897 = arith.constant 24 : i32
    %shift_right_logical3A_898 = vector.broadcast %shift_right_logical3A_897 : i32 to vector<16xi32>
    %shift_right_logical3A_899 = arith.shrui %mul3A_896, %shift_right_logical3A_898 : vector<16xi32>
    %shift_right_logical3A_900 = arith.constant 1 : i32
    %shift_right_logical3A_901 = vector.broadcast %shift_right_logical3A_900 : i32 to vector<16xi32>
    %shift_right_logical3A_902 = arith.shrui %broadcast_in_dim3A_871, %shift_right_logical3A_901 : vector<16xi32>
    %and3A_903 = arith.constant 1431655765 : i32
    %and3A_904 = vector.broadcast %and3A_903 : i32 to vector<16xi32>
    %and3A_905 = arith.andi %shift_right_logical3A_902, %and3A_904 : vector<16xi32>
    %sub3A_906 = arith.subi %broadcast_in_dim3A_871, %and3A_905 : vector<16xi32>
    %and3A_907 = arith.constant 858993459 : i32
    %and3A_908 = vector.broadcast %and3A_907 : i32 to vector<16xi32>
    %and3A_909 = arith.andi %sub3A_906, %and3A_908 : vector<16xi32>
    %shift_right_logical3A_910 = arith.constant 2 : i32
    %shift_right_logical3A_911 = vector.broadcast %shift_right_logical3A_910 : i32 to vector<16xi32>
    %shift_right_logical3A_912 = arith.shrui %sub3A_906, %shift_right_logical3A_911 : vector<16xi32>
    %and3A_913 = arith.constant 858993459 : i32
    %and3A_914 = vector.broadcast %and3A_913 : i32 to vector<16xi32>
    %and3A_915 = arith.andi %shift_right_logical3A_912, %and3A_914 : vector<16xi32>
    %add3A_916 = arith.addi %and3A_909, %and3A_915 : vector<16xi32>
    %shift_right_logical3A_917 = arith.constant 4 : i32
    %shift_right_logical3A_918 = vector.broadcast %shift_right_logical3A_917 : i32 to vector<16xi32>
    %shift_right_logical3A_919 = arith.shrui %add3A_916, %shift_right_logical3A_918 : vector<16xi32>
    %add3A_920 = arith.addi %add3A_916, %shift_right_logical3A_919 : vector<16xi32>
    %and3A_921 = arith.constant 252645135 : i32
    %and3A_922 = vector.broadcast %and3A_921 : i32 to vector<16xi32>
    %and3A_923 = arith.andi %add3A_920, %and3A_922 : vector<16xi32>
    %mul3A_924 = arith.constant 16843009 : i32
    %mul3A_925 = vector.broadcast %mul3A_924 : i32 to vector<16xi32>
    %mul3A_926 = arith.muli %and3A_923, %mul3A_925 : vector<16xi32>
    %shift_right_logical3A_927 = arith.constant 24 : i32
    %shift_right_logical3A_928 = vector.broadcast %shift_right_logical3A_927 : i32 to vector<16xi32>
    %shift_right_logical3A_929 = arith.shrui %mul3A_926, %shift_right_logical3A_928 : vector<16xi32>
    %add3A_930 = arith.addi %shift_right_logical3A_899, %shift_right_logical3A_929 : vector<16xi32>
    %convert_element_type3A = arith.sitofp %add3A_930 : vector<16xi32> to vector<16xf32>
    %scan3A = arith.constant 0 : i32
    %scan3A_931 = arith.constant 4 : i32
    %scan3A_932 = arith.addi %scan3A, %scan3A_931 : i32
    %scan3A_933 = arith.constant 1 : i32
    scf.for %scan3A_935 = %scan3A to %scan3A_932 step %scan3A_933  : i32 {
      %mul3A_936 = arith.constant 16 : i32
      %mul3A_937 = arith.muli %scan3A_935, %mul3A_936 : i32
      %add3A_938 = arith.constant 48 : i32
      %add3A_939 = arith.addi %add3A_938, %mul3A_937 : i32
      %add3A_940 = vector.broadcast %add3A_939 : i32 to vector<16xi32>
      %add3A_941 = arith.addi %add3A_940, %iota3A : vector<16xi32>
      %mul3A_942 = arith.constant 16 : i32
      %mul3A_943 = vector.broadcast %mul3A_942 : i32 to vector<16xi32>
      %mul3A_944 = arith.muli %add3A_941, %mul3A_943 : vector<16xi32>
      %gather3A_945 = tpu.vector_load_idx %arg15[%mul3A_944] : memref<1792xi32, #tpu.memory_space<vmem>>[vector<16xi32>], vector<16xi32>,
      %add3A_946 = arith.constant 1 : i32
      %add3A_947 = vector.broadcast %add3A_946 : i32 to vector<16xi32>
      %add3A_948 = arith.addi %mul3A_944, %add3A_947 : vector<16xi32>
      %gather3A_949 = tpu.vector_load_idx %arg15[%add3A_948] : memref<1792xi32, #tpu.memory_space<vmem>>[vector<16xi32>], vector<16xi32>,
      %add3A_950 = arith.constant 2 : i32
      %add3A_951 = vector.broadcast %add3A_950 : i32 to vector<16xi32>
      %add3A_952 = arith.addi %mul3A_944, %add3A_951 : vector<16xi32>
      %gather3A_953 = tpu.vector_load_idx %arg15[%add3A_952] : memref<1792xi32, #tpu.memory_space<vmem>>[vector<16xi32>], vector<16xi32>,
      %or3A_954 = arith.ori %gather3A_945, %broadcast_in_dim3A_870 : vector<16xi32>
      %or3A_955 = arith.ori %gather3A_949, %broadcast_in_dim3A_871 : vector<16xi32>
      %shift_right_logical3A_956 = arith.constant 1 : i32
      %shift_right_logical3A_957 = vector.broadcast %shift_right_logical3A_956 : i32 to vector<16xi32>
      %shift_right_logical3A_958 = arith.shrui %or3A_954, %shift_right_logical3A_957 : vector<16xi32>
      %and3A_959 = arith.constant 1431655765 : i32
      %and3A_960 = vector.broadcast %and3A_959 : i32 to vector<16xi32>
      %and3A_961 = arith.andi %shift_right_logical3A_958, %and3A_960 : vector<16xi32>
      %sub3A_962 = arith.subi %or3A_954, %and3A_961 : vector<16xi32>
      %and3A_963 = arith.constant 858993459 : i32
      %and3A_964 = vector.broadcast %and3A_963 : i32 to vector<16xi32>
      %and3A_965 = arith.andi %sub3A_962, %and3A_964 : vector<16xi32>
      %shift_right_logical3A_966 = arith.constant 2 : i32
      %shift_right_logical3A_967 = vector.broadcast %shift_right_logical3A_966 : i32 to vector<16xi32>
      %shift_right_logical3A_968 = arith.shrui %sub3A_962, %shift_right_logical3A_967 : vector<16xi32>
      %and3A_969 = arith.constant 858993459 : i32
      %and3A_970 = vector.broadcast %and3A_969 : i32 to vector<16xi32>
      %and3A_971 = arith.andi %shift_right_logical3A_968, %and3A_970 : vector<16xi32>
      %add3A_972 = arith.addi %and3A_965, %and3A_971 : vector<16xi32>
      %shift_right_logical3A_973 = arith.constant 4 : i32
      %shift_right_logical3A_974 = vector.broadcast %shift_right_logical3A_973 : i32 to vector<16xi32>
      %shift_right_logical3A_975 = arith.shrui %add3A_972, %shift_right_logical3A_974 : vector<16xi32>
      %add3A_976 = arith.addi %add3A_972, %shift_right_logical3A_975 : vector<16xi32>
      %and3A_977 = arith.constant 252645135 : i32
      %and3A_978 = vector.broadcast %and3A_977 : i32 to vector<16xi32>
      %and3A_979 = arith.andi %add3A_976, %and3A_978 : vector<16xi32>
      %mul3A_980 = arith.constant 16843009 : i32
      %mul3A_981 = vector.broadcast %mul3A_980 : i32 to vector<16xi32>
      %mul3A_982 = arith.muli %and3A_979, %mul3A_981 : vector<16xi32>
      %shift_right_logical3A_983 = arith.constant 24 : i32
      %shift_right_logical3A_984 = vector.broadcast %shift_right_logical3A_983 : i32 to vector<16xi32>
      %shift_right_logical3A_985 = arith.shrui %mul3A_982, %shift_right_logical3A_984 : vector<16xi32>
      %shift_right_logical3A_986 = arith.constant 1 : i32
      %shift_right_logical3A_987 = vector.broadcast %shift_right_logical3A_986 : i32 to vector<16xi32>
      %shift_right_logical3A_988 = arith.shrui %or3A_955, %shift_right_logical3A_987 : vector<16xi32>
      %and3A_989 = arith.constant 1431655765 : i32
      %and3A_990 = vector.broadcast %and3A_989 : i32 to vector<16xi32>
      %and3A_991 = arith.andi %shift_right_logical3A_988, %and3A_990 : vector<16xi32>
      %sub3A_992 = arith.subi %or3A_955, %and3A_991 : vector<16xi32>
      %and3A_993 = arith.constant 858993459 : i32
      %and3A_994 = vector.broadcast %and3A_993 : i32 to vector<16xi32>
      %and3A_995 = arith.andi %sub3A_992, %and3A_994 : vector<16xi32>
      %shift_right_logical3A_996 = arith.constant 2 : i32
      %shift_right_logical3A_997 = vector.broadcast %shift_right_logical3A_996 : i32 to vector<16xi32>
      %shift_right_logical3A_998 = arith.shrui %sub3A_992, %shift_right_logical3A_997 : vector<16xi32>
      %and3A_999 = arith.constant 858993459 : i32
      %and3A_1000 = vector.broadcast %and3A_999 : i32 to vector<16xi32>
      %and3A_1001 = arith.andi %shift_right_logical3A_998, %and3A_1000 : vector<16xi32>
      %add3A_1002 = arith.addi %and3A_995, %and3A_1001 : vector<16xi32>
      %shift_right_logical3A_1003 = arith.constant 4 : i32
      %shift_right_logical3A_1004 = vector.broadcast %shift_right_logical3A_1003 : i32 to vector<16xi32>
      %shift_right_logical3A_1005 = arith.shrui %add3A_1002, %shift_right_logical3A_1004 : vector<16xi32>
      %add3A_1006 = arith.addi %add3A_1002, %shift_right_logical3A_1005 : vector<16xi32>
      %and3A_1007 = arith.constant 252645135 : i32
      %and3A_1008 = vector.broadcast %and3A_1007 : i32 to vector<16xi32>
      %and3A_1009 = arith.andi %add3A_1006, %and3A_1008 : vector<16xi32>
      %mul3A_1010 = arith.constant 16843009 : i32
      %mul3A_1011 = vector.broadcast %mul3A_1010 : i32 to vector<16xi32>
      %mul3A_1012 = arith.muli %and3A_1009, %mul3A_1011 : vector<16xi32>
      %shift_right_logical3A_1013 = arith.constant 24 : i32
      %shift_right_logical3A_1014 = vector.broadcast %shift_right_logical3A_1013 : i32 to vector<16xi32>
      %shift_right_logical3A_1015 = arith.shrui %mul3A_1012, %shift_right_logical3A_1014 : vector<16xi32>
      %add3A_1016 = arith.addi %shift_right_logical3A_985, %shift_right_logical3A_1015 : vector<16xi32>
      %mul3A_1017 = arith.constant 8 : i32
      %mul3A_1018 = arith.muli %squeeze3A_869, %mul3A_1017 : i32
      %add3A_1019 = vector.broadcast %mul3A_1018 : i32 to vector<16xi32>
      %add3A_1020 = arith.addi %add3A_1019, %gather3A_953 : vector<16xi32>
      %lt3A_1021 = arith.constant 32 : i32
      %lt3A_1022 = vector.broadcast %lt3A_1021 : i32 to vector<16xi32>
      %lt3A_1023 = arith.cmpi slt, %add3A_1020, %lt3A_1022 : vector<16xi32>
      %min3A_1024 = arith.constant 31 : i32
      %min3A_1025 = vector.broadcast %min3A_1024 : i32 to vector<16xi32>
      %min3A_1026 = arith.minsi %add3A_1020, %min3A_1025 : vector<16xi32>
      %shift_right_logical3A_1027 = arith.shrui %or3A_954, %min3A_1026 : vector<16xi32>
      %and3A_1028 = arith.constant 1 : i32
      %and3A_1029 = vector.broadcast %and3A_1028 : i32 to vector<16xi32>
      %and3A_1030 = arith.andi %shift_right_logical3A_1027, %and3A_1029 : vector<16xi32>
      %sub3A_1031 = arith.constant 32 : i32
      %sub3A_1032 = vector.broadcast %sub3A_1031 : i32 to vector<16xi32>
      %sub3A_1033 = arith.subi %add3A_1020, %sub3A_1032 : vector<16xi32>
      %max3A_1034 = arith.constant 0 : i32
      %max3A_1035 = vector.broadcast %max3A_1034 : i32 to vector<16xi32>
      %max3A_1036 = arith.maxsi %sub3A_1033, %max3A_1035 : vector<16xi32>
      %shift_right_logical3A_1037 = arith.shrui %or3A_955, %max3A_1036 : vector<16xi32>
      %and3A_1038 = arith.constant 1 : i32
      %and3A_1039 = vector.broadcast %and3A_1038 : i32 to vector<16xi32>
      %and3A_1040 = arith.andi %shift_right_logical3A_1037, %and3A_1039 : vector<16xi32>
      %select_n3A_1041 = arith.select %lt3A_1023, %and3A_1030, %and3A_1040 : vector<16xi1>, vector<16xi32>
      %add3A_1042 = arith.constant 1 : i32
      %add3A_1043 = vector.broadcast %add3A_1042 : i32 to vector<16xi32>
      %add3A_1044 = arith.addi %add3A_1016, %add3A_1043 : vector<16xi32>
      %sub3A_1045 = arith.subi %add3A_1044, %select_n3A_1041 : vector<16xi32>
      %convert_element_type3A_1046 = arith.sitofp %sub3A_1045 : vector<16xi32> to vector<16xf32>
      %shift_right_logical3A_1047 = arith.constant 1 : i32
      %shift_right_logical3A_1048 = vector.broadcast %shift_right_logical3A_1047 : i32 to vector<16xi32>
      %shift_right_logical3A_1049 = arith.shrui %gather3A_945, %shift_right_logical3A_1048 : vector<16xi32>
      %and3A_1050 = arith.constant 1431655765 : i32
      %and3A_1051 = vector.broadcast %and3A_1050 : i32 to vector<16xi32>
      %and3A_1052 = arith.andi %shift_right_logical3A_1049, %and3A_1051 : vector<16xi32>
      %sub3A_1053 = arith.subi %gather3A_945, %and3A_1052 : vector<16xi32>
      %and3A_1054 = arith.constant 858993459 : i32
      %and3A_1055 = vector.broadcast %and3A_1054 : i32 to vector<16xi32>
      %and3A_1056 = arith.andi %sub3A_1053, %and3A_1055 : vector<16xi32>
      %shift_right_logical3A_1057 = arith.constant 2 : i32
      %shift_right_logical3A_1058 = vector.broadcast %shift_right_logical3A_1057 : i32 to vector<16xi32>
      %shift_right_logical3A_1059 = arith.shrui %sub3A_1053, %shift_right_logical3A_1058 : vector<16xi32>
      %and3A_1060 = arith.constant 858993459 : i32
      %and3A_1061 = vector.broadcast %and3A_1060 : i32 to vector<16xi32>
      %and3A_1062 = arith.andi %shift_right_logical3A_1059, %and3A_1061 : vector<16xi32>
      %add3A_1063 = arith.addi %and3A_1056, %and3A_1062 : vector<16xi32>
      %shift_right_logical3A_1064 = arith.constant 4 : i32
      %shift_right_logical3A_1065 = vector.broadcast %shift_right_logical3A_1064 : i32 to vector<16xi32>
      %shift_right_logical3A_1066 = arith.shrui %add3A_1063, %shift_right_logical3A_1065 : vector<16xi32>
      %add3A_1067 = arith.addi %add3A_1063, %shift_right_logical3A_1066 : vector<16xi32>
      %and3A_1068 = arith.constant 252645135 : i32
      %and3A_1069 = vector.broadcast %and3A_1068 : i32 to vector<16xi32>
      %and3A_1070 = arith.andi %add3A_1067, %and3A_1069 : vector<16xi32>
      %mul3A_1071 = arith.constant 16843009 : i32
      %mul3A_1072 = vector.broadcast %mul3A_1071 : i32 to vector<16xi32>
      %mul3A_1073 = arith.muli %and3A_1070, %mul3A_1072 : vector<16xi32>
      %shift_right_logical3A_1074 = arith.constant 24 : i32
      %shift_right_logical3A_1075 = vector.broadcast %shift_right_logical3A_1074 : i32 to vector<16xi32>
      %shift_right_logical3A_1076 = arith.shrui %mul3A_1073, %shift_right_logical3A_1075 : vector<16xi32>
      %shift_right_logical3A_1077 = arith.constant 1 : i32
      %shift_right_logical3A_1078 = vector.broadcast %shift_right_logical3A_1077 : i32 to vector<16xi32>
      %shift_right_logical3A_1079 = arith.shrui %gather3A_949, %shift_right_logical3A_1078 : vector<16xi32>
      %and3A_1080 = arith.constant 1431655765 : i32
      %and3A_1081 = vector.broadcast %and3A_1080 : i32 to vector<16xi32>
      %and3A_1082 = arith.andi %shift_right_logical3A_1079, %and3A_1081 : vector<16xi32>
      %sub3A_1083 = arith.subi %gather3A_949, %and3A_1082 : vector<16xi32>
      %and3A_1084 = arith.constant 858993459 : i32
      %and3A_1085 = vector.broadcast %and3A_1084 : i32 to vector<16xi32>
      %and3A_1086 = arith.andi %sub3A_1083, %and3A_1085 : vector<16xi32>
      %shift_right_logical3A_1087 = arith.constant 2 : i32
      %shift_right_logical3A_1088 = vector.broadcast %shift_right_logical3A_1087 : i32 to vector<16xi32>
      %shift_right_logical3A_1089 = arith.shrui %sub3A_1083, %shift_right_logical3A_1088 : vector<16xi32>
      %and3A_1090 = arith.constant 858993459 : i32
      %and3A_1091 = vector.broadcast %and3A_1090 : i32 to vector<16xi32>
      %and3A_1092 = arith.andi %shift_right_logical3A_1089, %and3A_1091 : vector<16xi32>
      %add3A_1093 = arith.addi %and3A_1086, %and3A_1092 : vector<16xi32>
      %shift_right_logical3A_1094 = arith.constant 4 : i32
      %shift_right_logical3A_1095 = vector.broadcast %shift_right_logical3A_1094 : i32 to vector<16xi32>
      %shift_right_logical3A_1096 = arith.shrui %add3A_1093, %shift_right_logical3A_1095 : vector<16xi32>
      %add3A_1097 = arith.addi %add3A_1093, %shift_right_logical3A_1096 : vector<16xi32>
      %and3A_1098 = arith.constant 252645135 : i32
      %and3A_1099 = vector.broadcast %and3A_1098 : i32 to vector<16xi32>
      %and3A_1100 = arith.andi %add3A_1097, %and3A_1099 : vector<16xi32>
      %mul3A_1101 = arith.constant 16843009 : i32
      %mul3A_1102 = vector.broadcast %mul3A_1101 : i32 to vector<16xi32>
      %mul3A_1103 = arith.muli %and3A_1100, %mul3A_1102 : vector<16xi32>
      %shift_right_logical3A_1104 = arith.constant 24 : i32
      %shift_right_logical3A_1105 = vector.broadcast %shift_right_logical3A_1104 : i32 to vector<16xi32>
      %shift_right_logical3A_1106 = arith.shrui %mul3A_1103, %shift_right_logical3A_1105 : vector<16xi32>
      %add3A_1107 = arith.addi %shift_right_logical3A_1076, %shift_right_logical3A_1106 : vector<16xi32>
      %convert_element_type3A_1108 = arith.sitofp %add3A_1107 : vector<16xi32> to vector<16xf32>
      %min3A_1109 = arith.minimumf %convert_element_type3A, %convert_element_type3A_1108 : vector<16xf32>
      %sub3A_1110 = arith.subf %convert_element_type3A_1046, %min3A_1109 : vector<16xf32>
      %max3A_1111 = arith.maximumf %convert_element_type3A, %convert_element_type3A_1108 : vector<16xf32>
      %div3A = arith.divf %sub3A_1110, %max3A_1111 : vector<16xf32>
      %swap3A_1112 = arith.constant 0 : index
      %swap3A_1113 = tpu.vector_load %arg13[%swap3A_1112] {strides = array<i32>} : memref<16xf32, #tpu.memory_space<vmem>>, vector<16xf32>,
      tpu.vector_store %arg13[%swap3A_1112], %div3A {strides = array<i32>} : memref<16xf32, #tpu.memory_space<vmem>>, vector<16xf32>,
      %mul3A_1114 = arith.constant 16 : i32
      %mul3A_1115 = arith.muli %scan3A_935, %mul3A_1114 : i32
      "tpu.region"() ({
        %run_scoped3A = tpu.sem_alloc : memref<!tpu.dma_semaphore, #tpu.memory_space<semaphore_mem>>
        %dma_start3A_1116 = tpu.memref_slice %arg5[%arg1, %mul3A_1115] : memref<16x64xf32, #tpu.memory_space<hbm>> -> memref<1x16xf32, #tpu.memory_space<hbm>>
        %dma_start3A_1117 = tpu.memref_squeeze %dma_start3A_1116 : memref<1x16xf32, #tpu.memory_space<hbm>> -> memref<16xf32, #tpu.memory_space<hbm>>
        %dma_start3A_1118 = tpu.memref_slice %arg5[%arg1, %mul3A_1115] : memref<16x64xf32, #tpu.memory_space<hbm>> -> memref<1x16xf32, #tpu.memory_space<hbm>>
        %dma_start3A_1119 = tpu.memref_squeeze %dma_start3A_1118 : memref<1x16xf32, #tpu.memory_space<hbm>> -> memref<16xf32, #tpu.memory_space<hbm>>
        tpu.enqueue_dma source(%arg13 : memref<16xf32, #tpu.memory_space<vmem>>) target(%dma_start3A_1119 : memref<16xf32, #tpu.memory_space<hbm>>) target_semaphore(%run_scoped3A : memref<!tpu.dma_semaphore, #tpu.memory_space<semaphore_mem>>)
        %dma_wait3A_1120 = tpu.memref_slice %arg5[%arg1, %mul3A_1115] : memref<16x64xf32, #tpu.memory_space<hbm>> -> memref<1x16xf32, #tpu.memory_space<hbm>>
        %dma_wait3A_1121 = tpu.memref_squeeze %dma_wait3A_1120 : memref<1x16xf32, #tpu.memory_space<hbm>> -> memref<16xf32, #tpu.memory_space<hbm>>
        %dma_wait3A_1122 = tpu.memref_slice %arg5[%arg1, %mul3A_1115] : memref<16x64xf32, #tpu.memory_space<hbm>> -> memref<1x16xf32, #tpu.memory_space<hbm>>
        %dma_wait3A_1123 = tpu.memref_squeeze %dma_wait3A_1122 : memref<1x16xf32, #tpu.memory_space<hbm>> -> memref<16xf32, #tpu.memory_space<hbm>>
        tpu.wait_dma2 semaphore(%run_scoped3A : memref<!tpu.dma_semaphore, #tpu.memory_space<semaphore_mem>>) src(%arg13 : memref<16xf32, #tpu.memory_space<vmem>>) dst(%dma_wait3A_1123 : memref<16xf32, #tpu.memory_space<hbm>>)
        tpu.yield
      }) : () -> ()
    }
    %scan3A_934 = arith.constant 4 : i32
    return
  }
}

module attributes {stable_mosaic.version = 14 : i64} {
  func.func @body(%arg0: memref<48x4096xf32, #tpu.memory_space<vmem>>, %arg1: memref<48x8xf32, #tpu.memory_space<vmem>>, %arg2: memref<48x4096xi32, #tpu.memory_space<vmem>>) attributes {dimension_semantics = [], scalar_prefetch = 0 : i64, scratch_operands = 0 : i64, tpu.core_type = #tpu.core_type<tc>} {
    %get3A = arith.constant 0 : index
    %get3A_0 = arith.constant 0 : index
    %get3A_1 = vector.load %arg0[%get3A, %get3A_0] : memref<48x4096xf32, #tpu.memory_space<vmem>>, vector<48x4096xf32>
    %get3A_2 = arith.constant 0 : index
    %get3A_3 = arith.constant 0 : index
    %get3A_4 = vector.load %arg1[%get3A_2, %get3A_3] : memref<48x8xf32, #tpu.memory_space<vmem>>, vector<48x1xf32>
    %sub3A = vector.broadcast %get3A_4 : vector<48x1xf32> to vector<48x4096xf32>
    %sub3A_5 = arith.subf %get3A_1, %sub3A : vector<48x4096xf32>
    %abs3A = math.absf %sub3A_5 : vector<48x4096xf32>
    %broadcast_in_dim3A = arith.constant 0 : i32
    %broadcast_in_dim3A_6 = vector.broadcast %broadcast_in_dim3A : i32 to vector<48x4096xi32>
    %get3A_7 = arith.constant 0 : index
    %get3A_8 = arith.constant 1 : index
    %get3A_9 = vector.load %arg1[%get3A_7, %get3A_8] : memref<48x8xf32, #tpu.memory_space<vmem>>, vector<48x1xf32>
    %sub3A_10 = vector.broadcast %get3A_9 : vector<48x1xf32> to vector<48x4096xf32>
    %sub3A_11 = arith.subf %get3A_1, %sub3A_10 : vector<48x4096xf32>
    %abs3A_12 = math.absf %sub3A_11 : vector<48x4096xf32>
    %lt3A = arith.cmpf olt, %abs3A_12, %abs3A : vector<48x4096xf32>
    %jit3A = arith.constant 1 : i32
    %broadcast_in_dim3A_13 = vector.broadcast %jit3A : i32 to vector<48x4096xi32>
    %select_n3A = arith.select %lt3A, %broadcast_in_dim3A_13, %broadcast_in_dim3A_6 : vector<48x4096xi1>, vector<48x4096xi32>
    %select_n3A_14 = arith.select %lt3A, %abs3A_12, %abs3A : vector<48x4096xi1>, vector<48x4096xf32>
    %get3A_15 = arith.constant 0 : index
    %get3A_16 = arith.constant 2 : index
    %get3A_17 = vector.load %arg1[%get3A_15, %get3A_16] : memref<48x8xf32, #tpu.memory_space<vmem>>, vector<48x1xf32>
    %sub3A_18 = vector.broadcast %get3A_17 : vector<48x1xf32> to vector<48x4096xf32>
    %sub3A_19 = arith.subf %get3A_1, %sub3A_18 : vector<48x4096xf32>
    %abs3A_20 = math.absf %sub3A_19 : vector<48x4096xf32>
    %lt3A_21 = arith.cmpf olt, %abs3A_20, %select_n3A_14 : vector<48x4096xf32>
    %jit3A_22 = arith.constant 2 : i32
    %broadcast_in_dim3A_23 = vector.broadcast %jit3A_22 : i32 to vector<48x4096xi32>
    %select_n3A_24 = arith.select %lt3A_21, %broadcast_in_dim3A_23, %select_n3A : vector<48x4096xi1>, vector<48x4096xi32>
    %select_n3A_25 = arith.select %lt3A_21, %abs3A_20, %select_n3A_14 : vector<48x4096xi1>, vector<48x4096xf32>
    %get3A_26 = arith.constant 0 : index
    %get3A_27 = arith.constant 3 : index
    %get3A_28 = vector.load %arg1[%get3A_26, %get3A_27] : memref<48x8xf32, #tpu.memory_space<vmem>>, vector<48x1xf32>
    %sub3A_29 = vector.broadcast %get3A_28 : vector<48x1xf32> to vector<48x4096xf32>
    %sub3A_30 = arith.subf %get3A_1, %sub3A_29 : vector<48x4096xf32>
    %abs3A_31 = math.absf %sub3A_30 : vector<48x4096xf32>
    %lt3A_32 = arith.cmpf olt, %abs3A_31, %select_n3A_25 : vector<48x4096xf32>
    %jit3A_33 = arith.constant 3 : i32
    %broadcast_in_dim3A_34 = vector.broadcast %jit3A_33 : i32 to vector<48x4096xi32>
    %select_n3A_35 = arith.select %lt3A_32, %broadcast_in_dim3A_34, %select_n3A_24 : vector<48x4096xi1>, vector<48x4096xi32>
    %select_n3A_36 = arith.select %lt3A_32, %abs3A_31, %select_n3A_25 : vector<48x4096xi1>, vector<48x4096xf32>
    %get3A_37 = arith.constant 0 : index
    %get3A_38 = arith.constant 4 : index
    %get3A_39 = vector.load %arg1[%get3A_37, %get3A_38] : memref<48x8xf32, #tpu.memory_space<vmem>>, vector<48x1xf32>
    %sub3A_40 = vector.broadcast %get3A_39 : vector<48x1xf32> to vector<48x4096xf32>
    %sub3A_41 = arith.subf %get3A_1, %sub3A_40 : vector<48x4096xf32>
    %abs3A_42 = math.absf %sub3A_41 : vector<48x4096xf32>
    %lt3A_43 = arith.cmpf olt, %abs3A_42, %select_n3A_36 : vector<48x4096xf32>
    %jit3A_44 = arith.constant 4 : i32
    %broadcast_in_dim3A_45 = vector.broadcast %jit3A_44 : i32 to vector<48x4096xi32>
    %select_n3A_46 = arith.select %lt3A_43, %broadcast_in_dim3A_45, %select_n3A_35 : vector<48x4096xi1>, vector<48x4096xi32>
    %select_n3A_47 = arith.select %lt3A_43, %abs3A_42, %select_n3A_36 : vector<48x4096xi1>, vector<48x4096xf32>
    %get3A_48 = arith.constant 0 : index
    %get3A_49 = arith.constant 5 : index
    %get3A_50 = vector.load %arg1[%get3A_48, %get3A_49] : memref<48x8xf32, #tpu.memory_space<vmem>>, vector<48x1xf32>
    %sub3A_51 = vector.broadcast %get3A_50 : vector<48x1xf32> to vector<48x4096xf32>
    %sub3A_52 = arith.subf %get3A_1, %sub3A_51 : vector<48x4096xf32>
    %abs3A_53 = math.absf %sub3A_52 : vector<48x4096xf32>
    %lt3A_54 = arith.cmpf olt, %abs3A_53, %select_n3A_47 : vector<48x4096xf32>
    %jit3A_55 = arith.constant 5 : i32
    %broadcast_in_dim3A_56 = vector.broadcast %jit3A_55 : i32 to vector<48x4096xi32>
    %select_n3A_57 = arith.select %lt3A_54, %broadcast_in_dim3A_56, %select_n3A_46 : vector<48x4096xi1>, vector<48x4096xi32>
    %select_n3A_58 = arith.select %lt3A_54, %abs3A_53, %select_n3A_47 : vector<48x4096xi1>, vector<48x4096xf32>
    %get3A_59 = arith.constant 0 : index
    %get3A_60 = arith.constant 6 : index
    %get3A_61 = vector.load %arg1[%get3A_59, %get3A_60] : memref<48x8xf32, #tpu.memory_space<vmem>>, vector<48x1xf32>
    %sub3A_62 = vector.broadcast %get3A_61 : vector<48x1xf32> to vector<48x4096xf32>
    %sub3A_63 = arith.subf %get3A_1, %sub3A_62 : vector<48x4096xf32>
    %abs3A_64 = math.absf %sub3A_63 : vector<48x4096xf32>
    %lt3A_65 = arith.cmpf olt, %abs3A_64, %select_n3A_58 : vector<48x4096xf32>
    %jit3A_66 = arith.constant 6 : i32
    %broadcast_in_dim3A_67 = vector.broadcast %jit3A_66 : i32 to vector<48x4096xi32>
    %select_n3A_68 = arith.select %lt3A_65, %broadcast_in_dim3A_67, %select_n3A_57 : vector<48x4096xi1>, vector<48x4096xi32>
    %select_n3A_69 = arith.select %lt3A_65, %abs3A_64, %select_n3A_58 : vector<48x4096xi1>, vector<48x4096xf32>
    %get3A_70 = arith.constant 0 : index
    %get3A_71 = arith.constant 7 : index
    %get3A_72 = vector.load %arg1[%get3A_70, %get3A_71] : memref<48x8xf32, #tpu.memory_space<vmem>>, vector<48x1xf32>
    %sub3A_73 = vector.broadcast %get3A_72 : vector<48x1xf32> to vector<48x4096xf32>
    %sub3A_74 = arith.subf %get3A_1, %sub3A_73 : vector<48x4096xf32>
    %abs3A_75 = math.absf %sub3A_74 : vector<48x4096xf32>
    %lt3A_76 = arith.cmpf olt, %abs3A_75, %select_n3A_69 : vector<48x4096xf32>
    %jit3A_77 = arith.constant 7 : i32
    %broadcast_in_dim3A_78 = vector.broadcast %jit3A_77 : i32 to vector<48x4096xi32>
    %select_n3A_79 = arith.select %lt3A_76, %broadcast_in_dim3A_78, %select_n3A_68 : vector<48x4096xi1>, vector<48x4096xi32>
    %swap3A = arith.constant 0 : index
    %swap3A_80 = arith.constant 0 : index
    %swap3A_81 = vector.load %arg2[%swap3A, %swap3A_80] : memref<48x4096xi32, #tpu.memory_space<vmem>>, vector<48x4096xi32>
    tpu.vector_store %arg2[%swap3A, %swap3A_80], %select_n3A_79 {strides = array<i32>} : memref<48x4096xi32, #tpu.memory_space<vmem>>, vector<48x4096xi32>,
    return
  }
}

</mosaic_0001>

<sc_bundles>
// kernel: kernel.4.cloned.1.call-start
scs
__scs_entry_jumppad:
0x0: {  	(pc) =	sbr.rel $0x88, $3  }
0x1: {  	(tag) =	ssettag $0x0;
	lr =	simm.s32 $0x1  }
0x2: {  	[smem:$0x3F9D] =	sst lr;
	_ =	strace $0xD0000000  }
0x3: {  	_ = 	snop  }
0x4: {  	_ = 	snop  }
0x5: {  	_ = 	snop  }
0x6: {  	_ = 	snop  }
0x7: {  	_ = 	snop  }
__scs_overlays_trampoline_lowered:
0x8: {  	[smem:$0x3FAC] =	sst s0  }
0x9: {  	[smem:$0x3FAD] =	sst s1  }
0xa: {  	[smem:$0x3FAE] =	sst s2  }
0xb: {  	[smem:$0x3FAF] =	sst s3  }
0xc: {  	[smem:$0x3FB0] =	sst s4  }
0xd: {  	[smem:$0x3FB1] =	sst s5  }
0xe: {  	[smem:$0x3FB2] =	sst s6  }
0xf: {  	[smem:$0x3FB3] =	sst s7  }
0x10: {  	[smem:$0x3FB4] =	sst s8  }
0x11: {  	[smem:$0x3FB5] =	sst s9;
	s0 =	simm.s32 @!p0 $0x0  }
0x12: {  	s1 =	sld [smem:$0x3F9B];
	s0 =	simm.s32 @p0 $0x1  }
0x13: {  	[smem:$0x3FB6] =	sst s0;
	s0 =	simm.s32 @!p1 $0x0  }
0x14: {  	s2 =	sld [smem:$0x3F9A];
	s0 =	simm.s32 @p1 $0x1  }
0x15: {  	[smem:$0x3FB7] =	sst s0;
	s0 =	simm.s32 @!p2 $0x0  }
0x16: {  	s3 =	sld [smem:$0x3FDB];
	s0 =	simm.s32 @p2 $0x1  }
0x17: {  	s4 =	simm.s32 $0x1BF5;
	[smem:$0x3FB9] =	sst s0  }
0x18: {  	s0 =	sld [smem:$0x3F9C];
	_ =	swait.ge [sflag:s4], $0x0  }
0x19: {  	s7 =	sld [smem:$0x3F9D]  }
0x1a: {  	s8 =	sadd.s32 $0xFFFFE003, lr  }
0x1b: {  	s9 =	sadd.s32 $0xFFFFFEF7, lr;
	s5 =	simm.s32 $0xFFFFFFFF;
	p2 =	slt.u32 s8, $0xFFFFF086  }
0x1c: {  	p1 =	slt.u32 s9, $0xF7A;
	s5 =	simm.s32 @!p2 $0x0  }
0x1d: {  	s5 =	simm.s32 @p1 $0x1;
	p0 =	seq.s32 s7, s2  }
0x1e: {  	s7 =	smul.u32 @!p0 $0xF7A, s2;
	p2 =	seq.s32 @!p0 s5, $0x0  }
0x1f: {  	s9 =	smul.u32 $0xF7A, s1;
	s8 =	simm.s32 @!p0 $0x1BF5;
	p2 =	por !p2, p0  }
0x20: {  	[sflag:s8] =	ssyncset.s32 @!p0 $0xFFFFF086;
	s6 =	sadd.s32 @!p0 s3, s7;
	s7 =	simm.s32 @!p0 $0x108  }
0x21: {  	s3 =	sadd.s32 s3, s9;
	s6 =	sadd.s32 @!p0 $0x88, s6;
	s7 =	simm.s32 @p2 $0x1082  }
0x22: {  	[simem:s7], [sflag:s8] =	dma.local @!p0 [hbm:s6], $0xF7A  }
0x23: {  	s9 =	sor.u32 $0xD0000000, s2;
	s6 =	simm.s32 $0x108;
	_ =	swait.ge @!p0 [sflag:s8], $0x0  }
0x24: {  	s3 =	sadd.s32 $0x88, s3;
	s6 =	simm.s32 @!p1 $0x1082;
	[sflag:s4] =	ssyncset.s32 $0xFFFFF086  }
0x25: {  	[simem:s6], [sflag:s4] =	dma.local [hbm:s3], $0xF7A  }
0x26: {  	[smem:$0x3F9D] =	sst s1;
	(tag) =	ssettag s2;
	_ =	strace s9  }
0x27: {  	s1 =	sld [smem:$0x3FAD]  }
0x28: {  	s2 =	sld [smem:$0x3FAE]  }
0x29: {  	s4 =	sld [smem:$0x3FB0]  }
0x2a: {  	p0 =	seq.s32 s5, $0x0;
	s5 =	sld [smem:$0x3FB1]  }
0x2b: {  	s6 =	sld [smem:$0x3FB2]  }
0x2c: {  	s7 =	sld [smem:$0x3FB3]  }
0x2d: {  	s3 =	simm.s32 $0x108;
	s8 =	sld [smem:$0x3FB4]  }
0x2e: {  	s3 =	simm.s32 @!p0 $0x1082;
	s9 =	sld [smem:$0x3FB5]  }
0x2f: {  	lr =	sadd.s32 s0, s3;
	s0 =	sld [smem:$0x3FAC]  }
0x30: {  	s3 =	sld [smem:$0x3FAF]  }
0x31: {  	[smem:$0x3FB8] =	sst s10  }
0x32: {  	s10 =	sld [smem:$0x3FB6];
	_ =	sdelay $0x3  }
0x33: {  	p0 =	seq.s32 s10, $0x1;
	s10 =	sld [smem:$0x3FB8];
	_ =	sdelay $0x3  }
0x34: {  	[smem:$0x3FB8] =	sst s10  }
0x35: {  	s10 =	sld [smem:$0x3FB7];
	_ =	sdelay $0x3  }
0x36: {  	p1 =	seq.s32 s10, $0x1;
	s10 =	sld [smem:$0x3FB8];
	_ =	sdelay $0x3  }
0x37: {  	[smem:$0x3FB8] =	sst s10  }
0x38: {  	s10 =	sld [smem:$0x3FB9]  }
0x39: {  	_ = 	snop;
	(pc) =	sbr.ind lr, $3  }
0x3a: {  	_ = 	snop  }
0x3b: {  	_ = 	snop  }
0x3c: {  	p2 =	seq.s32 s10, $0x1;
	s10 =	sld [smem:$0x3FB8]  }
0x3d: {  	_ =	shalt  }
0x3e: {  	_ =	shalt  }
0x3f: {  	_ =	shalt  }
0x40: {  	_ =	shalt  }
0x41: {  	_ =	shalt  }
0x42: {  	_ =	shalt  }
0x43: {  	_ =	shalt  }
0x44: {  	_ =	shalt  }
0x45: {  	_ =	shalt  }
0x46: {  	_ =	shalt  }
0x47: {  	_ =	shalt  }
0x48: {  	_ =	shalt  }
0x49: {  	_ =	shalt  }
0x4a: {  	_ =	shalt  }
0x4b: {  	_ =	shalt  }
0x4c: {  	_ =	shalt  }
0x4d: {  	_ =	shalt  }
0x4e: {  	_ =	shalt  }
0x4f: {  	_ =	shalt  }
0x50: {  	_ =	shalt  }
0x51: {  	_ =	shalt  }
0x52: {  	_ =	shalt  }
0x53: {  	_ =	shalt  }
0x54: {  	_ =	shalt  }
0x55: {  	_ =	shalt  }
0x56: {  	_ =	shalt  }
0x57: {  	_ =	shalt  }
0x58: {  	_ =	shalt  }
0x59: {  	_ =	shalt  }
0x5a: {  	_ =	shalt  }
0x5b: {  	_ =	shalt  }
0x5c: {  	_ =	shalt  }
0x5d: {  	_ =	shalt  }
0x5e: {  	_ =	shalt  }
0x5f: {  	_ =	shalt  }
0x60: {  	_ =	shalt  }
0x61: {  	_ =	shalt  }
0x62: {  	_ =	shalt  }
0x63: {  	_ =	shalt  }
0x64: {  	_ =	shalt  }
0x65: {  	_ =	shalt  }
0x66: {  	_ =	shalt  }
0x67: {  	_ =	shalt  }
0x68: {  	_ =	shalt  }
0x69: {  	_ =	shalt  }
0x6a: {  	_ =	shalt  }
0x6b: {  	_ =	shalt  }
0x6c: {  	_ =	shalt  }
0x6d: {  	_ =	shalt  }
0x6e: {  	_ =	shalt  }
0x6f: {  	_ =	shalt  }
0x70: {  	_ =	shalt  }
0x71: {  	_ =	shalt  }
0x72: {  	_ =	shalt  }
0x73: {  	_ =	shalt  }
0x74: {  	_ =	shalt  }
0x75: {  	_ =	shalt  }
0x76: {  	_ =	shalt  }
0x77: {  	_ =	shalt  }
0x78: {  	_ =	shalt  }
0x79: {  	_ =	shalt  }
0x7a: {  	_ =	shalt  }
0x7b: {  	_ =	shalt  }
0x7c: {  	_ =	shalt  }
0x7d: {  	_ =	shalt  }
0x7e: {  	_ =	shalt  }
0x7f: {  	_ =	shalt  }
0x80: {  	_ =	shalt  }
0x81: {  	_ =	shalt  }
0x82: {  	_ =	shalt  }
0x83: {  	_ =	shalt  }
0x84: {  	_ =	shalt  }
0x85: {  	_ =	shalt  }
0x86: {  	_ =	shalt  }
0x87: {  	_ =	shalt  }
.Lfunc_end0:
.L_simem_size_0:
called_computation_lowered:
.L_overlay_start_0:
0x88: {  	s0 =	sld [smem:$0x3FD9]  }
0x89: {  	s1 =	sld [smem:$0x3FFE];
	_ =	sdelay $0x3  }
0x8a: {  	s0 =	sadd.s32 s1, s0  }
0x8b: {  	[smem:$0x3FC4] =	sst s0  }
0x8c: {  	_ = 	snop  }
0x8d: {  	s0 =	sld [smem:$0x3FC8]  }
0x8e: {  	s16 =	sld [smem:$0x3FC6]  }
0x8f: {  	s2 =	sld [smem:$0x3FD0];
	(tm) =	ssettm $0x1  }
0x90: {  	s3 =	sld [smem:$0x3FFB];
	_ =	sdelay $0x3  }
0x91: {  	_ =	strace s3  }
0x92: {  	s3 =	sld [smem:$0x3FFC];
	_ =	sdelay $0x3  }
0x93: {  	_ =	strace s3  }
0x94: {  	s3 =	sld [smem:$0x3FFD];
	_ =	sdelay $0x3  }
0x95: {  	_ =	strace s3  }
0x96: {  	_ =	strace $0x8FFFFFFF  }
0x97: {  	s17 =	sld [smem:$0x3FDB];
	_ =	sdelay $0x1  }
0x98: {  	s4 =	simm.s32 $_scs_section_size  }
0x99: {  	s5 =	simm.s32 $_size__tile_overlayer_lowered;
	s6 =	simm.s32 $_tile_overlayer_lowered  }
0x9a: {  	s20 =	simm.s32 $0x1BFF;
	s19 =	sshll.u32 s6, $0x1;
	s3 =	sadd.s32 s4, s17  }
0x9b: {  	s7 =	simm.s32 $0x0;
	s18 =	sshll.u32 s5, $0x1;
	s5 =	sadd.s32 s19, s3  }
0x9c: {  	[timem:s7], [sflag:s20] =	dma.local [hbm:s5], s18  }
0x9d: {  	_ =	swait.ge [sflag:s20], s18  }
0x9e: {  	s4 =	ssub.s32 $0x0, s18;
	[sflag:s20] =	ssyncset.done $0x0  }
0x9f: {  	[sflag:s20] =	ssyncadd.s32 s4;
	_ =	sdelay $0x1  }
0xa0: {  	s21 =	simm.s32 $0x1B8B  }
0xa1: {  	_ =	swait.ge [sflag:s21], $0x1  }
0xa2: {  	[sflag:s21] =	ssyncset.done $0x0  }
0xa3: {  	s23 =	simm.s32 $0x1B8E;
	s22 =	sld [smem:$0x3FFE];
	[sflag:s21] =	ssyncadd.s32 $0xFFFFFFFF  }
0xa4: {  	s24 =	simm.s32 $execute0_lowered;
	[smem:$0x3FD2] =	sst s23  }
0xa5: {  	s5 =	sshll.u32 s24, $0x1;
	_ =	strace $0x80000046;
	[dreg:$0x1] =	wrdreg $0xFFFFFFFF  }
0xa6: {  	s25 =	simm.s32 $_size_execute0_lowered;
	s3 =	sadd.s32 s3, s5;
	[dreg:$0x0] =	wrdreg $0x0  }
0xa7: {  	s5 =	sshll.u32 s25, $0x1;
	[dreg:$0x2] =	wrdreg s3  }
0xa8: {  	[dreg:$0x3] =	wrdreg s5  }
0xa9: {  	[dreg:$0x4] =	wrdreg $0xC0  }
0xaa: {  	_ =	task [dreg:s7], $0x5FFFF  }
0xab: {  	[dreg:$0x1] =	wrdreg $0xFFFFFFFF  }
0xac: {  	[dreg:$0x0] =	wrdreg $0x60  }
0xad: {  	[dreg:$0x2] =	wrdreg s22  }
0xae: {  	[dreg:$0x3] =	wrdreg s0  }
0xaf: {  	[dreg:$0x4] =	wrdreg s16  }
0xb0: {  	[dreg:$0x5] =	wrdreg s2  }
0xb1: {  	[dreg:$0x6] =	wrdreg $0x53000  }
0xb2: {  	[dreg:$0x7] =	wrdreg $0x9  }
0xb3: {  	_ =	task.clear_ibuf [dreg:s7], $0x8FFFF;
	_ =	strace $0x90000046  }
0xb4: {  	s26 =	simm.s32 $0x9;
	_ =	strace $0x80000048  }
0xb5: {  	_ =	swait.ge [sflag:s26], $0x1  }
0xb6: {  	[sflag:s26] =	ssyncadd.s32 $0xFFFFFFFF  }
0xb7: {  	_ =	strace $0x90000048  }
0xb8: {  	_ =	sfence  }
0xb9: {  	s28 =	sld [smem:$0x0];
	_ =	sdelay $0x1  }
0xba: {  	s29 =	srdreg.scid  }
0xbb: {  	s30 =	sshll.u32 s29, $0xD;
	s31 =	sshrl.u32 s29, $0x2  }
0xbc: {  	s1 =	sand.u32 $0x1, s29;
	s2 =	sand.u32 $0x4000, s30;
	s0 =	sadd.s32 s31, s28  }
0xbd: {  	s1 =	sor.u32 s2, s1;
	s0 =	sshll.u32 s0, $0x11  }
0xbe: {  	s0 =	sor.u32 s0, s1  }
0xbf: {  	s0 =	sadd.s32 $0x8F2B, s0  }
0xc0: {  	[sflag:s0] =	ssyncadd.remote.s32 $0x1  }
0xc1: {  	_ =	sfence.sel $0xFFFF  }
0xc2: {  	[dreg:$0x0] =	wrdreg $0xFFFFFFFF;
	(pc) =	sbr.abs _section_cstart, $3  }
0xc3: {  	[dreg:$0x1] =	wrdreg $0xFFFFFFFF  }
0xc4: {  	_ =	task.clear_ibuf [dreg:s7], $0x2FFFF;
	_ =	strace $0x9FFFFFFF  }
0xc5: {  	(tm) =	ssettm $0x7FFFFFFF  }
tec
execute0_lowered:
.L_overlay_start_1:
0x0: {  	(tag) =	ssettag $0x1  }
0x1: {  	s9 =	rddreg [dreg:$0x0]  }
0x2: {  	s3 =	rddreg [dreg:$0x1]  }
0x3: {  	s6 =	rddreg [dreg:$0x2]  }
0x4: {  	s2 =	rddreg [dreg:$0x3]  }
0x5: {  	s5 =	rddreg [dreg:$0x4]  }
0x6: {  	s0 =	rddreg [dreg:$0x5];
	s7 =	simm.s32 $0x0  }
0x7: {  	s1 =	stileid.u32;
	[smem:$0x7FF] =	sst s7  }
0x8: {  	s11 =	simm.s32 $0x5;
	s24 =	simm.s32 $0x80;
	_ =	strace $0x80000047  }
0x9: {  	[tilespmem:s7], [sflag:$0x5] =	stream.linear.gather [hbm4b:s3+s7], $0x1000, $0x38;
	[tilespmem:$0x5A70] =	vst v63  }
0xa: {  	s10 =	sshll.u32 s1, $0x7;
	s8 =	sor.u32 $0x10, s1;
	_ =	swait.ge [sflag:s11], $0x1000  }
0xb: {  	s4 =	sand.u32 $0x380, s10;
	s3 =	sshrl.u32 s1, $0x3;
	[sflag:s11] =	ssyncset.done $0x0  }
0xc: {  	v0 =	vimm.s32 $0x0;
	s13 =	sshll.u32 s8, $0xC;
	s12 =	sshll.u32 s3, $0xF;
	[sflag:s11] =	ssyncadd.s32 $0xFFFFF000  }
0xd: {  	s14 =	simm.s32 $0x400;
	s13 =	sor.u32 s10, s13;
	s12 =	sor.u32 s4, s12;
	[tilespmem:$0x1000] =	vst v0  }
0xe: {  	s10 =	sadd.s32 $0x600, s9;
	s23 =	sand.u32 $0x18380, s13;
	s22 =	sshrl.u32 s12, $0x3;
	[tilespmem:$0x4080] =	vst v0  }
0xf: {  	s9 =	simm.s32 $0x1080;
	s11 =	sshrl.u32 s23, $0x3;
	s12 =	sadd.s32 s10, s22;
	[tilespmem:$0x5100] =	vst v0  }
0x10: {  	[tilespmem:s9], [sflag:$0x1] =	stream.strided.gather [hbm4b:s12+s24], $0x1000, s14, s24, $0x38;
	[tilespmem:$0x5A70] =	vst v63  }
0x11: {  	s25 =	simm.s32 $0x2080;
	s26 =	simm.s32 $0x1;
	s11 =	sadd.s32 s10, s11  }
0x12: {  	[tilespmem:s25], [sflag:$0x2] =	stream.strided.gather [hbm4b:s11+s24], $0x1000, s14, s24, $0x38;
	[tilespmem:$0x5A70] =	vst v63  }
0x13: {  	_ =	swait.ge [sflag:s26], $0x1000  }
0x14: {  	[sflag:s26] =	ssyncset.done $0x0  }
0x15: {  	[sflag:s26] =	ssyncadd.s32 $0xFFFFF000  }
0x16: {  	[tilespmem:$0x5180] =	vst v0  }
0x17: {  	[tilespmem:$0x5190] =	vst v0  }
0x18: {  	[tilespmem:$0x51A0] =	vst v0  }
0x19: {  	s28 =	simm.s32 $0x20;
	[tilespmem:$0x51B0] =	vst v0  }
0x1a: {  	v0 =	vld [tilespmem:s28+$0x10]  }
0x1b: {  	v1 =	vld [tilespmem:s28+$0x11]  }
0x1c: {  	v2 =	vld [tilespmem:s28+$0xFFFFFFF0]  }
0x1d: {  	v4 =	vld [tilespmem:s28+$0x0]  }
0x1e: {  	v5 =	vld [tilespmem:s28+$0xFFFFFFE0]  }
0x1f: {  	v6 =	vld [tilespmem:s28+$0xFFFFFFE1]  }
0x20: {  	v7 =	vld [tilespmem:s28+$0xFFFFFFF1]  }
0x21: {  	v8 =	vld [tilespmem:s28+$0x1]  }
0x22: {  	v9 =	vld.idx.msk [tilespmem:v0+s9+$0x0], $0xffff  }
0x23: {  	v10 =	vld.idx.msk [tilespmem:v1+s9+$0x0], $0xffff  }
0x24: {  	v0 =	vlaneseq.u32;
	v3 =	vld.idx.msk [tilespmem:v2+s9+$0x0], $0xffff  }
0x25: {  	s29 =	simm.s32 $0x10;
	s30 =	simm.s32 $0x20;
	v2 =	vld.idx.msk [tilespmem:v4+s9+$0x0], $0xffff;
	v0 =	vmul.u32 $0xFFFFFFFF, v0  }
0x26: {  	s31 =	simm.s32 $0x30;
	v11 =	vmov s7;
	v12 =	vmov s29;
	v13 =	vmov s30;
	v4 =	vld.idx.msk [tilespmem:v5+s9+$0x0], $0xffff  }
0x27: {  	v14 =	vmov s31;
	v5 =	vld.idx.msk [tilespmem:v6+s9+$0x0], $0xffff;
	v1 =	vadd.s32 $0xFFF, v0;
	v0 =	vimm.s32 $0x1  }
0x28: {  	v6 =	vld.idx.msk [tilespmem:v7+s9+$0x0], $0xffff;
	vm0 =	vlt.u32 v12, v1;
	vm3 =	vlt.u32 v14, v1;
	v9 =	vshll.u32 v9, $0x3  }
0x29: {  	s13 =	simm.s32 $0x60;
	s12 =	simm.s32 $0x0;
	s11 =	simm.s32 $0x5180;
	v7 =	vld.idx.msk [tilespmem:v8+s9+$0x0], $0xffff;
	vm2 =	vlt.u32 v11, v1;
	vm1 =	vlt.u32 v13, v1;
	v8 =	vadd.s32 v10, v9  }
.LBB2_1:
0x2a: {  	v9 =	vld [tilespmem:s13+$0x10];
	s12 =	sadd.s32 $0x4, s12;
	v3 =	vshll.u32 v3, $0x3  }
0x2b: {  	v2 =	vshll.u32 v2, $0x3;
	v10 =	vld [tilespmem:s13+$0x11];
	p0 =	slt.u32 s12, $0xFC  }
0x2c: {  	v4 =	vshll.u32 v4, $0x3;
	v11 =	vld [tilespmem:s13+$0xFFFFFFF0]  }
0x2d: {  	v4 =	vadd.s32 v5, v4;
	v12 =	vld [tilespmem:s13+$0x0]  }
0x2e: {  	v3 =	vadd.s32 v6, v3;
	v5 =	vld [tilespmem:s13+$0xFFFFFFE0];
	[tilespmem:v8+s11+$0x0] =	vst.idx.msk vm3, v0  }
0x2f: {  	v2 =	vadd.s32 v7, v2;
	v6 =	vld [tilespmem:s13+$0xFFFFFFE1]  }
0x30: {  	v7 =	vld [tilespmem:s13+$0xFFFFFFF1]  }
0x31: {  	v8 =	vld [tilespmem:s13+$0x1]  }
0x32: {  	v9 =	vld.idx.msk [tilespmem:v9+s9+$0x0], $0xffff;
	[tilespmem:v4+s11+$0x0] =	vst.idx.msk vm2, v0  }
0x33: {  	v10 =	vld.idx.msk [tilespmem:v10+s9+$0x0], $0xffff;
	[tilespmem:v3+s11+$0x0] =	vst.idx.msk vm0, v0  }
0x34: {  	v3 =	vld.idx.msk [tilespmem:v11+s9+$0x0], $0xffff;
	[tilespmem:v2+s11+$0x0] =	vst.idx.msk vm1, v0  }
.Ltmp0:
0x35: {  	s7 =	sadd.s32 $0x40, s7;
	v2 =	vld.idx.msk [tilespmem:v12+s9+$0x0], $0xffff;
	(pc) =	sbr.rel @p0 .LBB2_1-.Ltmp0, $4  }
0x36: {  	s14 =	sadd.s32 $0x10, s7;
	s15 =	sadd.s32 $0x20, s7;
	s16 =	sadd.s32 $0x30, s7;
	v11 =	vmov s7;
	v4 =	vld.idx.msk [tilespmem:v5+s9+$0x0], $0xffff  }
0x37: {  	v13 =	vmov s15;
	v14 =	vmov s16;
	v12 =	vmov s14;
	v5 =	vld.idx.msk [tilespmem:v6+s9+$0x0], $0xffff  }
0x38: {  	vm3 =	vlt.u32 v14, v1;
	vm0 =	vlt.u32 v12, v1;
	v9 =	vshll.u32 v9, $0x3;
	v6 =	vld.idx.msk [tilespmem:v7+s9+$0x0], $0xffff  }
0x39: {  	s13 =	sadd.s32 $0x40, s13;
	vm1 =	vlt.u32 v13, v1;
	vm2 =	vlt.u32 v11, v1;
	v7 =	vld.idx.msk [tilespmem:v8+s9+$0x0], $0xffff;
	v8 =	vadd.s32 v10, v9  }
0x3a: {  	_ = 	snop  }
0x3b: {  	v1 =	vshll.u32 v4, $0x3  }
0x3c: {  	v3 =	vshll.u32 v3, $0x3;
	v1 =	vadd.s32 v5, v1  }
0x3d: {  	v2 =	vshll.u32 v2, $0x3;
	v3 =	vadd.s32 v6, v3  }
0x3e: {  	v2 =	vadd.s32 v7, v2;
	_ =	sdelay $0x1  }
0x3f: {  	[tilespmem:v8+s11+$0x0] =	vst.idx.msk vm3, v0  }
0x40: {  	[tilespmem:v1+s11+$0x0] =	vst.idx.msk vm2, v0  }
0x41: {  	[tilespmem:v3+s11+$0x0] =	vst.idx.msk vm0, v0  }
0x42: {  	[tilespmem:v2+s11+$0x0] =	vst.idx.msk vm1, v0  }
0x43: {  	v0 =	vld [tilespmem:$0x5180]  }
0x44: {  	v1 =	vld [tilespmem:$0x5190]  }
0x45: {  	v2 =	vld [tilespmem:$0x51A0]  }
0x46: {  	v4 =	vld [tilespmem:$0x51B0]  }
0x47: {  	v3 =	vlaneseq.u32  }
0x48: {  	v0 =	vshll.u32 v0, v3  }
0x49: {  	(xrf0) =	vadd.scan.msk.s32 $0xffff, v0;
	v0 =	vshll.u32 v1, v3  }
0x4a: {  	(xrf0) =	vadd.scan.msk.s32 $0xffff, v0;
	v0 =	vshll.u32 v2, v3  }
0x4b: {  	(xrf0) =	vadd.scan.msk.s32 $0xffff, v0;
	v0 =	vshll.u32 v4, v3  }
0x4c: {  	(xrf0) =	vadd.scan.msk.s32 $0xffff, v0;
	_ =	sdelay $0x2  }
0x4d: {  	v0, _, _ =	vpop (xrf0)  }
0x4e: {  	v1, _, _ =	vpop (xrf0);
	(v2sf) =	vpush v0, $0xF  }
0x4f: {  	(v2sf) =	vpush v1, $0xF;
	v0, _, _ =	vpop (xrf0)  }
0x50: {  	(v2sf) =	vpush v0, $0xF;
	v0, _, _ =	vpop (xrf0)  }
0x51: {  	(v2sf) =	vpush v0, $0xF  }
0x52: {  	v1 =	vld [tilespmem:$0xFF0]  }
0x53: {  	v0 =	vld [tilespmem:$0x0];
	_ =	sdelay $0x5  }
0x54: {  	s18 =	simm.s32 $0x1080  }
0x55: {  	v1 =	vld.idx.msk [tilespmem:v1+s18+$0x0], $0xffff  }
0x56: {  	v0 =	vld.idx.msk [tilespmem:v0+s18+$0x0], $0xffff;
	_ =	sdelay $0x1  }
0x57: {  	s7 =	spop (v2sf)  }
0x58: {  	s9 =	spop (v2sf)  }
0x59: {  	s12 =	spop (v2sf)  }
0x5a: {  	vm3 =	vcmask $0x704;
	v1 =	vbroadcast v1, $0xF;
	v0 =	vbroadcast v0, $0x0;
	s9 =	sshll.u32 s9, $0x10;
	s19 =	spop (v2sf)  }
0x5b: {  	vm2 =	vcmask $0xF0C;
	vm0 =	vcmask $0x300;
	vm1 =	vcmask $0xB08;
	s7 =	sor.u32 s7, s9;
	s20 =	sshll.u32 s19, $0x10  }
0x5c: {  	v1 =	vnsel vm2, $0x0, v1;
	v0 =	vnsel vm1, $0x0, v0;
	v2 =	vmov s7;
	s7 =	sor.u32 s12, s20  }
0x5d: {  	v0 =	vor.u32 v0, v1;
	v2 =	vnsel vm0, $0x0, v2;
	v4 =	vmov s7  }
0x5e: {  	s9 =	sor.u32 $0x20, s1;
	s7 =	sshll.u32 s1, $0x6;
	v0 =	vor.u32 v2, v0;
	v1 =	vnsel vm3, $0x0, v4  }
0x5f: {  	s14 =	simm.s32 $0x5200;
	s13 =	sshll.u32 s9, $0xC;
	s21 =	sshrl.u32 s7, $0x2;
	v0 =	vor.u32 v1, v0  }
0x60: {  	s23 =	simm.s32 $0x5;
	s13 =	sand.u32 $0x28000, s13;
	s12 =	sadd.s32 s21, s5;
	[tilespmem:$0x5200] =	vst v0  }
0x61: {  	[spmem:s12] =	stream.linear.scatter [tilespmem:s14], [sflag:$0x5], $0x10, $0x38;
	[tilespmem:$0x5A70] =	vst v63  }
0x62: {  	s24 =	simm.s32 $0x80;
	s22 =	sor.u32 s4, s13;
	_ =	swait.ge [sflag:s23], $0x10  }
0x63: {  	s25 =	simm.s32 $0x400;
	s12 =	sshrl.u32 s22, $0x3;
	[sflag:s23] =	ssyncset.done $0x0  }
0x64: {  	s26 =	simm.s32 $0x2;
	s10 =	sadd.s32 s10, s12;
	[sflag:s23] =	ssyncadd.s32 $0xFFFFFFF0  }
0x65: {  	[tilespmem:s18], [sflag:$0x1] =	stream.strided.gather [hbm4b:s10+s24], $0x1000, s25, s24, $0x38;
	[tilespmem:$0x5A70] =	vst v63  }
0x66: {  	_ =	swait.ge [sflag:s26], $0x1000  }
0x67: {  	[sflag:s26] =	ssyncset.done $0x0  }
0x68: {  	v0 =	vimm.s32 $0x0;
	[sflag:s26] =	ssyncadd.s32 $0xFFFFF000  }
0x69: {  	[tilespmem:$0x5180] =	vst v0  }
0x6a: {  	[tilespmem:$0x5190] =	vst v0  }
0x6b: {  	[tilespmem:$0x51A0] =	vst v0  }
0x6c: {  	s28 =	simm.s32 $0x20;
	[tilespmem:$0x51B0] =	vst v0  }
0x6d: {  	v0 =	vld [tilespmem:s28+$0x10]  }
0x6e: {  	v1 =	vld [tilespmem:s28+$0x11]  }
0x6f: {  	v2 =	vld [tilespmem:s28+$0xFFFFFFF0]  }
0x70: {  	v4 =	vld [tilespmem:s28+$0x0]  }
0x71: {  	v5 =	vld [tilespmem:s28+$0xFFFFFFE0]  }
0x72: {  	v6 =	vld [tilespmem:s28+$0xFFFFFFE1]  }
0x73: {  	v7 =	vld [tilespmem:s28+$0xFFFFFFF1]  }
0x74: {  	s10 =	simm.s32 $0x2080;
	v8 =	vld [tilespmem:s28+$0x1]  }
0x75: {  	v9 =	vld.idx.msk [tilespmem:v0+s10+$0x0], $0xffff  }
0x76: {  	v10 =	vld.idx.msk [tilespmem:v1+s10+$0x0], $0xffff  }
0x77: {  	v0 =	vmul.u32 $0xFFFFFFFF, v3;
	v3 =	vld.idx.msk [tilespmem:v2+s10+$0x0], $0xffff  }
0x78: {  	s29 =	simm.s32 $0x10;
	s30 =	simm.s32 $0x20;
	s31 =	simm.s32 $0x30;
	v2 =	vld.idx.msk [tilespmem:v4+s10+$0x0], $0xffff  }
0x79: {  	v12 =	vmov s29;
	v13 =	vmov s30;
	v14 =	vmov s31;
	s11 =	simm.s32 $0x0;
	v4 =	vld.idx.msk [tilespmem:v5+s10+$0x0], $0xffff  }
0x7a: {  	v11 =	vmov s11;
	v5 =	vld.idx.msk [tilespmem:v6+s10+$0x0], $0xffff;
	v1 =	vadd.s32 $0xFFF, v0;
	v0 =	vimm.s32 $0x1  }
0x7b: {  	v6 =	vld.idx.msk [tilespmem:v7+s10+$0x0], $0xffff;
	vm4 =	vlt.u32 v12, v1;
	vm7 =	vlt.u32 v14, v1;
	v9 =	vshll.u32 v9, $0x3  }
0x7c: {  	s13 =	simm.s32 $0x0;
	s14 =	simm.s32 $0x60;
	s12 =	simm.s32 $0x5180;
	v7 =	vld.idx.msk [tilespmem:v8+s10+$0x0], $0xffff;
	vm6 =	vlt.u32 v11, v1;
	vm5 =	vlt.u32 v13, v1;
	v8 =	vadd.s32 v10, v9  }
.LBB2_3:
0x7d: {  	v9 =	vld [tilespmem:s14+$0x10];
	s13 =	sadd.s32 $0x4, s13;
	v3 =	vshll.u32 v3, $0x3  }
0x7e: {  	v2 =	vshll.u32 v2, $0x3;
	v10 =	vld [tilespmem:s14+$0x11];
	p0 =	slt.u32 s13, $0xFC  }
0x7f: {  	v4 =	vshll.u32 v4, $0x3;
	v11 =	vld [tilespmem:s14+$0xFFFFFFF0]  }
0x80: {  	v4 =	vadd.s32 v5, v4;
	v12 =	vld [tilespmem:s14+$0x0]  }
0x81: {  	v3 =	vadd.s32 v6, v3;
	v5 =	vld [tilespmem:s14+$0xFFFFFFE0];
	[tilespmem:v8+s12+$0x0] =	vst.idx.msk vm7, v0  }
0x82: {  	v2 =	vadd.s32 v7, v2;
	v6 =	vld [tilespmem:s14+$0xFFFFFFE1]  }
0x83: {  	v7 =	vld [tilespmem:s14+$0xFFFFFFF1]  }
0x84: {  	v8 =	vld [tilespmem:s14+$0x1]  }
0x85: {  	v9 =	vld.idx.msk [tilespmem:v9+s10+$0x0], $0xffff;
	[tilespmem:v4+s12+$0x0] =	vst.idx.msk vm6, v0  }
0x86: {  	v10 =	vld.idx.msk [tilespmem:v10+s10+$0x0], $0xffff;
	[tilespmem:v3+s12+$0x0] =	vst.idx.msk vm4, v0  }
0x87: {  	v3 =	vld.idx.msk [tilespmem:v11+s10+$0x0], $0xffff;
	[tilespmem:v2+s12+$0x0] =	vst.idx.msk vm5, v0  }
.Ltmp1:
0x88: {  	s11 =	sadd.s32 $0x40, s11;
	v2 =	vld.idx.msk [tilespmem:v12+s10+$0x0], $0xffff;
	(pc) =	sbr.rel @p0 .LBB2_3-.Ltmp1, $4  }
0x89: {  	s15 =	sadd.s32 $0x10, s11;
	s16 =	sadd.s32 $0x20, s11;
	s17 =	sadd.s32 $0x30, s11;
	v11 =	vmov s11;
	v4 =	vld.idx.msk [tilespmem:v5+s10+$0x0], $0xffff  }
0x8a: {  	v13 =	vmov s16;
	v14 =	vmov s17;
	v12 =	vmov s15;
	v5 =	vld.idx.msk [tilespmem:v6+s10+$0x0], $0xffff  }
0x8b: {  	vm7 =	vlt.u32 v14, v1;
	vm4 =	vlt.u32 v12, v1;
	v9 =	vshll.u32 v9, $0x3;
	v6 =	vld.idx.msk [tilespmem:v7+s10+$0x0], $0xffff  }
0x8c: {  	s14 =	sadd.s32 $0x40, s14;
	vm5 =	vlt.u32 v13, v1;
	vm6 =	vlt.u32 v11, v1;
	v7 =	vld.idx.msk [tilespmem:v8+s10+$0x0], $0xffff;
	v8 =	vadd.s32 v10, v9  }
0x8d: {  	_ = 	snop  }
0x8e: {  	v1 =	vshll.u32 v4, $0x3  }
0x8f: {  	v3 =	vshll.u32 v3, $0x3;
	v1 =	vadd.s32 v5, v1  }
0x90: {  	v2 =	vshll.u32 v2, $0x3;
	v3 =	vadd.s32 v6, v3  }
0x91: {  	v2 =	vadd.s32 v7, v2;
	_ =	sdelay $0x1  }
0x92: {  	[tilespmem:v8+s12+$0x0] =	vst.idx.msk vm7, v0  }
0x93: {  	[tilespmem:v1+s12+$0x0] =	vst.idx.msk vm6, v0  }
0x94: {  	[tilespmem:v3+s12+$0x0] =	vst.idx.msk vm4, v0  }
0x95: {  	[tilespmem:v2+s12+$0x0] =	vst.idx.msk vm5, v0  }
0x96: {  	v0 =	vld [tilespmem:$0x5180]  }
0x97: {  	v1 =	vld [tilespmem:$0x5190]  }
0x98: {  	v2 =	vld [tilespmem:$0x51A0]  }
0x99: {  	v3 =	vld [tilespmem:$0x51B0]  }
0x9a: {  	v4 =	vlaneseq.u32  }
0x9b: {  	v0 =	vshll.u32 v0, v4  }
0x9c: {  	(xrf0) =	vadd.scan.msk.s32 $0xffff, v0;
	v0 =	vshll.u32 v1, v4  }
0x9d: {  	(xrf0) =	vadd.scan.msk.s32 $0xffff, v0;
	v0 =	vshll.u32 v2, v4  }
0x9e: {  	(xrf0) =	vadd.scan.msk.s32 $0xffff, v0;
	v0 =	vshll.u32 v3, v4  }
0x9f: {  	(xrf0) =	vadd.scan.msk.s32 $0xffff, v0;
	_ =	sdelay $0x2  }
0xa0: {  	v0, _, _ =	vpop (xrf0)  }
0xa1: {  	v1, _, _ =	vpop (xrf0);
	(v2sf) =	vpush v0, $0xF  }
0xa2: {  	v0, _, _ =	vpop (xrf0);
	(v2sf) =	vpush v1, $0xF  }
0xa3: {  	(v2sf) =	vpush v0, $0xF;
	v0, _, _ =	vpop (xrf0)  }
0xa4: {  	(v2sf) =	vpush v0, $0xF  }
0xa5: {  	v1 =	vld [tilespmem:$0xFF0]  }
0xa6: {  	v0 =	vld [tilespmem:$0x0];
	_ =	sdelay $0x5  }
0xa7: {  	s10 =	simm.s32 $0x2080  }
0xa8: {  	v1 =	vld.idx.msk [tilespmem:v1+s10+$0x0], $0xffff  }
0xa9: {  	v0 =	vld.idx.msk [tilespmem:v0+s10+$0x0], $0xffff;
	_ =	sdelay $0x1  }
0xaa: {  	s21 =	spop (v2sf)  }
0xab: {  	s11 =	spop (v2sf)  }
0xac: {  	s22 =	spop (v2sf)  }
0xad: {  	v1 =	vbroadcast v1, $0xF;
	v0 =	vbroadcast v0, $0x0;
	s11 =	sshll.u32 s11, $0x10;
	s13 =	spop (v2sf)  }
0xae: {  	s10 =	sor.u32 s21, s11;
	s23 =	sshll.u32 s13, $0x10  }
0xaf: {  	v1 =	vnsel vm2, $0x0, v1;
	v0 =	vnsel vm1, $0x0, v0;
	v2 =	vmov s10;
	s11 =	sor.u32 s22, s23  }
0xb0: {  	v0 =	vor.u32 v0, v1;
	v2 =	vnsel vm0, $0x0, v2;
	v3 =	vmov s11  }
0xb1: {  	v0 =	vor.u32 v2, v0;
	v1 =	vnsel vm3, $0x0, v3  }
0xb2: {  	s8 =	sshll.u32 s8, $0x4;
	v0 =	vor.u32 v1, v0  }
0xb3: {  	s24 =	simm.s32 $0x5200;
	s25 =	simm.s32 $0x5;
	s8 =	sadd.s32 s8, s5;
	[tilespmem:$0x5200] =	vst v0  }
0xb4: {  	[spmem:s8] =	stream.linear.scatter [tilespmem:s24], [sflag:$0x5], $0x10, $0x38;
	[tilespmem:$0x5A70] =	vst v63  }
0xb5: {  	_ =	swait.ge [sflag:s25], $0x10  }
0xb6: {  	[sflag:s25] =	ssyncset.done $0x0  }
0xb7: {  	s26 =	simm.s32 $0x1;
	[sflag:s25] =	ssyncadd.s32 $0xFFFFFFF0  }
0xb8: {  	_ =	swait.ge [sflag:s26], $0x1000  }
0xb9: {  	[sflag:s26] =	ssyncset.done $0x0  }
0xba: {  	v0 =	vimm.s32 $0x0;
	[sflag:s26] =	ssyncadd.s32 $0xFFFFF000  }
0xbb: {  	[tilespmem:$0x5180] =	vst v0  }
0xbc: {  	[tilespmem:$0x5190] =	vst v0  }
0xbd: {  	[tilespmem:$0x51A0] =	vst v0  }
0xbe: {  	s28 =	simm.s32 $0x20;
	[tilespmem:$0x51B0] =	vst v0  }
0xbf: {  	v0 =	vld [tilespmem:s28+$0x10]  }
0xc0: {  	v1 =	vld [tilespmem:s28+$0x11]  }
0xc1: {  	v2 =	vld [tilespmem:s28+$0xFFFFFFF0]  }
0xc2: {  	v5 =	vld [tilespmem:s28+$0x0]  }
0xc3: {  	v6 =	vld [tilespmem:s28+$0xFFFFFFE0]  }
0xc4: {  	v7 =	vld [tilespmem:s28+$0xFFFFFFE1]  }
0xc5: {  	v8 =	vld [tilespmem:s28+$0xFFFFFFF1]  }
0xc6: {  	s8 =	simm.s32 $0x1080;
	v9 =	vld [tilespmem:s28+$0x1]  }
0xc7: {  	v10 =	vld.idx.msk [tilespmem:v0+s8+$0x0], $0xffff  }
0xc8: {  	v11 =	vld.idx.msk [tilespmem:v1+s8+$0x0], $0xffff  }
0xc9: {  	v3 =	vld.idx.msk [tilespmem:v2+s8+$0x0], $0xffff  }
0xca: {  	s30 =	simm.s32 $0x20;
	s31 =	simm.s32 $0x30;
	s10 =	simm.s32 $0x0;
	v0 =	vmul.u32 $0xFFFFFFFF, v4;
	v2 =	vld.idx.msk [tilespmem:v5+s8+$0x0], $0xffff  }
0xcb: {  	s29 =	simm.s32 $0x10;
	v13 =	vmov s30;
	v14 =	vmov s31;
	v12 =	vmov s10;
	v4 =	vld.idx.msk [tilespmem:v6+s8+$0x0], $0xffff  }
0xcc: {  	v5 =	vld.idx.msk [tilespmem:v7+s8+$0x0], $0xffff;
	v7 =	vmov s29;
	v1 =	vadd.s32 $0xFFF, v0;
	v0 =	vimm.s32 $0x1  }
0xcd: {  	v6 =	vld.idx.msk [tilespmem:v8+s8+$0x0], $0xffff;
	vm4 =	vlt.u32 v7, v1;
	vm7 =	vlt.u32 v14, v1;
	v8 =	vshll.u32 v10, $0x3  }
0xce: {  	s12 =	simm.s32 $0x0;
	s13 =	simm.s32 $0x60;
	s11 =	simm.s32 $0x5180;
	vm6 =	vlt.u32 v12, v1;
	v7 =	vld.idx.msk [tilespmem:v9+s8+$0x0], $0xffff;
	vm5 =	vlt.u32 v13, v1;
	v8 =	vadd.s32 v11, v8  }
.LBB2_5:
0xcf: {  	v9 =	vld [tilespmem:s13+$0x10];
	s12 =	sadd.s32 $0x4, s12;
	v3 =	vshll.u32 v3, $0x3  }
0xd0: {  	v2 =	vshll.u32 v2, $0x3;
	v10 =	vld [tilespmem:s13+$0x11];
	p0 =	slt.u32 s12, $0xFC  }
0xd1: {  	v4 =	vshll.u32 v4, $0x3;
	v11 =	vld [tilespmem:s13+$0xFFFFFFF0]  }
0xd2: {  	v4 =	vadd.s32 v5, v4;
	v12 =	vld [tilespmem:s13+$0x0]  }
0xd3: {  	v3 =	vadd.s32 v6, v3;
	v5 =	vld [tilespmem:s13+$0xFFFFFFE0];
	[tilespmem:v8+s11+$0x0] =	vst.idx.msk vm7, v0  }
0xd4: {  	v2 =	vadd.s32 v7, v2;
	v6 =	vld [tilespmem:s13+$0xFFFFFFE1]  }
0xd5: {  	v7 =	vld [tilespmem:s13+$0xFFFFFFF1]  }
0xd6: {  	v8 =	vld [tilespmem:s13+$0x1]  }
0xd7: {  	v9 =	vld.idx.msk [tilespmem:v9+s8+$0x0], $0xffff;
	[tilespmem:v4+s11+$0x0] =	vst.idx.msk vm6, v0  }
0xd8: {  	v10 =	vld.idx.msk [tilespmem:v10+s8+$0x0], $0xffff;
	[tilespmem:v3+s11+$0x0] =	vst.idx.msk vm4, v0  }
0xd9: {  	v3 =	vld.idx.msk [tilespmem:v11+s8+$0x0], $0xffff;
	[tilespmem:v2+s11+$0x0] =	vst.idx.msk vm5, v0  }
.Ltmp2:
0xda: {  	s10 =	sadd.s32 $0x40, s10;
	v2 =	vld.idx.msk [tilespmem:v12+s8+$0x0], $0xffff;
	(pc) =	sbr.rel @p0 .LBB2_5-.Ltmp2, $4  }
0xdb: {  	s14 =	sadd.s32 $0x10, s10;
	s15 =	sadd.s32 $0x20, s10;
	s16 =	sadd.s32 $0x30, s10;
	v11 =	vmov s10;
	v4 =	vld.idx.msk [tilespmem:v5+s8+$0x0], $0xffff  }
0xdc: {  	v13 =	vmov s15;
	v14 =	vmov s16;
	v12 =	vmov s14;
	v5 =	vld.idx.msk [tilespmem:v6+s8+$0x0], $0xffff  }
0xdd: {  	vm7 =	vlt.u32 v14, v1;
	vm4 =	vlt.u32 v12, v1;
	v9 =	vshll.u32 v9, $0x3;
	v6 =	vld.idx.msk [tilespmem:v7+s8+$0x0], $0xffff  }
0xde: {  	s13 =	sadd.s32 $0x40, s13;
	vm5 =	vlt.u32 v13, v1;
	vm6 =	vlt.u32 v11, v1;
	v7 =	vld.idx.msk [tilespmem:v8+s8+$0x0], $0xffff;
	v8 =	vadd.s32 v10, v9  }
0xdf: {  	_ = 	snop  }
0xe0: {  	v1 =	vshll.u32 v4, $0x3  }
0xe1: {  	v3 =	vshll.u32 v3, $0x3;
	v1 =	vadd.s32 v5, v1  }
0xe2: {  	v2 =	vshll.u32 v2, $0x3;
	v3 =	vadd.s32 v6, v3  }
0xe3: {  	v2 =	vadd.s32 v7, v2;
	_ =	sdelay $0x1  }
0xe4: {  	[tilespmem:v8+s11+$0x0] =	vst.idx.msk vm7, v0  }
0xe5: {  	[tilespmem:v1+s11+$0x0] =	vst.idx.msk vm6, v0  }
0xe6: {  	[tilespmem:v3+s11+$0x0] =	vst.idx.msk vm4, v0  }
0xe7: {  	[tilespmem:v2+s11+$0x0] =	vst.idx.msk vm5, v0  }
0xe8: {  	v0 =	vld [tilespmem:$0x5180]  }
0xe9: {  	v1 =	vld [tilespmem:$0x5190]  }
0xea: {  	v2 =	vld [tilespmem:$0x51A0]  }
0xeb: {  	v3 =	vld [tilespmem:$0x51B0]  }
0xec: {  	v4 =	vlaneseq.u32  }
0xed: {  	v0 =	vshll.u32 v0, v4  }
0xee: {  	(xrf0) =	vadd.scan.msk.s32 $0xffff, v0;
	v0 =	vshll.u32 v1, v4  }
0xef: {  	(xrf0) =	vadd.scan.msk.s32 $0xffff, v0;
	v0 =	vshll.u32 v2, v4  }
0xf0: {  	(xrf0) =	vadd.scan.msk.s32 $0xffff, v0;
	v0 =	vshll.u32 v3, v4  }
0xf1: {  	(xrf0) =	vadd.scan.msk.s32 $0xffff, v0;
	_ =	sdelay $0x2  }
0xf2: {  	v0, _, _ =	vpop (xrf0)  }
0xf3: {  	v1, _, _ =	vpop (xrf0);
	(v2sf) =	vpush v0, $0xF  }
0xf4: {  	v0, _, _ =	vpop (xrf0);
	(v2sf) =	vpush v1, $0xF  }
0xf5: {  	(v2sf) =	vpush v0, $0xF;
	v0, _, _ =	vpop (xrf0)  }
0xf6: {  	(v2sf) =	vpush v0, $0xF  }
0xf7: {  	v1 =	vld [tilespmem:$0xFF0]  }
0xf8: {  	v0 =	vld [tilespmem:$0x0];
	_ =	sdelay $0x5  }
0xf9: {  	s8 =	simm.s32 $0x1080  }
0xfa: {  	v1 =	vld.idx.msk [tilespmem:v1+s8+$0x0], $0xffff  }
0xfb: {  	v0 =	vld.idx.msk [tilespmem:v0+s8+$0x0], $0xffff;
	_ =	sdelay $0x1  }
0xfc: {  	s30 =	spop (v2sf)  }
0xfd: {  	s10 =	spop (v2sf)  }
0xfe: {  	s31 =	spop (v2sf)  }
0xff: {  	v1 =	vbroadcast v1, $0xF;
	v0 =	vbroadcast v0, $0x0;
	s10 =	sshll.u32 s10, $0x10;
	s12 =	spop (v2sf)  }
0x100: {  	s8 =	sor.u32 s30, s10;
	s13 =	sshll.u32 s12, $0x10  }
0x101: {  	v1 =	vnsel vm2, $0x0, v1;
	v0 =	vnsel vm1, $0x0, v0;
	v2 =	vmov s8;
	s10 =	sor.u32 s31, s13  }
0x102: {  	v0 =	vor.u32 v0, v1;
	v2 =	vnsel vm0, $0x0, v2;
	v3 =	vmov s10  }
0x103: {  	v0 =	vor.u32 v2, v0;
	v1 =	vnsel vm3, $0x0, v3  }
0x104: {  	s14 =	sshll.u32 s9, $0x4;
	s15 =	simm.s32 $0x5200;
	v0 =	vor.u32 v1, v0  }
0x105: {  	s16 =	sshll.u32 s1, $0xB;
	s17 =	simm.s32 $0x5;
	s8 =	sadd.s32 s14, s5;
	[tilespmem:$0x5200] =	vst v0  }
0x106: {  	[spmem:s8] =	stream.linear.scatter [tilespmem:s15], [sflag:$0x5], $0x10, $0x38;
	[tilespmem:$0x5A70] =	vst v63  }
0x107: {  	s19 =	simm.s32 $0x80;
	s8 =	sor.u32 s7, s16;
	_ =	swait.ge [sflag:s17], $0x10  }
0x108: {  	s20 =	simm.s32 $0x400;
	s8 =	sand.u32 $0x7040, s8;
	[sflag:s17] =	ssyncset.done $0x0  }
0x109: {  	s21 =	simm.s32 $0x3080;
	s18 =	sadd.s32 s6, s8;
	[sflag:s17] =	ssyncadd.s32 $0xFFFFFFF0  }
0x10a: {  	[tilespmem:s21], [sflag:$0x3] =	stream.strided.gather [hbm4b:s18+s19], $0x1000, s20, s19, $0x38;
	[tilespmem:$0x5A70] =	vst v63  }
0x10b: {  	s22 =	simm.s32 $0x4100;
	s23 =	simm.s32 $0x3;
	s10 =	sadd.s32 $0x10, s18  }
0x10c: {  	[tilespmem:s22], [sflag:$0x4] =	stream.strided.gather [hbm4b:s10+s19], $0x1000, s20, s19, $0x38;
	[tilespmem:$0x5A70] =	vst v63  }
0x10d: {  	_ =	swait.ge [sflag:s23], $0x1000  }
0x10e: {  	[sflag:s23] =	ssyncset.done $0x0  }
0x10f: {  	v0 =	vimm.s32 $0x0;
	[sflag:s23] =	ssyncadd.s32 $0xFFFFF000  }
0x110: {  	[tilespmem:$0x5180] =	vst v0  }
0x111: {  	[tilespmem:$0x5190] =	vst v0  }
0x112: {  	[tilespmem:$0x51A0] =	vst v0  }
0x113: {  	s24 =	simm.s32 $0x30A0;
	[tilespmem:$0x51B0] =	vst v0  }
0x114: {  	v2 =	vld [tilespmem:s24+$0x10]  }
0x115: {  	v3 =	vld [tilespmem:s24+$0x11]  }
0x116: {  	v5 =	vld [tilespmem:s24+$0xFFFFFFF0]  }
0x117: {  	v0 =	vmul.u32 $0xFFFFFFFF, v4;
	v4 =	vld [tilespmem:s24+$0x0]  }
0x118: {  	s25 =	simm.s32 $0x0;
	v6 =	vld [tilespmem:s24+$0xFFFFFFE0]  }
0x119: {  	s26 =	simm.s32 $0x30;
	s28 =	simm.s32 $0x10;
	v8 =	vmov s25;
	v7 =	vld [tilespmem:s24+$0xFFFFFFE1]  }
0x11a: {  	s29 =	simm.s32 $0x20;
	v9 =	vmov s26;
	v11 =	vmov s28;
	s30 =	simm.s32 $0x30E0;
	s10 =	simm.s32 $0x40;
	v10 =	vld [tilespmem:s24+$0xFFFFFFF1];
	v1 =	vadd.s32 $0xFFF, v0  }
0x11b: {  	v15 =	vmov s10;
	v13 =	vld [tilespmem:s30+$0x10];
	vm6 =	vlt.u32 v9, v1;
	v9 =	vmov s29  }
0x11c: {  	v12 =	vld [tilespmem:s24+$0x1];
	vm4 =	vlt.u32 v11, v1;
	vm9 =	vlt.u32 v8, v1;
	v2 =	vshll.u32 v2, $0x3  }
0x11d: {  	v8 =	vld [tilespmem:s30+$0x11];
	vm7 =	vlt.u32 v9, v1;
	v11 =	vadd.s32 v3, v2;
	v2 =	vshll.u32 v6, $0x3  }
0x11e: {  	vm5 =	vmmov vm4;
	v3 =	vshll.u32 v5, $0x3;
	v6 =	vld [tilespmem:s30+$0xFFFFFFF0];
	v14 =	vadd.s32 v7, v2  }
0x11f: {  	s13 =	simm.s32 $0x70;
	v0 =	vimm.s32 $0x1;
	vm4 =	vmmov vm7;
	v2 =	vld [tilespmem:s30+$0x0];
	v3 =	vadd.s32 v10, v3  }
0x120: {  	s31 =	simm.s32 $0x50;
	v13 =	vshll.u32 v13, $0x3;
	v5 =	vshll.u32 v4, $0x3;
	v4 =	vld [tilespmem:s30+$0xFFFFFFE0];
	v7 =	vmov s13  }
0x121: {  	s9 =	simm.s32 $0x5180;
	s14 =	simm.s32 $0x60;
	v9 =	vld [tilespmem:s30+$0xFFFFFFE1];
	v10 =	vmov s31;
	vm7 =	vlt.u32 v7, v1;
	v7 =	vadd.s32 v12, v5  }
0x122: {  	v8 =	vadd.s32 v8, v13;
	v5 =	vld [tilespmem:s30+$0xFFFFFFF1];
	vm10 =	vlt.u32 v10, v1;
	[tilespmem:v11+s9+$0x0] =	vst.idx.msk vm6, v0;
	v11 =	vmov s14  }
0x123: {  	s11 =	simm.s32 $0x4;
	s12 =	simm.s32 $0x3120;
	vm6 =	vlt.u32 v15, v1;
	v10 =	vshll.u32 v6, $0x3;
	v6 =	vld [tilespmem:s30+$0x1];
	vm8 =	vlt.u32 v11, v1;
	[tilespmem:v14+s9+$0x0] =	vst.idx.msk vm9, v0  }
.LBB2_7:
0x124: {  	v11 =	vld [tilespmem:s12+$0x10];
	s11 =	sadd.s32 $0x4, s11;
	v12 =	vshll.u32 v2, $0x3;
	[tilespmem:v3+s9+$0x0] =	vst.idx.msk vm5, v0;
	vm5 =	vmmov vm10  }
0x125: {  	s10 =	sadd.s32 $0x40, s10;
	v13 =	vld [tilespmem:s12+$0x11];
	p0 =	slt.u32 s11, $0xFC;
	v2 =	vshll.u32 v4, $0x3  }
0x126: {  	s13 =	sadd.s32 $0x10, s10;
	v14 =	vld [tilespmem:s12+$0xFFFFFFF0];
	v15 =	vadd.s32 v9, v2;
	[tilespmem:v7+s9+$0x0] =	vst.idx.msk vm4, v0;
	vm4 =	vmmov vm8  }
.Ltmp3:
0x127: {  	v16 =	vmov s10;
	s14 =	sadd.s32 $0x20, s10;
	s15 =	sadd.s32 $0x30, s10;
	v2 =	vld [tilespmem:s12+$0x0];
	v3 =	vadd.s32 v5, v10;
	[tilespmem:v8+s9+$0x0] =	vst.idx.msk vm7, v0;
	(pc) =	sbr.rel @p0 .LBB2_7-.Ltmp3, $4  }
0x128: {  	v8 =	vmov s13;
	v10 =	vmov s14;
	v5 =	vmov s15;
	v4 =	vld [tilespmem:s12+$0xFFFFFFE0]  }
0x129: {  	vm7 =	vlt.u32 v5, v1;
	v7 =	vadd.s32 v6, v12;
	v9 =	vld [tilespmem:s12+$0xFFFFFFE1];
	v11 =	vshll.u32 v11, $0x3  }
0x12a: {  	vm10 =	vlt.u32 v8, v1;
	vm8 =	vlt.u32 v10, v1;
	v5 =	vld [tilespmem:s12+$0xFFFFFFF1];
	v8 =	vadd.s32 v13, v11  }
0x12b: {  	v10 =	vshll.u32 v14, $0x3;
	v6 =	vld [tilespmem:s12+$0x1];
	s12 =	sadd.s32 $0x40, s12;
	[tilespmem:v15+s9+$0x0] =	vst.idx.msk vm6, v0;
	vm6 =	vlt.u32 v16, v1  }
0x12c: {  	_ =	sdelay $0x1  }
0x12d: {  	v1 =	vshll.u32 v4, $0x3  }
0x12e: {  	v1 =	vadd.s32 v9, v1  }
0x12f: {  	v2 =	vshll.u32 v2, $0x3;
	vm8 =	vmmov vm8;
	v4 =	vadd.s32 v5, v10  }
0x130: {  	[tilespmem:v3+s9+$0x0] =	vst.idx.msk vm5, v0;
	v2 =	vadd.s32 v6, v2  }
0x131: {  	[tilespmem:v7+s9+$0x0] =	vst.idx.msk vm4, v0  }
0x132: {  	[tilespmem:v8+s9+$0x0] =	vst.idx.msk vm7, v0  }
0x133: {  	[tilespmem:v1+s9+$0x0] =	vst.idx.msk vm6, v0  }
0x134: {  	[tilespmem:v4+s9+$0x0] =	vst.idx.msk vm10, v0  }
0x135: {  	[tilespmem:v2+s9+$0x0] =	vst.idx.msk vm8, v0  }
0x136: {  	v0 =	vld [tilespmem:$0x5180]  }
0x137: {  	v1 =	vld [tilespmem:$0x5190]  }
0x138: {  	v2 =	vld [tilespmem:$0x51A0]  }
0x139: {  	v3 =	vld [tilespmem:$0x51B0]  }
0x13a: {  	v4 =	vlaneseq.u32  }
0x13b: {  	v0 =	vshll.u32 v0, v4  }
0x13c: {  	(xrf0) =	vadd.scan.msk.s32 $0xffff, v0;
	v0 =	vshll.u32 v1, v4  }
0x13d: {  	(xrf0) =	vadd.scan.msk.s32 $0xffff, v0;
	v0 =	vshll.u32 v2, v4  }
0x13e: {  	(xrf0) =	vadd.scan.msk.s32 $0xffff, v0;
	v0 =	vshll.u32 v3, v4  }
0x13f: {  	(xrf0) =	vadd.scan.msk.s32 $0xffff, v0;
	_ =	sdelay $0x2  }
0x140: {  	v0, _, _ =	vpop (xrf0)  }
0x141: {  	v1, _, _ =	vpop (xrf0);
	(v2sf) =	vpush v0, $0xF  }
0x142: {  	v0, _, _ =	vpop (xrf0);
	(v2sf) =	vpush v1, $0xF  }
0x143: {  	(v2sf) =	vpush v0, $0xF;
	v0, _, _ =	vpop (xrf0)  }
0x144: {  	(v2sf) =	vpush v0, $0xF;
	_ =	sdelay $0x9  }
0x145: {  	v0 =	vld [tilespmem:$0x4070];
	_ =	sdelay $0x1  }
0x146: {  	v1 =	vld.msk [tilespmem:$0x3080 ss:$0x0], $0xffff;
	s14 =	spop (v2sf)  }
0x147: {  	s10 =	spop (v2sf)  }
0x148: {  	s11 =	spop (v2sf)  }
0x149: {  	v0 =	vbroadcast v0, $0xF;
	s10 =	sshll.u32 s10, $0x10;
	s12 =	spop (v2sf)  }
0x14a: {  	s9 =	sor.u32 s14, s10;
	s15 =	sshll.u32 s12, $0x10  }
0x14b: {  	v1 =	vnsel vm1, $0x0, v1;
	v0 =	vnsel vm2, $0x0, v0;
	v2 =	vmov s9;
	s10 =	sor.u32 s11, s15  }
0x14c: {  	v0 =	vor.u32 v1, v0;
	v2 =	vnsel vm0, $0x0, v2;
	v3 =	vmov s10  }
0x14d: {  	v0 =	vor.u32 v2, v0;
	v1 =	vnsel vm3, $0x0, v3  }
0x14e: {  	s7 =	sadd.s32 s7, s5;
	v0 =	vor.u32 v1, v0  }
0x14f: {  	s17 =	simm.s32 $0x5200;
	s18 =	simm.s32 $0x5;
	s16 =	sadd.s32 $0x300, s7;
	[tilespmem:$0x5200] =	vst v0  }
0x150: {  	[spmem:s16] =	stream.linear.scatter [tilespmem:s17], [sflag:$0x5], $0x10, $0x38;
	[tilespmem:$0x5A70] =	vst v63  }
0x151: {  	s6 =	sadd.s32 s8, s6;
	s19 =	simm.s32 $0x80;
	_ =	swait.ge [sflag:s18], $0x10  }
0x152: {  	s20 =	simm.s32 $0x400;
	s21 =	simm.s32 $0x3080;
	[sflag:s18] =	ssyncset.done $0x0  }
0x153: {  	s22 =	simm.s32 $0x4;
	s8 =	sadd.s32 $0x20, s6;
	[sflag:s18] =	ssyncadd.s32 $0xFFFFFFF0  }
0x154: {  	[tilespmem:s21], [sflag:$0x3] =	stream.strided.gather [hbm4b:s8+s19], $0x1000, s20, s19, $0x38;
	[tilespmem:$0x5A70] =	vst v63  }
0x155: {  	_ =	swait.ge [sflag:s22], $0x1000  }
0x156: {  	[sflag:s22] =	ssyncset.done $0x0  }
0x157: {  	v0 =	vimm.s32 $0x0;
	[sflag:s22] =	ssyncadd.s32 $0xFFFFF000  }
0x158: {  	[tilespmem:$0x5180] =	vst v0  }
0x159: {  	[tilespmem:$0x5190] =	vst v0  }
0x15a: {  	[tilespmem:$0x51A0] =	vst v0  }
0x15b: {  	s23 =	simm.s32 $0x4120;
	[tilespmem:$0x51B0] =	vst v0  }
0x15c: {  	v2 =	vld [tilespmem:s23+$0x10]  }
0x15d: {  	v3 =	vld [tilespmem:s23+$0x11]  }
0x15e: {  	v5 =	vld [tilespmem:s23+$0xFFFFFFF0]  }
0x15f: {  	v0 =	vmul.u32 $0xFFFFFFFF, v4;
	v4 =	vld [tilespmem:s23+$0x0]  }
0x160: {  	s24 =	simm.s32 $0x0;
	v6 =	vld [tilespmem:s23+$0xFFFFFFE0]  }
0x161: {  	vm9 =	vmmov vm10;
	s25 =	simm.s32 $0x30;
	s26 =	simm.s32 $0x10;
	v8 =	vmov s24;
	v7 =	vld [tilespmem:s23+$0xFFFFFFE1]  }
0x162: {  	s28 =	simm.s32 $0x20;
	s29 =	simm.s32 $0x4160;
	v11 =	vmov s26;
	v9 =	vmov s25;
	s9 =	simm.s32 $0x40;
	v10 =	vld [tilespmem:s23+$0xFFFFFFF1];
	v1 =	vadd.s32 $0xFFF, v0  }
0x163: {  	v15 =	vmov s9;
	v13 =	vld [tilespmem:s29+$0x10];
	vm6 =	vlt.u32 v9, v1;
	v9 =	vmov s28  }
0x164: {  	v12 =	vld [tilespmem:s23+$0x1];
	vm4 =	vlt.u32 v11, v1;
	vm9 =	vlt.u32 v8, v1;
	v2 =	vshll.u32 v2, $0x3  }
0x165: {  	v8 =	vld [tilespmem:s29+$0x11];
	vm7 =	vlt.u32 v9, v1;
	v11 =	vadd.s32 v3, v2;
	v2 =	vshll.u32 v6, $0x3  }
0x166: {  	vm5 =	vmmov vm4;
	v3 =	vshll.u32 v5, $0x3;
	v6 =	vld [tilespmem:s29+$0xFFFFFFF0];
	v14 =	vadd.s32 v7, v2  }
0x167: {  	s31 =	simm.s32 $0x70;
	v0 =	vimm.s32 $0x1;
	vm4 =	vmmov vm7;
	v2 =	vld [tilespmem:s29+$0x0];
	v3 =	vadd.s32 v10, v3  }
0x168: {  	s30 =	simm.s32 $0x50;
	v13 =	vshll.u32 v13, $0x3;
	v5 =	vshll.u32 v4, $0x3;
	v4 =	vld [tilespmem:s29+$0xFFFFFFE0];
	v7 =	vmov s31  }
0x169: {  	s13 =	simm.s32 $0x60;
	s8 =	simm.s32 $0x5180;
	v9 =	vld [tilespmem:s29+$0xFFFFFFE1];
	v10 =	vmov s30;
	vm7 =	vlt.u32 v7, v1;
	v7 =	vadd.s32 v12, v5  }
0x16a: {  	v8 =	vadd.s32 v8, v13;
	v5 =	vld [tilespmem:s29+$0xFFFFFFF1];
	vm10 =	vlt.u32 v10, v1;
	[tilespmem:v11+s8+$0x0] =	vst.idx.msk vm6, v0;
	v11 =	vmov s13  }
0x16b: {  	s11 =	simm.s32 $0x41A0;
	s10 =	simm.s32 $0x4;
	vm6 =	vlt.u32 v15, v1;
	v10 =	vshll.u32 v6, $0x3;
	v6 =	vld [tilespmem:s29+$0x1];
	vm8 =	vlt.u32 v11, v1;
	[tilespmem:v14+s8+$0x0] =	vst.idx.msk vm9, v0  }
.LBB2_9:
0x16c: {  	v11 =	vld [tilespmem:s11+$0x10];
	s10 =	sadd.s32 $0x4, s10;
	v12 =	vshll.u32 v2, $0x3;
	[tilespmem:v3+s8+$0x0] =	vst.idx.msk vm5, v0;
	vm5 =	vmmov vm10  }
0x16d: {  	s9 =	sadd.s32 $0x40, s9;
	v13 =	vld [tilespmem:s11+$0x11];
	p0 =	slt.u32 s10, $0xFC;
	v2 =	vshll.u32 v4, $0x3  }
0x16e: {  	s12 =	sadd.s32 $0x10, s9;
	v14 =	vld [tilespmem:s11+$0xFFFFFFF0];
	v15 =	vadd.s32 v9, v2;
	[tilespmem:v7+s8+$0x0] =	vst.idx.msk vm4, v0;
	vm4 =	vmmov vm8  }
.Ltmp4:
0x16f: {  	v16 =	vmov s9;
	s13 =	sadd.s32 $0x20, s9;
	s14 =	sadd.s32 $0x30, s9;
	v2 =	vld [tilespmem:s11+$0x0];
	v3 =	vadd.s32 v5, v10;
	[tilespmem:v8+s8+$0x0] =	vst.idx.msk vm7, v0;
	(pc) =	sbr.rel @p0 .LBB2_9-.Ltmp4, $4  }
0x170: {  	v8 =	vmov s12;
	v10 =	vmov s13;
	v5 =	vmov s14;
	v4 =	vld [tilespmem:s11+$0xFFFFFFE0]  }
0x171: {  	vm7 =	vlt.u32 v5, v1;
	v7 =	vadd.s32 v6, v12;
	v9 =	vld [tilespmem:s11+$0xFFFFFFE1];
	v11 =	vshll.u32 v11, $0x3  }
0x172: {  	vm10 =	vlt.u32 v8, v1;
	vm8 =	vlt.u32 v10, v1;
	v5 =	vld [tilespmem:s11+$0xFFFFFFF1];
	v8 =	vadd.s32 v13, v11  }
0x173: {  	v10 =	vshll.u32 v14, $0x3;
	v6 =	vld [tilespmem:s11+$0x1];
	s11 =	sadd.s32 $0x40, s11;
	[tilespmem:v15+s8+$0x0] =	vst.idx.msk vm6, v0;
	vm6 =	vlt.u32 v16, v1  }
0x174: {  	_ =	sdelay $0x1  }
0x175: {  	v1 =	vshll.u32 v4, $0x3  }
0x176: {  	v1 =	vadd.s32 v9, v1  }
0x177: {  	v2 =	vshll.u32 v2, $0x3;
	vm8 =	vmmov vm8;
	v4 =	vadd.s32 v5, v10  }
0x178: {  	[tilespmem:v3+s8+$0x0] =	vst.idx.msk vm5, v0;
	v2 =	vadd.s32 v6, v2  }
0x179: {  	[tilespmem:v7+s8+$0x0] =	vst.idx.msk vm4, v0  }
0x17a: {  	[tilespmem:v8+s8+$0x0] =	vst.idx.msk vm7, v0  }
0x17b: {  	[tilespmem:v1+s8+$0x0] =	vst.idx.msk vm6, v0  }
0x17c: {  	[tilespmem:v4+s8+$0x0] =	vst.idx.msk vm10, v0  }
0x17d: {  	[tilespmem:v2+s8+$0x0] =	vst.idx.msk vm8, v0  }
0x17e: {  	v0 =	vld [tilespmem:$0x5180]  }
0x17f: {  	v1 =	vld [tilespmem:$0x5190]  }
0x180: {  	v2 =	vld [tilespmem:$0x51A0]  }
0x181: {  	v3 =	vld [tilespmem:$0x51B0]  }
0x182: {  	v4 =	vlaneseq.u32  }
0x183: {  	v0 =	vshll.u32 v0, v4  }
0x184: {  	(xrf0) =	vadd.scan.msk.s32 $0xffff, v0;
	v0 =	vshll.u32 v1, v4  }
0x185: {  	(xrf0) =	vadd.scan.msk.s32 $0xffff, v0;
	v0 =	vshll.u32 v2, v4  }
0x186: {  	(xrf0) =	vadd.scan.msk.s32 $0xffff, v0;
	v0 =	vshll.u32 v3, v4  }
0x187: {  	(xrf0) =	vadd.scan.msk.s32 $0xffff, v0;
	_ =	sdelay $0x2  }
0x188: {  	v0, _, _ =	vpop (xrf0)  }
0x189: {  	v1, _, _ =	vpop (xrf0);
	(v2sf) =	vpush v0, $0xF  }
0x18a: {  	v0, _, _ =	vpop (xrf0);
	(v2sf) =	vpush v1, $0xF  }
0x18b: {  	(v2sf) =	vpush v0, $0xF;
	v0, _, _ =	vpop (xrf0)  }
0x18c: {  	(v2sf) =	vpush v0, $0xF;
	_ =	sdelay $0x9  }
0x18d: {  	v0 =	vld [tilespmem:$0x50F0];
	_ =	sdelay $0x1  }
0x18e: {  	v1 =	vld.msk [tilespmem:$0x4100 ss:$0x0], $0xffff;
	s14 =	spop (v2sf)  }
0x18f: {  	s9 =	spop (v2sf)  }
0x190: {  	s10 =	spop (v2sf)  }
0x191: {  	v0 =	vbroadcast v0, $0xF;
	s9 =	sshll.u32 s9, $0x10;
	s11 =	spop (v2sf)  }
0x192: {  	s8 =	sor.u32 s14, s9;
	s15 =	sshll.u32 s11, $0x10  }
0x193: {  	v1 =	vnsel vm1, $0x0, v1;
	v0 =	vnsel vm2, $0x0, v0;
	v2 =	vmov s8;
	s9 =	sor.u32 s10, s15  }
0x194: {  	v0 =	vor.u32 v1, v0;
	v2 =	vnsel vm0, $0x0, v2;
	v3 =	vmov s9  }
0x195: {  	v0 =	vor.u32 v2, v0;
	v1 =	vnsel vm3, $0x0, v3  }
0x196: {  	v0 =	vor.u32 v1, v0  }
0x197: {  	s16 =	sadd.s32 $0x310, s7;
	s17 =	simm.s32 $0x5200;
	s18 =	simm.s32 $0x5;
	[tilespmem:$0x5200] =	vst v0  }
0x198: {  	[spmem:s16] =	stream.linear.scatter [tilespmem:s17], [sflag:$0x5], $0x10, $0x38;
	[tilespmem:$0x5A70] =	vst v63  }
0x199: {  	s6 =	sadd.s32 $0x30, s6;
	_ =	swait.ge [sflag:s18], $0x10  }
0x19a: {  	s19 =	simm.s32 $0x80;
	s20 =	simm.s32 $0x400;
	[sflag:s18] =	ssyncset.done $0x0  }
0x19b: {  	s21 =	simm.s32 $0x4100;
	s22 =	simm.s32 $0x3;
	[sflag:s18] =	ssyncadd.s32 $0xFFFFFFF0  }
0x19c: {  	[tilespmem:s21], [sflag:$0x4] =	stream.strided.gather [hbm4b:s6+s19], $0x1000, s20, s19, $0x38;
	[tilespmem:$0x5A70] =	vst v63  }
0x19d: {  	_ =	swait.ge [sflag:s22], $0x1000  }
0x19e: {  	[sflag:s22] =	ssyncset.done $0x0  }
0x19f: {  	v0 =	vimm.s32 $0x0;
	[sflag:s22] =	ssyncadd.s32 $0xFFFFF000  }
0x1a0: {  	[tilespmem:$0x5180] =	vst v0  }
0x1a1: {  	[tilespmem:$0x5190] =	vst v0  }
0x1a2: {  	[tilespmem:$0x51A0] =	vst v0  }
0x1a3: {  	s23 =	simm.s32 $0x30A0;
	[tilespmem:$0x51B0] =	vst v0  }
0x1a4: {  	v2 =	vld [tilespmem:s23+$0x10]  }
0x1a5: {  	v3 =	vld [tilespmem:s23+$0x11]  }
0x1a6: {  	v5 =	vld [tilespmem:s23+$0xFFFFFFF0]  }
0x1a7: {  	v0 =	vmul.u32 $0xFFFFFFFF, v4;
	v4 =	vld [tilespmem:s23+$0x0]  }
0x1a8: {  	s24 =	simm.s32 $0x0;
	v6 =	vld [tilespmem:s23+$0xFFFFFFE0]  }
0x1a9: {  	vm9 =	vmmov vm10;
	s25 =	simm.s32 $0x30;
	s26 =	simm.s32 $0x10;
	v8 =	vmov s24;
	v7 =	vld [tilespmem:s23+$0xFFFFFFE1]  }
0x1aa: {  	s28 =	simm.s32 $0x20;
	s29 =	simm.s32 $0x30E0;
	v11 =	vmov s26;
	v9 =	vmov s25;
	s8 =	simm.s32 $0x40;
	v10 =	vld [tilespmem:s23+$0xFFFFFFF1];
	v1 =	vadd.s32 $0xFFF, v0  }
0x1ab: {  	v15 =	vmov s8;
	v13 =	vld [tilespmem:s29+$0x10];
	vm6 =	vlt.u32 v9, v1;
	v9 =	vmov s28  }
0x1ac: {  	v12 =	vld [tilespmem:s23+$0x1];
	vm4 =	vlt.u32 v11, v1;
	vm9 =	vlt.u32 v8, v1;
	v2 =	vshll.u32 v2, $0x3  }
0x1ad: {  	v8 =	vld [tilespmem:s29+$0x11];
	vm7 =	vlt.u32 v9, v1;
	v11 =	vadd.s32 v3, v2;
	v2 =	vshll.u32 v6, $0x3  }
0x1ae: {  	vm5 =	vmmov vm4;
	v3 =	vshll.u32 v5, $0x3;
	v6 =	vld [tilespmem:s29+$0xFFFFFFF0];
	v14 =	vadd.s32 v7, v2  }
0x1af: {  	s31 =	simm.s32 $0x70;
	v0 =	vimm.s32 $0x1;
	vm4 =	vmmov vm7;
	v2 =	vld [tilespmem:s29+$0x0];
	v3 =	vadd.s32 v10, v3  }
0x1b0: {  	s30 =	simm.s32 $0x50;
	v13 =	vshll.u32 v13, $0x3;
	v5 =	vshll.u32 v4, $0x3;
	v4 =	vld [tilespmem:s29+$0xFFFFFFE0];
	v7 =	vmov s31  }
0x1b1: {  	s12 =	simm.s32 $0x60;
	s6 =	simm.s32 $0x5180;
	v9 =	vld [tilespmem:s29+$0xFFFFFFE1];
	v10 =	vmov s30;
	vm7 =	vlt.u32 v7, v1;
	v7 =	vadd.s32 v12, v5  }
0x1b2: {  	v8 =	vadd.s32 v8, v13;
	v5 =	vld [tilespmem:s29+$0xFFFFFFF1];
	vm10 =	vlt.u32 v10, v1;
	[tilespmem:v11+s6+$0x0] =	vst.idx.msk vm6, v0;
	v11 =	vmov s12  }
0x1b3: {  	s10 =	simm.s32 $0x3120;
	s9 =	simm.s32 $0x4;
	vm6 =	vlt.u32 v15, v1;
	v10 =	vshll.u32 v6, $0x3;
	v6 =	vld [tilespmem:s29+$0x1];
	vm8 =	vlt.u32 v11, v1;
	[tilespmem:v14+s6+$0x0] =	vst.idx.msk vm9, v0  }
.LBB2_11:
0x1b4: {  	v11 =	vld [tilespmem:s10+$0x10];
	s9 =	sadd.s32 $0x4, s9;
	v12 =	vshll.u32 v2, $0x3;
	[tilespmem:v3+s6+$0x0] =	vst.idx.msk vm5, v0;
	vm5 =	vmmov vm10  }
0x1b5: {  	s8 =	sadd.s32 $0x40, s8;
	v13 =	vld [tilespmem:s10+$0x11];
	p0 =	slt.u32 s9, $0xFC;
	v2 =	vshll.u32 v4, $0x3  }
0x1b6: {  	s11 =	sadd.s32 $0x10, s8;
	v14 =	vld [tilespmem:s10+$0xFFFFFFF0];
	v15 =	vadd.s32 v9, v2;
	[tilespmem:v7+s6+$0x0] =	vst.idx.msk vm4, v0;
	vm4 =	vmmov vm8  }
.Ltmp5:
0x1b7: {  	v16 =	vmov s8;
	s12 =	sadd.s32 $0x20, s8;
	s13 =	sadd.s32 $0x30, s8;
	v2 =	vld [tilespmem:s10+$0x0];
	v3 =	vadd.s32 v5, v10;
	[tilespmem:v8+s6+$0x0] =	vst.idx.msk vm7, v0;
	(pc) =	sbr.rel @p0 .LBB2_11-.Ltmp5, $4  }
0x1b8: {  	v8 =	vmov s11;
	v10 =	vmov s12;
	v5 =	vmov s13;
	v4 =	vld [tilespmem:s10+$0xFFFFFFE0]  }
0x1b9: {  	vm7 =	vlt.u32 v5, v1;
	v7 =	vadd.s32 v6, v12;
	v9 =	vld [tilespmem:s10+$0xFFFFFFE1];
	v11 =	vshll.u32 v11, $0x3  }
0x1ba: {  	vm10 =	vlt.u32 v8, v1;
	vm8 =	vlt.u32 v10, v1;
	v5 =	vld [tilespmem:s10+$0xFFFFFFF1];
	v8 =	vadd.s32 v13, v11  }
0x1bb: {  	v10 =	vshll.u32 v14, $0x3;
	v6 =	vld [tilespmem:s10+$0x1];
	s10 =	sadd.s32 $0x40, s10;
	[tilespmem:v15+s6+$0x0] =	vst.idx.msk vm6, v0;
	vm6 =	vlt.u32 v16, v1  }
0x1bc: {  	_ =	sdelay $0x1  }
0x1bd: {  	v1 =	vshll.u32 v4, $0x3  }
0x1be: {  	v1 =	vadd.s32 v9, v1  }
0x1bf: {  	v2 =	vshll.u32 v2, $0x3;
	vm8 =	vmmov vm8;
	v4 =	vadd.s32 v5, v10  }
0x1c0: {  	[tilespmem:v3+s6+$0x0] =	vst.idx.msk vm5, v0;
	v2 =	vadd.s32 v6, v2  }
0x1c1: {  	[tilespmem:v7+s6+$0x0] =	vst.idx.msk vm4, v0  }
0x1c2: {  	[tilespmem:v8+s6+$0x0] =	vst.idx.msk vm7, v0  }
0x1c3: {  	[tilespmem:v1+s6+$0x0] =	vst.idx.msk vm6, v0  }
0x1c4: {  	[tilespmem:v4+s6+$0x0] =	vst.idx.msk vm10, v0  }
0x1c5: {  	[tilespmem:v2+s6+$0x0] =	vst.idx.msk vm8, v0  }
0x1c6: {  	v0 =	vld [tilespmem:$0x5180]  }
0x1c7: {  	v1 =	vld [tilespmem:$0x5190]  }
0x1c8: {  	v2 =	vld [tilespmem:$0x51A0]  }
0x1c9: {  	v3 =	vld [tilespmem:$0x51B0]  }
0x1ca: {  	v4 =	vlaneseq.u32  }
0x1cb: {  	v0 =	vshll.u32 v0, v4  }
0x1cc: {  	(xrf0) =	vadd.scan.msk.s32 $0xffff, v0;
	v0 =	vshll.u32 v1, v4  }
0x1cd: {  	(xrf0) =	vadd.scan.msk.s32 $0xffff, v0;
	v0 =	vshll.u32 v2, v4  }
0x1ce: {  	(xrf0) =	vadd.scan.msk.s32 $0xffff, v0;
	v0 =	vshll.u32 v3, v4  }
0x1cf: {  	(xrf0) =	vadd.scan.msk.s32 $0xffff, v0;
	_ =	sdelay $0x2  }
0x1d0: {  	v0, _, _ =	vpop (xrf0)  }
0x1d1: {  	v1, _, _ =	vpop (xrf0);
	(v2sf) =	vpush v0, $0xF  }
0x1d2: {  	v0, _, _ =	vpop (xrf0);
	(v2sf) =	vpush v1, $0xF  }
0x1d3: {  	(v2sf) =	vpush v0, $0xF;
	v0, _, _ =	vpop (xrf0)  }
0x1d4: {  	(v2sf) =	vpush v0, $0xF;
	_ =	sdelay $0x9  }
0x1d5: {  	v0 =	vld [tilespmem:$0x4070];
	_ =	sdelay $0x1  }
0x1d6: {  	v1 =	vld.msk [tilespmem:$0x3080 ss:$0x0], $0xffff;
	s18 =	spop (v2sf)  }
0x1d7: {  	s8 =	spop (v2sf)  }
0x1d8: {  	s9 =	spop (v2sf)  }
0x1d9: {  	v0 =	vbroadcast v0, $0xF;
	s8 =	sshll.u32 s8, $0x10;
	s10 =	spop (v2sf)  }
0x1da: {  	s6 =	sor.u32 s18, s8;
	s19 =	sshll.u32 s10, $0x10  }
0x1db: {  	v1 =	vnsel vm1, $0x0, v1;
	v0 =	vnsel vm2, $0x0, v0;
	v2 =	vmov s6;
	s8 =	sor.u32 s9, s19  }
0x1dc: {  	v0 =	vor.u32 v1, v0;
	v2 =	vnsel vm0, $0x0, v2;
	v3 =	vmov s8  }
0x1dd: {  	v0 =	vor.u32 v2, v0;
	v1 =	vnsel vm3, $0x0, v3  }
0x1de: {  	v0 =	vor.u32 v1, v0  }
0x1df: {  	s20 =	sadd.s32 $0x320, s7;
	s21 =	simm.s32 $0x5200;
	s22 =	simm.s32 $0x5;
	[tilespmem:$0x5200] =	vst v0  }
0x1e0: {  	[spmem:s20] =	stream.linear.scatter [tilespmem:s21], [sflag:$0x5], $0x10, $0x38;
	[tilespmem:$0x5A70] =	vst v63  }
0x1e1: {  	_ =	swait.ge [sflag:s22], $0x10  }
0x1e2: {  	[sflag:s22] =	ssyncset.done $0x0  }
0x1e3: {  	s23 =	simm.s32 $0x4;
	[sflag:s22] =	ssyncadd.s32 $0xFFFFFFF0  }
0x1e4: {  	_ =	swait.ge [sflag:s23], $0x1000  }
0x1e5: {  	[sflag:s23] =	ssyncset.done $0x0  }
0x1e6: {  	v0 =	vimm.s32 $0x0;
	[sflag:s23] =	ssyncadd.s32 $0xFFFFF000  }
0x1e7: {  	[tilespmem:$0x5180] =	vst v0  }
0x1e8: {  	[tilespmem:$0x5190] =	vst v0  }
0x1e9: {  	[tilespmem:$0x51A0] =	vst v0  }
0x1ea: {  	s24 =	simm.s32 $0x4120;
	[tilespmem:$0x51B0] =	vst v0  }
0x1eb: {  	v2 =	vld [tilespmem:s24+$0x10]  }
0x1ec: {  	v3 =	vld [tilespmem:s24+$0x11]  }
0x1ed: {  	v5 =	vld [tilespmem:s24+$0xFFFFFFF0]  }
0x1ee: {  	v0 =	vmul.u32 $0xFFFFFFFF, v4;
	v4 =	vld [tilespmem:s24+$0x0]  }
0x1ef: {  	s25 =	simm.s32 $0x0;
	v6 =	vld [tilespmem:s24+$0xFFFFFFE0]  }
0x1f0: {  	vm9 =	vmmov vm10;
	s26 =	simm.s32 $0x30;
	s28 =	simm.s32 $0x10;
	v8 =	vmov s25;
	v7 =	vld [tilespmem:s24+$0xFFFFFFE1]  }
0x1f1: {  	s29 =	simm.s32 $0x20;
	s30 =	simm.s32 $0x4160;
	v11 =	vmov s28;
	v9 =	vmov s26;
	s8 =	simm.s32 $0x40;
	v10 =	vld [tilespmem:s24+$0xFFFFFFF1];
	v1 =	vadd.s32 $0xFFF, v0  }
0x1f2: {  	v15 =	vmov s8;
	v13 =	vld [tilespmem:s30+$0x10];
	vm6 =	vlt.u32 v9, v1;
	v9 =	vmov s29  }
0x1f3: {  	v12 =	vld [tilespmem:s24+$0x1];
	vm4 =	vlt.u32 v11, v1;
	vm9 =	vlt.u32 v8, v1;
	v2 =	vshll.u32 v2, $0x3  }
0x1f4: {  	v8 =	vld [tilespmem:s30+$0x11];
	vm7 =	vlt.u32 v9, v1;
	v11 =	vadd.s32 v3, v2;
	v2 =	vshll.u32 v6, $0x3  }
0x1f5: {  	vm5 =	vmmov vm4;
	v3 =	vshll.u32 v5, $0x3;
	v6 =	vld [tilespmem:s30+$0xFFFFFFF0];
	v14 =	vadd.s32 v7, v2  }
0x1f6: {  	s11 =	simm.s32 $0x70;
	v0 =	vimm.s32 $0x1;
	vm4 =	vmmov vm7;
	v2 =	vld [tilespmem:s30+$0x0];
	v3 =	vadd.s32 v10, v3  }
0x1f7: {  	s31 =	simm.s32 $0x50;
	v13 =	vshll.u32 v13, $0x3;
	v5 =	vshll.u32 v4, $0x3;
	v4 =	vld [tilespmem:s30+$0xFFFFFFE0];
	v7 =	vmov s11  }
0x1f8: {  	s12 =	simm.s32 $0x60;
	s6 =	simm.s32 $0x5180;
	v9 =	vld [tilespmem:s30+$0xFFFFFFE1];
	v10 =	vmov s31;
	vm7 =	vlt.u32 v7, v1;
	v7 =	vadd.s32 v12, v5  }
0x1f9: {  	v8 =	vadd.s32 v8, v13;
	v5 =	vld [tilespmem:s30+$0xFFFFFFF1];
	vm10 =	vlt.u32 v10, v1;
	[tilespmem:v11+s6+$0x0] =	vst.idx.msk vm6, v0;
	v11 =	vmov s12  }
0x1fa: {  	s10 =	simm.s32 $0x41A0;
	s9 =	simm.s32 $0x4;
	vm6 =	vlt.u32 v15, v1;
	v10 =	vshll.u32 v6, $0x3;
	v6 =	vld [tilespmem:s30+$0x1];
	vm8 =	vlt.u32 v11, v1;
	[tilespmem:v14+s6+$0x0] =	vst.idx.msk vm9, v0  }
.LBB2_13:
0x1fb: {  	v11 =	vld [tilespmem:s10+$0x10];
	s9 =	sadd.s32 $0x4, s9;
	v12 =	vshll.u32 v2, $0x3;
	[tilespmem:v3+s6+$0x0] =	vst.idx.msk vm5, v0;
	vm5 =	vmmov vm10  }
0x1fc: {  	s8 =	sadd.s32 $0x40, s8;
	v13 =	vld [tilespmem:s10+$0x11];
	p0 =	slt.u32 s9, $0xFC;
	v2 =	vshll.u32 v4, $0x3  }
0x1fd: {  	s11 =	sadd.s32 $0x10, s8;
	v14 =	vld [tilespmem:s10+$0xFFFFFFF0];
	v15 =	vadd.s32 v9, v2;
	[tilespmem:v7+s6+$0x0] =	vst.idx.msk vm4, v0;
	vm4 =	vmmov vm8  }
.Ltmp6:
0x1fe: {  	v16 =	vmov s8;
	s12 =	sadd.s32 $0x20, s8;
	s13 =	sadd.s32 $0x30, s8;
	v2 =	vld [tilespmem:s10+$0x0];
	v3 =	vadd.s32 v5, v10;
	[tilespmem:v8+s6+$0x0] =	vst.idx.msk vm7, v0;
	(pc) =	sbr.rel @p0 .LBB2_13-.Ltmp6, $4  }
0x1ff: {  	v8 =	vmov s11;
	v10 =	vmov s12;
	v5 =	vmov s13;
	v4 =	vld [tilespmem:s10+$0xFFFFFFE0]  }
0x200: {  	vm7 =	vlt.u32 v5, v1;
	v7 =	vadd.s32 v6, v12;
	v9 =	vld [tilespmem:s10+$0xFFFFFFE1];
	v11 =	vshll.u32 v11, $0x3  }
0x201: {  	vm10 =	vlt.u32 v8, v1;
	vm8 =	vlt.u32 v10, v1;
	v5 =	vld [tilespmem:s10+$0xFFFFFFF1];
	v8 =	vadd.s32 v13, v11  }
0x202: {  	v10 =	vshll.u32 v14, $0x3;
	v6 =	vld [tilespmem:s10+$0x1];
	s10 =	sadd.s32 $0x40, s10;
	[tilespmem:v15+s6+$0x0] =	vst.idx.msk vm6, v0;
	vm6 =	vlt.u32 v16, v1  }
0x203: {  	_ =	sdelay $0x1  }
0x204: {  	v1 =	vshll.u32 v4, $0x3  }
0x205: {  	v1 =	vadd.s32 v9, v1  }
0x206: {  	v2 =	vshll.u32 v2, $0x3;
	vm8 =	vmmov vm8;
	v4 =	vadd.s32 v5, v10  }
0x207: {  	[tilespmem:v3+s6+$0x0] =	vst.idx.msk vm5, v0;
	v2 =	vadd.s32 v6, v2  }
0x208: {  	[tilespmem:v7+s6+$0x0] =	vst.idx.msk vm4, v0  }
0x209: {  	[tilespmem:v8+s6+$0x0] =	vst.idx.msk vm7, v0  }
0x20a: {  	[tilespmem:v1+s6+$0x0] =	vst.idx.msk vm6, v0  }
0x20b: {  	[tilespmem:v4+s6+$0x0] =	vst.idx.msk vm10, v0  }
0x20c: {  	[tilespmem:v2+s6+$0x0] =	vst.idx.msk vm8, v0  }
0x20d: {  	v0 =	vld [tilespmem:$0x5180]  }
0x20e: {  	v1 =	vld [tilespmem:$0x5190]  }
0x20f: {  	v2 =	vld [tilespmem:$0x51A0]  }
0x210: {  	v3 =	vld [tilespmem:$0x51B0]  }
0x211: {  	v4 =	vlaneseq.u32  }
0x212: {  	v0 =	vshll.u32 v0, v4  }
0x213: {  	(xrf0) =	vadd.scan.msk.s32 $0xffff, v0;
	v0 =	vshll.u32 v1, v4  }
0x214: {  	(xrf0) =	vadd.scan.msk.s32 $0xffff, v0;
	v0 =	vshll.u32 v2, v4  }
0x215: {  	(xrf0) =	vadd.scan.msk.s32 $0xffff, v0;
	v0 =	vshll.u32 v3, v4  }
0x216: {  	(xrf0) =	vadd.scan.msk.s32 $0xffff, v0;
	_ =	sdelay $0x2  }
0x217: {  	v0, _, _ =	vpop (xrf0)  }
0x218: {  	v1, _, _ =	vpop (xrf0);
	(v2sf) =	vpush v0, $0xF  }
0x219: {  	v0, _, _ =	vpop (xrf0);
	(v2sf) =	vpush v1, $0xF  }
0x21a: {  	(v2sf) =	vpush v0, $0xF;
	v0, _, _ =	vpop (xrf0)  }
0x21b: {  	(v2sf) =	vpush v0, $0xF;
	_ =	sdelay $0x9  }
0x21c: {  	v0 =	vld [tilespmem:$0x50F0];
	_ =	sdelay $0x1  }
0x21d: {  	v1 =	vld.msk [tilespmem:$0x4100 ss:$0x0], $0xffff;
	s14 =	spop (v2sf)  }
0x21e: {  	s8 =	spop (v2sf)  }
0x21f: {  	s9 =	spop (v2sf)  }
0x220: {  	v0 =	vbroadcast v0, $0xF;
	s8 =	sshll.u32 s8, $0x10;
	s10 =	spop (v2sf)  }
0x221: {  	s6 =	sor.u32 s14, s8;
	s15 =	sshll.u32 s10, $0x10  }
0x222: {  	v1 =	vnsel vm1, $0x0, v1;
	v0 =	vnsel vm2, $0x0, v0;
	v2 =	vmov s6;
	s8 =	sor.u32 s9, s15  }
0x223: {  	v0 =	vor.u32 v1, v0;
	v2 =	vnsel vm0, $0x0, v2;
	v3 =	vmov s8  }
0x224: {  	v0 =	vor.u32 v2, v0;
	v1 =	vnsel vm3, $0x0, v3  }
0x225: {  	v0 =	vor.u32 v1, v0  }
0x226: {  	s16 =	sadd.s32 $0x330, s7;
	s17 =	simm.s32 $0x5200;
	s6 =	simm.s32 $0x5;
	[tilespmem:$0x5200] =	vst v0  }
0x227: {  	[spmem:s16] =	stream.linear.scatter [tilespmem:s17], [sflag:$0x5], $0x10, $0x38;
	[tilespmem:$0x5A70] =	vst v63  }
0x228: {  	_ =	swait.ge [sflag:s6], $0x10  }
0x229: {  	[sflag:s6] =	ssyncset.done $0x0  }
0x22a: {  	[sflag:s6] =	ssyncadd.s32 $0xFFFFFFF0  }
0x22b: {  	s7 =	simm.s32 $0x5370;
	[bflag:$0x0] =	sbarrier.arrive $0xFFFF  }
0x22c: {  	[tilespmem:s7], [sflag:$0x5] =	stream.linear.gather [spmem:s5], $0x700, $0x38;
	[tilespmem:$0x5A70] =	vst v63  }
0x22d: {  	s18 =	smul.u32 $0xC0, s1;
	_ =	swait.ge [sflag:s6], $0x700  }
0x22e: {  	[sflag:s6] =	ssyncset.done $0x0  }
0x22f: {  	s5 =	sshrl.u32 s18, $0x2;
	[sflag:s6] =	ssyncadd.s32 $0xFFFFF900  }
0x230: {  	v0 =	vld [tilespmem:s5+$0x5370]  }
0x231: {  	v1 =	vld [tilespmem:s5+$0x5380]  }
0x232: {  	v2 =	vld [tilespmem:s5+$0x5390];
	_ =	sdelay $0x2  }
0x233: {  	(v2sf) =	vpush v0, $0x0  }
0x234: {  	(v2sf) =	vpush v1, $0x0  }
0x235: {  	(v2sf) =	vpush v2, $0x0  }
0x236: {  	(v2sf) =	vpush v0, $0x1  }
0x237: {  	(v2sf) =	vpush v1, $0x1  }
0x238: {  	(v2sf) =	vpush v2, $0x1  }
0x239: {  	(v2sf) =	vpush v0, $0x3  }
0x23a: {  	(v2sf) =	vpush v1, $0x2;
	_ =	sdelay $0x1  }
0x23b: {  	(v2sf) =	vpush v1, $0x3  }
0x23c: {  	(v2sf) =	vpush v2, $0x2;
	_ =	sdelay $0x4  }
0x23d: {  	s19 =	spop (v2sf)  }
0x23e: {  	s20 =	spop (v2sf)  }
0x23f: {  	s21 =	spop (v2sf)  }
0x240: {  	s22 =	spop (v2sf)  }
0x241: {  	s11 =	spop (v2sf)  }
0x242: {  	s24 =	simm.s32 $0x30;
	(v2sf) =	vpush v2, $0x3;
	s12 =	spop (v2sf)  }
0x243: {  	s26 =	simm.s32 $0x1;
	s5 =	sor.u32 s19, s20;
	s13 =	spop (v2sf)  }
0x244: {  	s10 =	sor.u32 s22, s11;
	s14 =	spop (v2sf);
	s13 =	sshll.u32 s13, $0x3  }
0x245: {  	v0 =	vmul.u32 $0x10, v4;
	v1 =	vmov s24;
	s5 =	sor.u32 s21, s5;
	s10 =	sor.u32 s12, s10;
	s23 =	sadd.s32 s14, s13  }
0x246: {  	v1 =	vshll.u32 v1, $0x4;
	s25 =	spop (v2sf);
	p0 =	slt.s32 s23, $0x1F;
	s13 =	smov.u32 s23  }
0x247: {  	v1 =	vor.u32 v0, v1;
	s28 =	spop (v2sf);
	s9 =	sshll.u32 s25, $0x3;
	s13 =	simm.s32 @!p0 $0x1F  }
0x248: {  	v2 =	vor.u32 $0x1, v1;
	p0 =	slt.s32 s23, $0x20;
	s9 =	sadd.s32 s28, s9;
	s12 =	sshll.u32 s26, s13  }
0x249: {  	p1 =	slt.s32 s9, $0x20;
	p4 =	slt.s32 s9, $0x1F;
	s12 =	simm.s32 @!p0 $0x0  }
0x24a: {  	v3 =	vor.u32 $0x2, v1;
	s8 =	smov.u32 s9;
	s5 =	sor.u32 s12, s5;
	s12 =	sadd.s32 $0xFFFFFFE0, s23  }
0x24b: {  	p2 =	sgt.s32 s9, $0x1F;
	s9 =	sadd.s32 $0xFFFFFFE0, s9;
	p3 =	sgt.s32 s12, $0x0  }
0x24c: {  	v5 =	vld.idx.msk [tilespmem:v1+s7+$0x0], $0xffff;
	p0 =	sgt.s32 s23, $0x1F;
	s12 =	simm.s32 @!p3 $0x0;
	p3 =	sgt.s32 s9, $0x0  }
0x24d: {  	v6 =	vld.idx.msk [tilespmem:v2+s7+$0x0], $0xffff;
	s8 =	simm.s32 @!p4 $0x1F;
	s9 =	simm.s32 @!p3 $0x0;
	s12 =	sshll.u32 s26, s12  }
0x24e: {  	s8 =	sshll.u32 s26, s8;
	s12 =	simm.s32 @!p0 $0x0;
	s9 =	sshll.u32 s26, s9  }
0x24f: {  	v7 =	vld.idx.msk [tilespmem:v3+s7+$0x0], $0xffff;
	s8 =	simm.s32 @!p1 $0x0;
	s10 =	sor.u32 s12, s10;
	s9 =	simm.s32 @!p2 $0x0  }
0x250: {  	s5 =	sor.u32 s8, s5;
	s29 =	sor.u32 s9, s10  }
0x251: {  	v8 =	vpcnt v5;
	s30 =	spop (v2sf);
	v3 =	vmov s5;
	v2 =	vmov s29  }
0x252: {  	v61 =	vpcnt v6;
	s5 =	sshll.u32 s30, $0x3;
	v1 =	vpcnt v3;
	v4 =	vpcnt v2  }
0x253: {  	v8 =	vadd.s32 v8, v61;
	v1 =	vadd.s32 v1, v4;
	v4 =	vmov s5  }
0x254: {  	v8 =	vcvt.s32.f32 v8;
	v1 =	vcvt.s32.f32 v1;
	v7 =	vadd.s32 v4, v7  }
0x255: {  	v5 =	vor.u32 v3, v5;
	v6 =	vor.u32 v2, v6;
	v62 =	vadd.s32 $0xFFFFFFE0, v7  }
0x256: {  	vm13 =	vlt.s32 v7, $0x1F;
	vm14 =	vgt.s32 v62, $0x0;
	v11 =	vmax.f32 v1, v8  }
0x257: {  	v63 =	vnsel vm13, $0x1F, v7;
	v9 =	vnsel vm14, $0x0, v62;
	(erf) = vrcp.f32 v11  }
0x258: {  	vm15 =	vlt.s32 v7, $0x20;
	v7 =	vshrl.u32 v5, v63;
	v9 =	vshrl.u32 v6, v9  }
0x259: {  	v5 =	vpcnt v5;
	v6 =	vpcnt v6;
	v7 =	vsel vm15, v7, v9  }
0x25a: {  	v5 =	vadd.s32 v6, v5;
	v7 =	vand.u32 $0x1, v7  }
0x25b: {  	v5 =	vsub.s32 v5, v7  }
0x25c: {  	v5 =	vadd.s32 $0x1, v5  }
0x25d: {  	v6 =	vmin.f32 v1, v8;
	v5 =	vcvt.s32.f32 v5;
	_ =	sdelay $0x1  }
0x25e: {  	v5 =	vsub.f32 v5, v6  }
0x25f: {  	s3 =	sshll.u32 s3, $0xA;
	v6 =	vpop (erf)  }
0x260: {  	s31 =	simm.s32 $0x40;
	s3 =	sor.u32 s4, s3;
	v5 =	vmul.f32 v5, v6  }
0x261: {  	s3 =	sshrl.u32 s3, $0x3;
	v6 =	vmov s31  }
0x262: {  	s4 =	sadd.s32 s3, s2;
	s2 =	simm.s32 $0x0;
	s3 =	simm.s32 $0x5280;
	[tilespmem:$0x5280] =	vst v5;
	v5 =	vshll.u32 v6, $0x4  }
0x263: {  	[hbm4b:s4+s2] =	stream.linear.scatter [tilespmem:s3], [sflag:$0x5], $0x10, $0x38;
	v5 =	vor.u32 v0, v5;
	[tilespmem:$0x5A70] =	vst v63  }
0x264: {  	_ =	swait.ge [sflag:s6], $0x10;
	v7 =	vor.u32 $0x1, v5  }
0x265: {  	vm9 =	vmmov vm10;
	s8 =	simm.s32 $0x50;
	v6 =	vor.u32 $0x2, v5;
	[sflag:s6] =	ssyncset.done $0x0  }
.LBB2_15:
0x266: {  	[sflag:s6] =	ssyncadd.s32 $0xFFFFFFF0  }
0x267: {  	s4 =	sadd.s32 $0x2, s4;
	s9 =	smov.u32 s8;
	s5 =	sadd.s32 $0x10, s8  }
0x268: {  	p0 =	sne.s32 s8, $0x60;
	v5 =	vld.idx.msk [tilespmem:v5+s7+$0x0], $0xffff  }
0x269: {  	v7 =	vld.idx.msk [tilespmem:v7+s7+$0x0], $0xffff;
	_ =	sdelay $0x1  }
0x26a: {  	v6 =	vld.idx.msk [tilespmem:v6+s7+$0x0], $0xffff;
	_ =	sdelay $0x3  }
0x26b: {  	v8 =	vpcnt v5;
	v9 =	vpcnt v7  }
0x26c: {  	v8 =	vadd.s32 v8, v9  }
0x26d: {  	v6 =	vadd.s32 v4, v6;
	v8 =	vcvt.s32.f32 v8  }
0x26e: {  	v5 =	vor.u32 v3, v5;
	vm0 =	vlt.s32 v6, $0x1F;
	v9 =	vadd.s32 $0xFFFFFFE0, v6  }
0x26f: {  	v10 =	vnsel vm0, $0x1F, v6;
	vm0 =	vgt.s32 v9, $0x0;
	v11 =	vmax.f32 v1, v8  }
0x270: {  	v7 =	vor.u32 v2, v7;
	v9 =	vnsel vm0, $0x0, v9;
	(erf) = vrcp.f32 v11  }
0x271: {  	vm0 =	vlt.s32 v6, $0x20;
	v6 =	vshrl.u32 v5, v10;
	v9 =	vshrl.u32 v7, v9  }
0x272: {  	v5 =	vpcnt v5;
	v7 =	vpcnt v7;
	v6 =	vsel vm0, v6, v9  }
0x273: {  	v5 =	vadd.s32 v7, v5;
	v6 =	vand.u32 $0x1, v6  }
0x274: {  	v5 =	vsub.s32 v5, v6  }
0x275: {  	v5 =	vadd.s32 $0x1, v5  }
0x276: {  	v5 =	vcvt.s32.f32 v5  }
0x277: {  	v7 =	vmin.f32 v1, v8  }
0x278: {  	v5 =	vsub.f32 v5, v7  }
0x279: {  	v6 =	vpop (erf)  }
0x27a: {  	v7 =	vmov s9;
	v6 =	vmul.f32 v5, v6  }
.Ltmp7:
0x27b: {  	v5 =	vshll.u32 v7, $0x4;
	(pc) =	sbr.rel @p0 .LBB2_15-.Ltmp7, $4  }
0x27c: {  	v5 =	vor.u32 v0, v5;
	[tilespmem:$0x5280] =	vst v6  }
0x27d: {  	v7 =	vor.u32 $0x1, v5;
	v6 =	vor.u32 $0x2, v5;
	[hbm4b:s4+s2] =	stream.linear.scatter [tilespmem:s3], [sflag:$0x5], $0x10, $0x38;
	[tilespmem:$0x5A70] =	vst v63  }
0x27e: {  	_ =	swait.ge [sflag:s6], $0x10  }
0x27f: {  	s8 =	smov.u32 s5;
	[sflag:s6] =	ssyncset.done $0x0  }
0x280: {  	_ =	sdelay $0x2  }
0x281: {  	[sflag:s6] =	ssyncadd.s32 $0xFFFFFFF0  }
0x282: {  	v0 =	vld.idx.msk [tilespmem:v5+s7+$0x0], $0xffff  }
0x283: {  	v55 =	vld.idx.msk [tilespmem:v7+s7+$0x0], $0xffff;
	_ =	sdelay $0x1  }
0x284: {  	v6 =	vld.idx.msk [tilespmem:v6+s7+$0x0], $0xffff;
	_ =	sdelay $0x2  }
0x285: {  	v56 =	vpcnt v0;
	v8 =	vpcnt v55  }
0x286: {  	v7 =	vadd.s32 v56, v8  }
0x287: {  	v4 =	vadd.s32 v4, v6;
	v57 =	vcvt.s32.f32 v7  }
0x288: {  	v0 =	vor.u32 v3, v0;
	v2 =	vor.u32 v2, v55;
	v58 =	vadd.s32 $0xFFFFFFE0, v4  }
0x289: {  	vm0 =	vlt.s32 v4, $0x1F;
	vm14 =	vgt.s32 v58, $0x0;
	v60 =	vmax.f32 v1, v57  }
0x28a: {  	v59 =	vnsel vm0, $0x1F, v4;
	v3 =	vnsel vm14, $0x0, v58;
	(erf) = vrcp.f32 v60  }
0x28b: {  	vm15 =	vlt.s32 v4, $0x20;
	v61 =	vshrl.u32 v0, v59;
	v3 =	vshrl.u32 v2, v3  }
0x28c: {  	v0 =	vpcnt v0;
	v2 =	vpcnt v2;
	v3 =	vsel vm15, v61, v3  }
0x28d: {  	v0 =	vadd.s32 v2, v0;
	v3 =	vand.u32 $0x1, v3  }
0x28e: {  	v0 =	vsub.s32 v0, v3  }
0x28f: {  	v0 =	vadd.s32 $0x1, v0  }
0x290: {  	v0 =	vcvt.s32.f32 v0  }
0x291: {  	v62 =	vmin.f32 v1, v57  }
0x292: {  	v0 =	vsub.f32 v0, v62  }
0x293: {  	v63 =	vpop (erf)  }
0x294: {  	v0 =	vmul.f32 v0, v63;
	_ =	sdelay $0x1  }
0x295: {  	s4 =	sadd.s32 $0x2, s4;
	[tilespmem:$0x5280] =	vst v0  }
0x296: {  	[hbm4b:s4+s2] =	stream.linear.scatter [tilespmem:s3], [sflag:$0x5], $0x10, $0x38;
	[tilespmem:$0x5A70] =	vst v63  }
0x297: {  	_ =	swait.ge [sflag:s6], $0x10  }
0x298: {  	[sflag:s6] =	ssyncset.done $0x0  }
0x299: {  	[sflag:s6] =	ssyncadd.s32 $0xFFFFFFF0  }
0x29a: {  	_ =	sfence.sel $0x180000  }
0x29b: {  	[bflag:$0x0] =	sbarrier.arrive $0xFFFF  }
0x29c: {  	p0 =	sne.s32 s1, $0x0;
	_ =	strace $0x90000047  }
0x29d: {  	s0 =	sadd.s32 @!p0 $0x100000, s0;
	[bflag:$0x2] =	sbarrier.arrive $0xFFFF  }
0x29e: {  	[sflag:s0] =	ssyncadd.tile.s32 @!p0 $0x1;
	_ =	shalt  }
.Lfunc_end2:
_tile_overlayer_lowered:
.L_overlay_start_2:
0x29f: {  	(tag) =	ssettag $0x2  }
0x2a0: {  	s0 =	rddreg [dreg:$0x0];
	s2 =	stileid.u32  }
0x2a1: {  	s1 =	rddreg [dreg:$0x1];
	p0 =	sne.s32 s2, $0x0  }
0x2a2: {  	s3 =	rddreg [dreg:$0x2];
	[bflag:$0x3] =	sbarrier.arrive $0xFFFF;
	s2 =	simm.s32 @!p0 $0x1C05  }
0x2a3: {  	[timem:s3], [sflag:s2] =	dma.local @!p0 [hbm:s0], s1  }
0x2a4: {  	s0 =	simm.s32 @!p0 $0x5  }
0x2a5: {  	_ =	swait.ge @!p0 [sflag:s0], s1  }
0x2a6: {  	s1 =	ssub.s32 @!p0 $0x0, s1;
	[sflag:s0] =	ssyncset.done @!p0 $0x0  }
0x2a7: {  	[sflag:s0] =	ssyncadd.s32 @!p0 s1  }
0x2a8: {  	[bflag:$0x3] =	sbarrier.arrive $0xFFFF  }
0x2a9: {  	_ =	shalt  }

</sc_bundles>
